<compile_context>
chip_gen: v7x
topology: tpu7x:2x2x1
jax: 0.10.2.dev20260603
libtpu: 0.0.44.dev20260713+nightly
codegen_flags: <defaults>
</compile_context>

<pallas_src>
import functools

import jax
import jax.numpy as jnp
from jax import lax
from jax.experimental import pallas as pl
from jax.experimental.pallas import tpu as pltpu
from jax.experimental.pallas import tpu_sc as plsc

BATCH = 16384
EMBED_DIM = 32
NUM_CORES = 2
NUM_SUBCORES = 16
NUM_WORKERS = NUM_CORES * NUM_SUBCORES
B_PER_W = BATCH // NUM_WORKERS
GROUP = 16
WINDOW = 64
N_WINDOWS = B_PER_W // WINDOW

_MESH = plsc.VectorSubcoreMesh(core_axis_name="c", subcore_axis_name="s")


@functools.partial(
    pl.kernel,
    mesh=_MESH,
    out_type=jax.ShapeDtypeStruct((BATCH, EMBED_DIM), jnp.float32),
    scratch_types=[
        pltpu.VMEM((B_PER_W,), jnp.int32),
        pltpu.VMEM((B_PER_W, EMBED_DIM), jnp.float32),
        pltpu.SemaphoreType.DMA,
        pltpu.SemaphoreType.DMA,
        pltpu.SemaphoreType.DMA,
        pltpu.SemaphoreType.DMA,
    ],
    compiler_params=pltpu.CompilerParams(needs_layout_passes=False),
)
def _sc_gather(idx_hbm, table_hbm, out_hbm, idx_v, rows_v, s0, s1, s2, s3):
    wid = lax.axis_index("s") * NUM_CORES + lax.axis_index("c")
    base = wid * B_PER_W
    sems = (s0, s1, s2, s3)
    pltpu.sync_copy(idx_hbm.at[wid], idx_v)

    @pl.loop(0, N_WINDOWS)
    def _win(g):
        copies = []
        for q in range(WINDOW // GROUP):
            iv = idx_v[pl.ds(g * WINDOW + q * GROUP, GROUP)]
            for t in range(GROUP):
                i = g * WINDOW + q * GROUP + t
                copies.append(
                    pltpu.async_copy(
                        table_hbm.at[iv[t]],
                        out_hbm.at[base + i],
                        sems[q],
                    )
                )
        for c in copies:
            c.wait()


def kernel(topic_labels, embedding_weight):
    idx = topic_labels.astype(jnp.int32).reshape(NUM_WORKERS, B_PER_W)
    return _sc_gather(idx, embedding_weight)

# --- scband reference (transcript-rebuilt; emitter-appended) ---
"""Pipeline reference for scband-condition-encoder-9758165696988 (READ-ONLY COPY).

The authoritative reference and input builder live on the scoring server;
editing this copy changes nothing except your own understanding.
"""

import jax, jax.numpy as jnp
import numpy as np

NUM_TOPICS = 1000000
EMBED_DIM = 32
BATCH = 16384

def setup_inputs(seed: int = 0) -> dict:
    key = jax.random.key(seed)
    k1, k2 = jax.random.split(key)
    topic_labels = jax.random.randint(k1, (BATCH,), 0, NUM_TOPICS, dtype=jnp.int64)
    # nn.Embedding default init: N(0, 1)
    embedding_weight = jax.random.normal(k2, (NUM_TOPICS, EMBED_DIM), dtype=jnp.float32)
    return {"topic_labels": topic_labels, "embedding_weight": embedding_weight}

def reference(topic_labels, embedding_weight):
    # Faithful translation of nn.Embedding forward: gather rows by index
    return jnp.take(embedding_weight, topic_labels, axis=0)

if __name__ == "__main__":
    import jax
    _d = setup_inputs()
    print(jax.jit(kernel)(*tuple(_d.values())))

</pallas_src>

<mosaic_0001>
#map = affine_map<(d0, d1) -> (0, 0)>
module attributes {stable_mosaic.version = 14 : i64} {
  func.func @_sc_gather(%arg0: i32, %arg1: i32, %arg2: memref<32x512xi32, #tpu.memory_space<hbm>>, %arg3: memref<1000000x32xf32, #tpu.memory_space<hbm>>, %arg4: memref<16384x32xf32, #tpu.memory_space<hbm>>, %arg5: memref<512xi32, #tpu.memory_space<vmem>>, %arg6: memref<512x32xf32, #tpu.memory_space<vmem>>, %arg7: memref<!tpu.dma_semaphore, #tpu.memory_space<semaphore_mem>>, %arg8: memref<!tpu.dma_semaphore, #tpu.memory_space<semaphore_mem>>, %arg9: memref<!tpu.dma_semaphore, #tpu.memory_space<semaphore_mem>>, %arg10: memref<!tpu.dma_semaphore, #tpu.memory_space<semaphore_mem>>) attributes {dimension_semantics = [#tpu.dimension_semantics<core_parallel>, #tpu.dimension_semantics<subcore_parallel>], iteration_bounds = array<i64: 2, 16>, scalar_prefetch = 0 : i64, scratch_operands = 6 : i64, tpu.core_type = #tpu.core_type<sc_vector_subcore>, window_params = [{transform_indices = #map}, {transform_indices = #map}, {transform_indices = #map}]} {
    %mul3A = arith.constant 2 : i32
    %mul3A_0 = arith.muli %arg1, %mul3A : i32
    %add3A = arith.addi %mul3A_0, %arg0 : i32
    %mul3A_1 = arith.constant 512 : i32
    %mul3A_2 = arith.muli %add3A, %mul3A_1 : i32
    "tpu.region"() ({
      %run_scoped3A = tpu.sem_alloc : memref<!tpu.dma_semaphore, #tpu.memory_space<semaphore_mem>>
      %dma_start3A = arith.constant 0 : i32
      %dma_start3A_7 = tpu.memref_slice %arg2[%add3A, %dma_start3A] : memref<32x512xi32, #tpu.memory_space<hbm>> -> memref<1x512xi32, #tpu.memory_space<hbm>>
      %dma_start3A_8 = tpu.memref_squeeze %dma_start3A_7 : memref<1x512xi32, #tpu.memory_space<hbm>> -> memref<512xi32, #tpu.memory_space<hbm>>
      %dma_start3A_9 = arith.constant 0 : i32
      %dma_start3A_10 = tpu.memref_slice %arg2[%add3A, %dma_start3A_9] : memref<32x512xi32, #tpu.memory_space<hbm>> -> memref<1x512xi32, #tpu.memory_space<hbm>>
      %dma_start3A_11 = tpu.memref_squeeze %dma_start3A_10 : memref<1x512xi32, #tpu.memory_space<hbm>> -> memref<512xi32, #tpu.memory_space<hbm>>
      tpu.enqueue_dma source(%dma_start3A_11 : memref<512xi32, #tpu.memory_space<hbm>>) target(%arg5 : memref<512xi32, #tpu.memory_space<vmem>>) target_semaphore(%run_scoped3A : memref<!tpu.dma_semaphore, #tpu.memory_space<semaphore_mem>>)
      %dma_wait3A = arith.constant 0 : i32
      %dma_wait3A_12 = tpu.memref_slice %arg2[%add3A, %dma_wait3A] : memref<32x512xi32, #tpu.memory_space<hbm>> -> memref<1x512xi32, #tpu.memory_space<hbm>>
      %dma_wait3A_13 = tpu.memref_squeeze %dma_wait3A_12 : memref<1x512xi32, #tpu.memory_space<hbm>> -> memref<512xi32, #tpu.memory_space<hbm>>
      %dma_wait3A_14 = arith.constant 0 : i32
      %dma_wait3A_15 = tpu.memref_slice %arg2[%add3A, %dma_wait3A_14] : memref<32x512xi32, #tpu.memory_space<hbm>> -> memref<1x512xi32, #tpu.memory_space<hbm>>
      %dma_wait3A_16 = tpu.memref_squeeze %dma_wait3A_15 : memref<1x512xi32, #tpu.memory_space<hbm>> -> memref<512xi32, #tpu.memory_space<hbm>>
      tpu.wait_dma2 semaphore(%run_scoped3A : memref<!tpu.dma_semaphore, #tpu.memory_space<semaphore_mem>>) src(%dma_wait3A_16 : memref<512xi32, #tpu.memory_space<hbm>>) dst(%arg5 : memref<512xi32, #tpu.memory_space<vmem>>)
      tpu.yield
    }) : () -> ()
    %scan3A = arith.constant 0 : i32
    %scan3A_3 = arith.constant 8 : i32
    %scan3A_4 = arith.addi %scan3A, %scan3A_3 : i32
    %scan3A_5 = arith.constant 1 : i32
    scf.for %scan3A_7 = %scan3A to %scan3A_4 step %scan3A_5  : i32 {
      %mul3A_8 = arith.constant 1 : i32
      %mul3A_9 = arith.muli %scan3A_7, %mul3A_8 : i32
      %add3A_10 = arith.constant 0 : i32
      %add3A_11 = arith.addi %add3A_10, %mul3A_9 : i32
      %mul3A_12 = arith.constant 64 : i32
      %mul3A_13 = arith.muli %add3A_11, %mul3A_12 : i32
      %add3A_14 = arith.constant 0 : i32
      %add3A_15 = arith.addi %mul3A_13, %add3A_14 : i32
      %get3A = arith.index_cast %add3A_15 : i32 to index
      %get3A_16 = tpu.vector_load %arg5[%get3A] {strides = array<i32>} : memref<512xi32, #tpu.memory_space<vmem>>, vector<16xi32>,
      %mul3A_17 = arith.constant 64 : i32
      %mul3A_18 = arith.muli %add3A_11, %mul3A_17 : i32
      %add3A_19 = arith.constant 0 : i32
      %add3A_20 = arith.addi %mul3A_18, %add3A_19 : i32
      %add3A_21 = arith.constant 0 : i32
      %add3A_22 = arith.addi %add3A_20, %add3A_21 : i32
      %slice3A = vector.extract_strided_slice %get3A_16 {offsets = [0], sizes = [1], strides = [1]} : vector<16xi32> to vector<1xi32>
      %squeeze3A = vector.extract %slice3A[0] : i32 from vector<1xi32>
      %add3A_23 = arith.addi %mul3A_2, %add3A_22 : i32
      %dma_start3A = arith.constant 0 : i32
      %dma_start3A_24 = tpu.memref_slice %arg4[%add3A_23, %dma_start3A] : memref<16384x32xf32, #tpu.memory_space<hbm>> -> memref<1x32xf32, #tpu.memory_space<hbm>>
      %dma_start3A_25 = tpu.memref_squeeze %dma_start3A_24 : memref<1x32xf32, #tpu.memory_space<hbm>> -> memref<32xf32, #tpu.memory_space<hbm>>
      %dma_start3A_26 = arith.constant 0 : i32
      %dma_start3A_27 = tpu.memref_slice %arg3[%squeeze3A, %dma_start3A_26] : memref<1000000x32xf32, #tpu.memory_space<hbm>> -> memref<1x32xf32, #tpu.memory_space<hbm>>
      %dma_start3A_28 = tpu.memref_squeeze %dma_start3A_27 : memref<1x32xf32, #tpu.memory_space<hbm>> -> memref<32xf32, #tpu.memory_space<hbm>>
      tpu.enqueue_dma source(%dma_start3A_28 : memref<32xf32, #tpu.memory_space<hbm>>) target(%dma_start3A_25 : memref<32xf32, #tpu.memory_space<hbm>>) target_semaphore(%arg7 : memref<!tpu.dma_semaphore, #tpu.memory_space<semaphore_mem>>)
      %mul3A_29 = arith.constant 64 : i32
      %mul3A_30 = arith.muli %add3A_11, %mul3A_29 : i32
      %add3A_31 = arith.constant 0 : i32
      %add3A_32 = arith.addi %mul3A_30, %add3A_31 : i32
      %add3A_33 = arith.constant 1 : i32
      %add3A_34 = arith.addi %add3A_32, %add3A_33 : i32
      %slice3A_35 = vector.extract_strided_slice %get3A_16 {offsets = [1], sizes = [1], strides = [1]} : vector<16xi32> to vector<1xi32>
      %squeeze3A_36 = vector.extract %slice3A_35[0] : i32 from vector<1xi32>
      %add3A_37 = arith.addi %mul3A_2, %add3A_34 : i32
      %dma_start3A_38 = arith.constant 0 : i32
      %dma_start3A_39 = tpu.memref_slice %arg4[%add3A_37, %dma_start3A_38] : memref<16384x32xf32, #tpu.memory_space<hbm>> -> memref<1x32xf32, #tpu.memory_space<hbm>>
      %dma_start3A_40 = tpu.memref_squeeze %dma_start3A_39 : memref<1x32xf32, #tpu.memory_space<hbm>> -> memref<32xf32, #tpu.memory_space<hbm>>
      %dma_start3A_41 = arith.constant 0 : i32
      %dma_start3A_42 = tpu.memref_slice %arg3[%squeeze3A_36, %dma_start3A_41] : memref<1000000x32xf32, #tpu.memory_space<hbm>> -> memref<1x32xf32, #tpu.memory_space<hbm>>
      %dma_start3A_43 = tpu.memref_squeeze %dma_start3A_42 : memref<1x32xf32, #tpu.memory_space<hbm>> -> memref<32xf32, #tpu.memory_space<hbm>>
      tpu.enqueue_dma source(%dma_start3A_43 : memref<32xf32, #tpu.memory_space<hbm>>) target(%dma_start3A_40 : memref<32xf32, #tpu.memory_space<hbm>>) target_semaphore(%arg7 : memref<!tpu.dma_semaphore, #tpu.memory_space<semaphore_mem>>)
      %mul3A_44 = arith.constant 64 : i32
      %mul3A_45 = arith.muli %add3A_11, %mul3A_44 : i32
      %add3A_46 = arith.constant 0 : i32
      %add3A_47 = arith.addi %mul3A_45, %add3A_46 : i32
      %add3A_48 = arith.constant 2 : i32
      %add3A_49 = arith.addi %add3A_47, %add3A_48 : i32
      %slice3A_50 = vector.extract_strided_slice %get3A_16 {offsets = [2], sizes = [1], strides = [1]} : vector<16xi32> to vector<1xi32>
      %squeeze3A_51 = vector.extract %slice3A_50[0] : i32 from vector<1xi32>
      %add3A_52 = arith.addi %mul3A_2, %add3A_49 : i32
      %dma_start3A_53 = arith.constant 0 : i32
      %dma_start3A_54 = tpu.memref_slice %arg4[%add3A_52, %dma_start3A_53] : memref<16384x32xf32, #tpu.memory_space<hbm>> -> memref<1x32xf32, #tpu.memory_space<hbm>>
      %dma_start3A_55 = tpu.memref_squeeze %dma_start3A_54 : memref<1x32xf32, #tpu.memory_space<hbm>> -> memref<32xf32, #tpu.memory_space<hbm>>
      %dma_start3A_56 = arith.constant 0 : i32
      %dma_start3A_57 = tpu.memref_slice %arg3[%squeeze3A_51, %dma_start3A_56] : memref<1000000x32xf32, #tpu.memory_space<hbm>> -> memref<1x32xf32, #tpu.memory_space<hbm>>
      %dma_start3A_58 = tpu.memref_squeeze %dma_start3A_57 : memref<1x32xf32, #tpu.memory_space<hbm>> -> memref<32xf32, #tpu.memory_space<hbm>>
      tpu.enqueue_dma source(%dma_start3A_58 : memref<32xf32, #tpu.memory_space<hbm>>) target(%dma_start3A_55 : memref<32xf32, #tpu.memory_space<hbm>>) target_semaphore(%arg7 : memref<!tpu.dma_semaphore, #tpu.memory_space<semaphore_mem>>)
      %mul3A_59 = arith.constant 64 : i32
      %mul3A_60 = arith.muli %add3A_11, %mul3A_59 : i32
      %add3A_61 = arith.constant 0 : i32
      %add3A_62 = arith.addi %mul3A_60, %add3A_61 : i32
      %add3A_63 = arith.constant 3 : i32
      %add3A_64 = arith.addi %add3A_62, %add3A_63 : i32
      %slice3A_65 = vector.extract_strided_slice %get3A_16 {offsets = [3], sizes = [1], strides = [1]} : vector<16xi32> to vector<1xi32>
      %squeeze3A_66 = vector.extract %slice3A_65[0] : i32 from vector<1xi32>
      %add3A_67 = arith.addi %mul3A_2, %add3A_64 : i32
      %dma_start3A_68 = arith.constant 0 : i32
      %dma_start3A_69 = tpu.memref_slice %arg4[%add3A_67, %dma_start3A_68] : memref<16384x32xf32, #tpu.memory_space<hbm>> -> memref<1x32xf32, #tpu.memory_space<hbm>>
      %dma_start3A_70 = tpu.memref_squeeze %dma_start3A_69 : memref<1x32xf32, #tpu.memory_space<hbm>> -> memref<32xf32, #tpu.memory_space<hbm>>
      %dma_start3A_71 = arith.constant 0 : i32
      %dma_start3A_72 = tpu.memref_slice %arg3[%squeeze3A_66, %dma_start3A_71] : memref<1000000x32xf32, #tpu.memory_space<hbm>> -> memref<1x32xf32, #tpu.memory_space<hbm>>
      %dma_start3A_73 = tpu.memref_squeeze %dma_start3A_72 : memref<1x32xf32, #tpu.memory_space<hbm>> -> memref<32xf32, #tpu.memory_space<hbm>>
      tpu.enqueue_dma source(%dma_start3A_73 : memref<32xf32, #tpu.memory_space<hbm>>) target(%dma_start3A_70 : memref<32xf32, #tpu.memory_space<hbm>>) target_semaphore(%arg7 : memref<!tpu.dma_semaphore, #tpu.memory_space<semaphore_mem>>)
      %mul3A_74 = arith.constant 64 : i32
      %mul3A_75 = arith.muli %add3A_11, %mul3A_74 : i32
      %add3A_76 = arith.constant 0 : i32
      %add3A_77 = arith.addi %mul3A_75, %add3A_76 : i32
      %add3A_78 = arith.constant 4 : i32
      %add3A_79 = arith.addi %add3A_77, %add3A_78 : i32
      %slice3A_80 = vector.extract_strided_slice %get3A_16 {offsets = [4], sizes = [1], strides = [1]} : vector<16xi32> to vector<1xi32>
      %squeeze3A_81 = vector.extract %slice3A_80[0] : i32 from vector<1xi32>
      %add3A_82 = arith.addi %mul3A_2, %add3A_79 : i32
      %dma_start3A_83 = arith.constant 0 : i32
      %dma_start3A_84 = tpu.memref_slice %arg4[%add3A_82, %dma_start3A_83] : memref<16384x32xf32, #tpu.memory_space<hbm>> -> memref<1x32xf32, #tpu.memory_space<hbm>>
      %dma_start3A_85 = tpu.memref_squeeze %dma_start3A_84 : memref<1x32xf32, #tpu.memory_space<hbm>> -> memref<32xf32, #tpu.memory_space<hbm>>
      %dma_start3A_86 = arith.constant 0 : i32
      %dma_start3A_87 = tpu.memref_slice %arg3[%squeeze3A_81, %dma_start3A_86] : memref<1000000x32xf32, #tpu.memory_space<hbm>> -> memref<1x32xf32, #tpu.memory_space<hbm>>
      %dma_start3A_88 = tpu.memref_squeeze %dma_start3A_87 : memref<1x32xf32, #tpu.memory_space<hbm>> -> memref<32xf32, #tpu.memory_space<hbm>>
      tpu.enqueue_dma source(%dma_start3A_88 : memref<32xf32, #tpu.memory_space<hbm>>) target(%dma_start3A_85 : memref<32xf32, #tpu.memory_space<hbm>>) target_semaphore(%arg7 : memref<!tpu.dma_semaphore, #tpu.memory_space<semaphore_mem>>)
      %mul3A_89 = arith.constant 64 : i32
      %mul3A_90 = arith.muli %add3A_11, %mul3A_89 : i32
      %add3A_91 = arith.constant 0 : i32
      %add3A_92 = arith.addi %mul3A_90, %add3A_91 : i32
      %add3A_93 = arith.constant 5 : i32
      %add3A_94 = arith.addi %add3A_92, %add3A_93 : i32
      %slice3A_95 = vector.extract_strided_slice %get3A_16 {offsets = [5], sizes = [1], strides = [1]} : vector<16xi32> to vector<1xi32>
      %squeeze3A_96 = vector.extract %slice3A_95[0] : i32 from vector<1xi32>
      %add3A_97 = arith.addi %mul3A_2, %add3A_94 : i32
      %dma_start3A_98 = arith.constant 0 : i32
      %dma_start3A_99 = tpu.memref_slice %arg4[%add3A_97, %dma_start3A_98] : memref<16384x32xf32, #tpu.memory_space<hbm>> -> memref<1x32xf32, #tpu.memory_space<hbm>>
      %dma_start3A_100 = tpu.memref_squeeze %dma_start3A_99 : memref<1x32xf32, #tpu.memory_space<hbm>> -> memref<32xf32, #tpu.memory_space<hbm>>
      %dma_start3A_101 = arith.constant 0 : i32
      %dma_start3A_102 = tpu.memref_slice %arg3[%squeeze3A_96, %dma_start3A_101] : memref<1000000x32xf32, #tpu.memory_space<hbm>> -> memref<1x32xf32, #tpu.memory_space<hbm>>
      %dma_start3A_103 = tpu.memref_squeeze %dma_start3A_102 : memref<1x32xf32, #tpu.memory_space<hbm>> -> memref<32xf32, #tpu.memory_space<hbm>>
      tpu.enqueue_dma source(%dma_start3A_103 : memref<32xf32, #tpu.memory_space<hbm>>) target(%dma_start3A_100 : memref<32xf32, #tpu.memory_space<hbm>>) target_semaphore(%arg7 : memref<!tpu.dma_semaphore, #tpu.memory_space<semaphore_mem>>)
      %mul3A_104 = arith.constant 64 : i32
      %mul3A_105 = arith.muli %add3A_11, %mul3A_104 : i32
      %add3A_106 = arith.constant 0 : i32
      %add3A_107 = arith.addi %mul3A_105, %add3A_106 : i32
      %add3A_108 = arith.constant 6 : i32
      %add3A_109 = arith.addi %add3A_107, %add3A_108 : i32
      %slice3A_110 = vector.extract_strided_slice %get3A_16 {offsets = [6], sizes = [1], strides = [1]} : vector<16xi32> to vector<1xi32>
      %squeeze3A_111 = vector.extract %slice3A_110[0] : i32 from vector<1xi32>
      %add3A_112 = arith.addi %mul3A_2, %add3A_109 : i32
      %dma_start3A_113 = arith.constant 0 : i32
      %dma_start3A_114 = tpu.memref_slice %arg4[%add3A_112, %dma_start3A_113] : memref<16384x32xf32, #tpu.memory_space<hbm>> -> memref<1x32xf32, #tpu.memory_space<hbm>>
      %dma_start3A_115 = tpu.memref_squeeze %dma_start3A_114 : memref<1x32xf32, #tpu.memory_space<hbm>> -> memref<32xf32, #tpu.memory_space<hbm>>
      %dma_start3A_116 = arith.constant 0 : i32
      %dma_start3A_117 = tpu.memref_slice %arg3[%squeeze3A_111, %dma_start3A_116] : memref<1000000x32xf32, #tpu.memory_space<hbm>> -> memref<1x32xf32, #tpu.memory_space<hbm>>
      %dma_start3A_118 = tpu.memref_squeeze %dma_start3A_117 : memref<1x32xf32, #tpu.memory_space<hbm>> -> memref<32xf32, #tpu.memory_space<hbm>>
      tpu.enqueue_dma source(%dma_start3A_118 : memref<32xf32, #tpu.memory_space<hbm>>) target(%dma_start3A_115 : memref<32xf32, #tpu.memory_space<hbm>>) target_semaphore(%arg7 : memref<!tpu.dma_semaphore, #tpu.memory_space<semaphore_mem>>)
      %mul3A_119 = arith.constant 64 : i32
      %mul3A_120 = arith.muli %add3A_11, %mul3A_119 : i32
      %add3A_121 = arith.constant 0 : i32
      %add3A_122 = arith.addi %mul3A_120, %add3A_121 : i32
      %add3A_123 = arith.constant 7 : i32
      %add3A_124 = arith.addi %add3A_122, %add3A_123 : i32
      %slice3A_125 = vector.extract_strided_slice %get3A_16 {offsets = [7], sizes = [1], strides = [1]} : vector<16xi32> to vector<1xi32>
      %squeeze3A_126 = vector.extract %slice3A_125[0] : i32 from vector<1xi32>
      %add3A_127 = arith.addi %mul3A_2, %add3A_124 : i32
      %dma_start3A_128 = arith.constant 0 : i32
      %dma_start3A_129 = tpu.memref_slice %arg4[%add3A_127, %dma_start3A_128] : memref<16384x32xf32, #tpu.memory_space<hbm>> -> memref<1x32xf32, #tpu.memory_space<hbm>>
      %dma_start3A_130 = tpu.memref_squeeze %dma_start3A_129 : memref<1x32xf32, #tpu.memory_space<hbm>> -> memref<32xf32, #tpu.memory_space<hbm>>
      %dma_start3A_131 = arith.constant 0 : i32
      %dma_start3A_132 = tpu.memref_slice %arg3[%squeeze3A_126, %dma_start3A_131] : memref<1000000x32xf32, #tpu.memory_space<hbm>> -> memref<1x32xf32, #tpu.memory_space<hbm>>
      %dma_start3A_133 = tpu.memref_squeeze %dma_start3A_132 : memref<1x32xf32, #tpu.memory_space<hbm>> -> memref<32xf32, #tpu.memory_space<hbm>>
      tpu.enqueue_dma source(%dma_start3A_133 : memref<32xf32, #tpu.memory_space<hbm>>) target(%dma_start3A_130 : memref<32xf32, #tpu.memory_space<hbm>>) target_semaphore(%arg7 : memref<!tpu.dma_semaphore, #tpu.memory_space<semaphore_mem>>)
      %mul3A_134 = arith.constant 64 : i32
      %mul3A_135 = arith.muli %add3A_11, %mul3A_134 : i32
      %add3A_136 = arith.constant 0 : i32
      %add3A_137 = arith.addi %mul3A_135, %add3A_136 : i32
      %add3A_138 = arith.constant 8 : i32
      %add3A_139 = arith.addi %add3A_137, %add3A_138 : i32
      %slice3A_140 = vector.extract_strided_slice %get3A_16 {offsets = [8], sizes = [1], strides = [1]} : vector<16xi32> to vector<1xi32>
      %squeeze3A_141 = vector.extract %slice3A_140[0] : i32 from vector<1xi32>
      %add3A_142 = arith.addi %mul3A_2, %add3A_139 : i32
      %dma_start3A_143 = arith.constant 0 : i32
      %dma_start3A_144 = tpu.memref_slice %arg4[%add3A_142, %dma_start3A_143] : memref<16384x32xf32, #tpu.memory_space<hbm>> -> memref<1x32xf32, #tpu.memory_space<hbm>>
      %dma_start3A_145 = tpu.memref_squeeze %dma_start3A_144 : memref<1x32xf32, #tpu.memory_space<hbm>> -> memref<32xf32, #tpu.memory_space<hbm>>
      %dma_start3A_146 = arith.constant 0 : i32
      %dma_start3A_147 = tpu.memref_slice %arg3[%squeeze3A_141, %dma_start3A_146] : memref<1000000x32xf32, #tpu.memory_space<hbm>> -> memref<1x32xf32, #tpu.memory_space<hbm>>
      %dma_start3A_148 = tpu.memref_squeeze %dma_start3A_147 : memref<1x32xf32, #tpu.memory_space<hbm>> -> memref<32xf32, #tpu.memory_space<hbm>>
      tpu.enqueue_dma source(%dma_start3A_148 : memref<32xf32, #tpu.memory_space<hbm>>) target(%dma_start3A_145 : memref<32xf32, #tpu.memory_space<hbm>>) target_semaphore(%arg7 : memref<!tpu.dma_semaphore, #tpu.memory_space<semaphore_mem>>)
      %mul3A_149 = arith.constant 64 : i32
      %mul3A_150 = arith.muli %add3A_11, %mul3A_149 : i32
      %add3A_151 = arith.constant 0 : i32
      %add3A_152 = arith.addi %mul3A_150, %add3A_151 : i32
      %add3A_153 = arith.constant 9 : i32
      %add3A_154 = arith.addi %add3A_152, %add3A_153 : i32
      %slice3A_155 = vector.extract_strided_slice %get3A_16 {offsets = [9], sizes = [1], strides = [1]} : vector<16xi32> to vector<1xi32>
      %squeeze3A_156 = vector.extract %slice3A_155[0] : i32 from vector<1xi32>
      %add3A_157 = arith.addi %mul3A_2, %add3A_154 : i32
      %dma_start3A_158 = arith.constant 0 : i32
      %dma_start3A_159 = tpu.memref_slice %arg4[%add3A_157, %dma_start3A_158] : memref<16384x32xf32, #tpu.memory_space<hbm>> -> memref<1x32xf32, #tpu.memory_space<hbm>>
      %dma_start3A_160 = tpu.memref_squeeze %dma_start3A_159 : memref<1x32xf32, #tpu.memory_space<hbm>> -> memref<32xf32, #tpu.memory_space<hbm>>
      %dma_start3A_161 = arith.constant 0 : i32
      %dma_start3A_162 = tpu.memref_slice %arg3[%squeeze3A_156, %dma_start3A_161] : memref<1000000x32xf32, #tpu.memory_space<hbm>> -> memref<1x32xf32, #tpu.memory_space<hbm>>
      %dma_start3A_163 = tpu.memref_squeeze %dma_start3A_162 : memref<1x32xf32, #tpu.memory_space<hbm>> -> memref<32xf32, #tpu.memory_space<hbm>>
      tpu.enqueue_dma source(%dma_start3A_163 : memref<32xf32, #tpu.memory_space<hbm>>) target(%dma_start3A_160 : memref<32xf32, #tpu.memory_space<hbm>>) target_semaphore(%arg7 : memref<!tpu.dma_semaphore, #tpu.memory_space<semaphore_mem>>)
      %mul3A_164 = arith.constant 64 : i32
      %mul3A_165 = arith.muli %add3A_11, %mul3A_164 : i32
      %add3A_166 = arith.constant 0 : i32
      %add3A_167 = arith.addi %mul3A_165, %add3A_166 : i32
      %add3A_168 = arith.constant 10 : i32
      %add3A_169 = arith.addi %add3A_167, %add3A_168 : i32
      %slice3A_170 = vector.extract_strided_slice %get3A_16 {offsets = [10], sizes = [1], strides = [1]} : vector<16xi32> to vector<1xi32>
      %squeeze3A_171 = vector.extract %slice3A_170[0] : i32 from vector<1xi32>
      %add3A_172 = arith.addi %mul3A_2, %add3A_169 : i32
      %dma_start3A_173 = arith.constant 0 : i32
      %dma_start3A_174 = tpu.memref_slice %arg4[%add3A_172, %dma_start3A_173] : memref<16384x32xf32, #tpu.memory_space<hbm>> -> memref<1x32xf32, #tpu.memory_space<hbm>>
      %dma_start3A_175 = tpu.memref_squeeze %dma_start3A_174 : memref<1x32xf32, #tpu.memory_space<hbm>> -> memref<32xf32, #tpu.memory_space<hbm>>
      %dma_start3A_176 = arith.constant 0 : i32
      %dma_start3A_177 = tpu.memref_slice %arg3[%squeeze3A_171, %dma_start3A_176] : memref<1000000x32xf32, #tpu.memory_space<hbm>> -> memref<1x32xf32, #tpu.memory_space<hbm>>
      %dma_start3A_178 = tpu.memref_squeeze %dma_start3A_177 : memref<1x32xf32, #tpu.memory_space<hbm>> -> memref<32xf32, #tpu.memory_space<hbm>>
      tpu.enqueue_dma source(%dma_start3A_178 : memref<32xf32, #tpu.memory_space<hbm>>) target(%dma_start3A_175 : memref<32xf32, #tpu.memory_space<hbm>>) target_semaphore(%arg7 : memref<!tpu.dma_semaphore, #tpu.memory_space<semaphore_mem>>)
      %mul3A_179 = arith.constant 64 : i32
      %mul3A_180 = arith.muli %add3A_11, %mul3A_179 : i32
      %add3A_181 = arith.constant 0 : i32
      %add3A_182 = arith.addi %mul3A_180, %add3A_181 : i32
      %add3A_183 = arith.constant 11 : i32
      %add3A_184 = arith.addi %add3A_182, %add3A_183 : i32
      %slice3A_185 = vector.extract_strided_slice %get3A_16 {offsets = [11], sizes = [1], strides = [1]} : vector<16xi32> to vector<1xi32>
      %squeeze3A_186 = vector.extract %slice3A_185[0] : i32 from vector<1xi32>
      %add3A_187 = arith.addi %mul3A_2, %add3A_184 : i32
      %dma_start3A_188 = arith.constant 0 : i32
      %dma_start3A_189 = tpu.memref_slice %arg4[%add3A_187, %dma_start3A_188] : memref<16384x32xf32, #tpu.memory_space<hbm>> -> memref<1x32xf32, #tpu.memory_space<hbm>>
      %dma_start3A_190 = tpu.memref_squeeze %dma_start3A_189 : memref<1x32xf32, #tpu.memory_space<hbm>> -> memref<32xf32, #tpu.memory_space<hbm>>
      %dma_start3A_191 = arith.constant 0 : i32
      %dma_start3A_192 = tpu.memref_slice %arg3[%squeeze3A_186, %dma_start3A_191] : memref<1000000x32xf32, #tpu.memory_space<hbm>> -> memref<1x32xf32, #tpu.memory_space<hbm>>
      %dma_start3A_193 = tpu.memref_squeeze %dma_start3A_192 : memref<1x32xf32, #tpu.memory_space<hbm>> -> memref<32xf32, #tpu.memory_space<hbm>>
      tpu.enqueue_dma source(%dma_start3A_193 : memref<32xf32, #tpu.memory_space<hbm>>) target(%dma_start3A_190 : memref<32xf32, #tpu.memory_space<hbm>>) target_semaphore(%arg7 : memref<!tpu.dma_semaphore, #tpu.memory_space<semaphore_mem>>)
      %mul3A_194 = arith.constant 64 : i32
      %mul3A_195 = arith.muli %add3A_11, %mul3A_194 : i32
      %add3A_196 = arith.constant 0 : i32
      %add3A_197 = arith.addi %mul3A_195, %add3A_196 : i32
      %add3A_198 = arith.constant 12 : i32
      %add3A_199 = arith.addi %add3A_197, %add3A_198 : i32
      %slice3A_200 = vector.extract_strided_slice %get3A_16 {offsets = [12], sizes = [1], strides = [1]} : vector<16xi32> to vector<1xi32>
      %squeeze3A_201 = vector.extract %slice3A_200[0] : i32 from vector<1xi32>
      %add3A_202 = arith.addi %mul3A_2, %add3A_199 : i32
      %dma_start3A_203 = arith.constant 0 : i32
      %dma_start3A_204 = tpu.memref_slice %arg4[%add3A_202, %dma_start3A_203] : memref<16384x32xf32, #tpu.memory_space<hbm>> -> memref<1x32xf32, #tpu.memory_space<hbm>>
      %dma_start3A_205 = tpu.memref_squeeze %dma_start3A_204 : memref<1x32xf32, #tpu.memory_space<hbm>> -> memref<32xf32, #tpu.memory_space<hbm>>
      %dma_start3A_206 = arith.constant 0 : i32
      %dma_start3A_207 = tpu.memref_slice %arg3[%squeeze3A_201, %dma_start3A_206] : memref<1000000x32xf32, #tpu.memory_space<hbm>> -> memref<1x32xf32, #tpu.memory_space<hbm>>
      %dma_start3A_208 = tpu.memref_squeeze %dma_start3A_207 : memref<1x32xf32, #tpu.memory_space<hbm>> -> memref<32xf32, #tpu.memory_space<hbm>>
      tpu.enqueue_dma source(%dma_start3A_208 : memref<32xf32, #tpu.memory_space<hbm>>) target(%dma_start3A_205 : memref<32xf32, #tpu.memory_space<hbm>>) target_semaphore(%arg7 : memref<!tpu.dma_semaphore, #tpu.memory_space<semaphore_mem>>)
      %mul3A_209 = arith.constant 64 : i32
      %mul3A_210 = arith.muli %add3A_11, %mul3A_209 : i32
      %add3A_211 = arith.constant 0 : i32
      %add3A_212 = arith.addi %mul3A_210, %add3A_211 : i32
      %add3A_213 = arith.constant 13 : i32
      %add3A_214 = arith.addi %add3A_212, %add3A_213 : i32
      %slice3A_215 = vector.extract_strided_slice %get3A_16 {offsets = [13], sizes = [1], strides = [1]} : vector<16xi32> to vector<1xi32>
      %squeeze3A_216 = vector.extract %slice3A_215[0] : i32 from vector<1xi32>
      %add3A_217 = arith.addi %mul3A_2, %add3A_214 : i32
      %dma_start3A_218 = arith.constant 0 : i32
      %dma_start3A_219 = tpu.memref_slice %arg4[%add3A_217, %dma_start3A_218] : memref<16384x32xf32, #tpu.memory_space<hbm>> -> memref<1x32xf32, #tpu.memory_space<hbm>>
      %dma_start3A_220 = tpu.memref_squeeze %dma_start3A_219 : memref<1x32xf32, #tpu.memory_space<hbm>> -> memref<32xf32, #tpu.memory_space<hbm>>
      %dma_start3A_221 = arith.constant 0 : i32
      %dma_start3A_222 = tpu.memref_slice %arg3[%squeeze3A_216, %dma_start3A_221] : memref<1000000x32xf32, #tpu.memory_space<hbm>> -> memref<1x32xf32, #tpu.memory_space<hbm>>
      %dma_start3A_223 = tpu.memref_squeeze %dma_start3A_222 : memref<1x32xf32, #tpu.memory_space<hbm>> -> memref<32xf32, #tpu.memory_space<hbm>>
      tpu.enqueue_dma source(%dma_start3A_223 : memref<32xf32, #tpu.memory_space<hbm>>) target(%dma_start3A_220 : memref<32xf32, #tpu.memory_space<hbm>>) target_semaphore(%arg7 : memref<!tpu.dma_semaphore, #tpu.memory_space<semaphore_mem>>)
      %mul3A_224 = arith.constant 64 : i32
      %mul3A_225 = arith.muli %add3A_11, %mul3A_224 : i32
      %add3A_226 = arith.constant 0 : i32
      %add3A_227 = arith.addi %mul3A_225, %add3A_226 : i32
      %add3A_228 = arith.constant 14 : i32
      %add3A_229 = arith.addi %add3A_227, %add3A_228 : i32
      %slice3A_230 = vector.extract_strided_slice %get3A_16 {offsets = [14], sizes = [1], strides = [1]} : vector<16xi32> to vector<1xi32>
      %squeeze3A_231 = vector.extract %slice3A_230[0] : i32 from vector<1xi32>
      %add3A_232 = arith.addi %mul3A_2, %add3A_229 : i32
      %dma_start3A_233 = arith.constant 0 : i32
      %dma_start3A_234 = tpu.memref_slice %arg4[%add3A_232, %dma_start3A_233] : memref<16384x32xf32, #tpu.memory_space<hbm>> -> memref<1x32xf32, #tpu.memory_space<hbm>>
      %dma_start3A_235 = tpu.memref_squeeze %dma_start3A_234 : memref<1x32xf32, #tpu.memory_space<hbm>> -> memref<32xf32, #tpu.memory_space<hbm>>
      %dma_start3A_236 = arith.constant 0 : i32
      %dma_start3A_237 = tpu.memref_slice %arg3[%squeeze3A_231, %dma_start3A_236] : memref<1000000x32xf32, #tpu.memory_space<hbm>> -> memref<1x32xf32, #tpu.memory_space<hbm>>
      %dma_start3A_238 = tpu.memref_squeeze %dma_start3A_237 : memref<1x32xf32, #tpu.memory_space<hbm>> -> memref<32xf32, #tpu.memory_space<hbm>>
      tpu.enqueue_dma source(%dma_start3A_238 : memref<32xf32, #tpu.memory_space<hbm>>) target(%dma_start3A_235 : memref<32xf32, #tpu.memory_space<hbm>>) target_semaphore(%arg7 : memref<!tpu.dma_semaphore, #tpu.memory_space<semaphore_mem>>)
      %mul3A_239 = arith.constant 64 : i32
      %mul3A_240 = arith.muli %add3A_11, %mul3A_239 : i32
      %add3A_241 = arith.constant 0 : i32
      %add3A_242 = arith.addi %mul3A_240, %add3A_241 : i32
      %add3A_243 = arith.constant 15 : i32
      %add3A_244 = arith.addi %add3A_242, %add3A_243 : i32
      %slice3A_245 = vector.extract_strided_slice %get3A_16 {offsets = [15], sizes = [1], strides = [1]} : vector<16xi32> to vector<1xi32>
      %squeeze3A_246 = vector.extract %slice3A_245[0] : i32 from vector<1xi32>
      %add3A_247 = arith.addi %mul3A_2, %add3A_244 : i32
      %dma_start3A_248 = arith.constant 0 : i32
      %dma_start3A_249 = tpu.memref_slice %arg4[%add3A_247, %dma_start3A_248] : memref<16384x32xf32, #tpu.memory_space<hbm>> -> memref<1x32xf32, #tpu.memory_space<hbm>>
      %dma_start3A_250 = tpu.memref_squeeze %dma_start3A_249 : memref<1x32xf32, #tpu.memory_space<hbm>> -> memref<32xf32, #tpu.memory_space<hbm>>
      %dma_start3A_251 = arith.constant 0 : i32
      %dma_start3A_252 = tpu.memref_slice %arg3[%squeeze3A_246, %dma_start3A_251] : memref<1000000x32xf32, #tpu.memory_space<hbm>> -> memref<1x32xf32, #tpu.memory_space<hbm>>
      %dma_start3A_253 = tpu.memref_squeeze %dma_start3A_252 : memref<1x32xf32, #tpu.memory_space<hbm>> -> memref<32xf32, #tpu.memory_space<hbm>>
      tpu.enqueue_dma source(%dma_start3A_253 : memref<32xf32, #tpu.memory_space<hbm>>) target(%dma_start3A_250 : memref<32xf32, #tpu.memory_space<hbm>>) target_semaphore(%arg7 : memref<!tpu.dma_semaphore, #tpu.memory_space<semaphore_mem>>)
      %mul3A_254 = arith.constant 64 : i32
      %mul3A_255 = arith.muli %add3A_11, %mul3A_254 : i32
      %add3A_256 = arith.constant 16 : i32
      %add3A_257 = arith.addi %mul3A_255, %add3A_256 : i32
      %get3A_258 = arith.index_cast %add3A_257 : i32 to index
      %get3A_259 = tpu.vector_load %arg5[%get3A_258] {strides = array<i32>} : memref<512xi32, #tpu.memory_space<vmem>>, vector<16xi32>,
      %mul3A_260 = arith.constant 64 : i32
      %mul3A_261 = arith.muli %add3A_11, %mul3A_260 : i32
      %add3A_262 = arith.constant 16 : i32
      %add3A_263 = arith.addi %mul3A_261, %add3A_262 : i32
      %add3A_264 = arith.constant 0 : i32
      %add3A_265 = arith.addi %add3A_263, %add3A_264 : i32
      %slice3A_266 = vector.extract_strided_slice %get3A_259 {offsets = [0], sizes = [1], strides = [1]} : vector<16xi32> to vector<1xi32>
      %squeeze3A_267 = vector.extract %slice3A_266[0] : i32 from vector<1xi32>
      %add3A_268 = arith.addi %mul3A_2, %add3A_265 : i32
      %dma_start3A_269 = arith.constant 0 : i32
      %dma_start3A_270 = tpu.memref_slice %arg4[%add3A_268, %dma_start3A_269] : memref<16384x32xf32, #tpu.memory_space<hbm>> -> memref<1x32xf32, #tpu.memory_space<hbm>>
      %dma_start3A_271 = tpu.memref_squeeze %dma_start3A_270 : memref<1x32xf32, #tpu.memory_space<hbm>> -> memref<32xf32, #tpu.memory_space<hbm>>
      %dma_start3A_272 = arith.constant 0 : i32
      %dma_start3A_273 = tpu.memref_slice %arg3[%squeeze3A_267, %dma_start3A_272] : memref<1000000x32xf32, #tpu.memory_space<hbm>> -> memref<1x32xf32, #tpu.memory_space<hbm>>
      %dma_start3A_274 = tpu.memref_squeeze %dma_start3A_273 : memref<1x32xf32, #tpu.memory_space<hbm>> -> memref<32xf32, #tpu.memory_space<hbm>>
      tpu.enqueue_dma source(%dma_start3A_274 : memref<32xf32, #tpu.memory_space<hbm>>) target(%dma_start3A_271 : memref<32xf32, #tpu.memory_space<hbm>>) target_semaphore(%arg8 : memref<!tpu.dma_semaphore, #tpu.memory_space<semaphore_mem>>)
      %mul3A_275 = arith.constant 64 : i32
      %mul3A_276 = arith.muli %add3A_11, %mul3A_275 : i32
      %add3A_277 = arith.constant 16 : i32
      %add3A_278 = arith.addi %mul3A_276, %add3A_277 : i32
      %add3A_279 = arith.constant 1 : i32
      %add3A_280 = arith.addi %add3A_278, %add3A_279 : i32
      %slice3A_281 = vector.extract_strided_slice %get3A_259 {offsets = [1], sizes = [1], strides = [1]} : vector<16xi32> to vector<1xi32>
      %squeeze3A_282 = vector.extract %slice3A_281[0] : i32 from vector<1xi32>
      %add3A_283 = arith.addi %mul3A_2, %add3A_280 : i32
      %dma_start3A_284 = arith.constant 0 : i32
      %dma_start3A_285 = tpu.memref_slice %arg4[%add3A_283, %dma_start3A_284] : memref<16384x32xf32, #tpu.memory_space<hbm>> -> memref<1x32xf32, #tpu.memory_space<hbm>>
      %dma_start3A_286 = tpu.memref_squeeze %dma_start3A_285 : memref<1x32xf32, #tpu.memory_space<hbm>> -> memref<32xf32, #tpu.memory_space<hbm>>
      %dma_start3A_287 = arith.constant 0 : i32
      %dma_start3A_288 = tpu.memref_slice %arg3[%squeeze3A_282, %dma_start3A_287] : memref<1000000x32xf32, #tpu.memory_space<hbm>> -> memref<1x32xf32, #tpu.memory_space<hbm>>
      %dma_start3A_289 = tpu.memref_squeeze %dma_start3A_288 : memref<1x32xf32, #tpu.memory_space<hbm>> -> memref<32xf32, #tpu.memory_space<hbm>>
      tpu.enqueue_dma source(%dma_start3A_289 : memref<32xf32, #tpu.memory_space<hbm>>) target(%dma_start3A_286 : memref<32xf32, #tpu.memory_space<hbm>>) target_semaphore(%arg8 : memref<!tpu.dma_semaphore, #tpu.memory_space<semaphore_mem>>)
      %mul3A_290 = arith.constant 64 : i32
      %mul3A_291 = arith.muli %add3A_11, %mul3A_290 : i32
      %add3A_292 = arith.constant 16 : i32
      %add3A_293 = arith.addi %mul3A_291, %add3A_292 : i32
      %add3A_294 = arith.constant 2 : i32
      %add3A_295 = arith.addi %add3A_293, %add3A_294 : i32
      %slice3A_296 = vector.extract_strided_slice %get3A_259 {offsets = [2], sizes = [1], strides = [1]} : vector<16xi32> to vector<1xi32>
      %squeeze3A_297 = vector.extract %slice3A_296[0] : i32 from vector<1xi32>
      %add3A_298 = arith.addi %mul3A_2, %add3A_295 : i32
      %dma_start3A_299 = arith.constant 0 : i32
      %dma_start3A_300 = tpu.memref_slice %arg4[%add3A_298, %dma_start3A_299] : memref<16384x32xf32, #tpu.memory_space<hbm>> -> memref<1x32xf32, #tpu.memory_space<hbm>>
      %dma_start3A_301 = tpu.memref_squeeze %dma_start3A_300 : memref<1x32xf32, #tpu.memory_space<hbm>> -> memref<32xf32, #tpu.memory_space<hbm>>
      %dma_start3A_302 = arith.constant 0 : i32
      %dma_start3A_303 = tpu.memref_slice %arg3[%squeeze3A_297, %dma_start3A_302] : memref<1000000x32xf32, #tpu.memory_space<hbm>> -> memref<1x32xf32, #tpu.memory_space<hbm>>
      %dma_start3A_304 = tpu.memref_squeeze %dma_start3A_303 : memref<1x32xf32, #tpu.memory_space<hbm>> -> memref<32xf32, #tpu.memory_space<hbm>>
      tpu.enqueue_dma source(%dma_start3A_304 : memref<32xf32, #tpu.memory_space<hbm>>) target(%dma_start3A_301 : memref<32xf32, #tpu.memory_space<hbm>>) target_semaphore(%arg8 : memref<!tpu.dma_semaphore, #tpu.memory_space<semaphore_mem>>)
      %mul3A_305 = arith.constant 64 : i32
      %mul3A_306 = arith.muli %add3A_11, %mul3A_305 : i32
      %add3A_307 = arith.constant 16 : i32
      %add3A_308 = arith.addi %mul3A_306, %add3A_307 : i32
      %add3A_309 = arith.constant 3 : i32
      %add3A_310 = arith.addi %add3A_308, %add3A_309 : i32
      %slice3A_311 = vector.extract_strided_slice %get3A_259 {offsets = [3], sizes = [1], strides = [1]} : vector<16xi32> to vector<1xi32>
      %squeeze3A_312 = vector.extract %slice3A_311[0] : i32 from vector<1xi32>
      %add3A_313 = arith.addi %mul3A_2, %add3A_310 : i32
      %dma_start3A_314 = arith.constant 0 : i32
      %dma_start3A_315 = tpu.memref_slice %arg4[%add3A_313, %dma_start3A_314] : memref<16384x32xf32, #tpu.memory_space<hbm>> -> memref<1x32xf32, #tpu.memory_space<hbm>>
      %dma_start3A_316 = tpu.memref_squeeze %dma_start3A_315 : memref<1x32xf32, #tpu.memory_space<hbm>> -> memref<32xf32, #tpu.memory_space<hbm>>
      %dma_start3A_317 = arith.constant 0 : i32
      %dma_start3A_318 = tpu.memref_slice %arg3[%squeeze3A_312, %dma_start3A_317] : memref<1000000x32xf32, #tpu.memory_space<hbm>> -> memref<1x32xf32, #tpu.memory_space<hbm>>
      %dma_start3A_319 = tpu.memref_squeeze %dma_start3A_318 : memref<1x32xf32, #tpu.memory_space<hbm>> -> memref<32xf32, #tpu.memory_space<hbm>>
      tpu.enqueue_dma source(%dma_start3A_319 : memref<32xf32, #tpu.memory_space<hbm>>) target(%dma_start3A_316 : memref<32xf32, #tpu.memory_space<hbm>>) target_semaphore(%arg8 : memref<!tpu.dma_semaphore, #tpu.memory_space<semaphore_mem>>)
      %mul3A_320 = arith.constant 64 : i32
      %mul3A_321 = arith.muli %add3A_11, %mul3A_320 : i32
      %add3A_322 = arith.constant 16 : i32
      %add3A_323 = arith.addi %mul3A_321, %add3A_322 : i32
      %add3A_324 = arith.constant 4 : i32
      %add3A_325 = arith.addi %add3A_323, %add3A_324 : i32
      %slice3A_326 = vector.extract_strided_slice %get3A_259 {offsets = [4], sizes = [1], strides = [1]} : vector<16xi32> to vector<1xi32>
      %squeeze3A_327 = vector.extract %slice3A_326[0] : i32 from vector<1xi32>
      %add3A_328 = arith.addi %mul3A_2, %add3A_325 : i32
      %dma_start3A_329 = arith.constant 0 : i32
      %dma_start3A_330 = tpu.memref_slice %arg4[%add3A_328, %dma_start3A_329] : memref<16384x32xf32, #tpu.memory_space<hbm>> -> memref<1x32xf32, #tpu.memory_space<hbm>>
      %dma_start3A_331 = tpu.memref_squeeze %dma_start3A_330 : memref<1x32xf32, #tpu.memory_space<hbm>> -> memref<32xf32, #tpu.memory_space<hbm>>
      %dma_start3A_332 = arith.constant 0 : i32
      %dma_start3A_333 = tpu.memref_slice %arg3[%squeeze3A_327, %dma_start3A_332] : memref<1000000x32xf32, #tpu.memory_space<hbm>> -> memref<1x32xf32, #tpu.memory_space<hbm>>
      %dma_start3A_334 = tpu.memref_squeeze %dma_start3A_333 : memref<1x32xf32, #tpu.memory_space<hbm>> -> memref<32xf32, #tpu.memory_space<hbm>>
      tpu.enqueue_dma source(%dma_start3A_334 : memref<32xf32, #tpu.memory_space<hbm>>) target(%dma_start3A_331 : memref<32xf32, #tpu.memory_space<hbm>>) target_semaphore(%arg8 : memref<!tpu.dma_semaphore, #tpu.memory_space<semaphore_mem>>)
      %mul3A_335 = arith.constant 64 : i32
      %mul3A_336 = arith.muli %add3A_11, %mul3A_335 : i32
      %add3A_337 = arith.constant 16 : i32
      %add3A_338 = arith.addi %mul3A_336, %add3A_337 : i32
      %add3A_339 = arith.constant 5 : i32
      %add3A_340 = arith.addi %add3A_338, %add3A_339 : i32
      %slice3A_341 = vector.extract_strided_slice %get3A_259 {offsets = [5], sizes = [1], strides = [1]} : vector<16xi32> to vector<1xi32>
      %squeeze3A_342 = vector.extract %slice3A_341[0] : i32 from vector<1xi32>
      %add3A_343 = arith.addi %mul3A_2, %add3A_340 : i32
      %dma_start3A_344 = arith.constant 0 : i32
      %dma_start3A_345 = tpu.memref_slice %arg4[%add3A_343, %dma_start3A_344] : memref<16384x32xf32, #tpu.memory_space<hbm>> -> memref<1x32xf32, #tpu.memory_space<hbm>>
      %dma_start3A_346 = tpu.memref_squeeze %dma_start3A_345 : memref<1x32xf32, #tpu.memory_space<hbm>> -> memref<32xf32, #tpu.memory_space<hbm>>
      %dma_start3A_347 = arith.constant 0 : i32
      %dma_start3A_348 = tpu.memref_slice %arg3[%squeeze3A_342, %dma_start3A_347] : memref<1000000x32xf32, #tpu.memory_space<hbm>> -> memref<1x32xf32, #tpu.memory_space<hbm>>
      %dma_start3A_349 = tpu.memref_squeeze %dma_start3A_348 : memref<1x32xf32, #tpu.memory_space<hbm>> -> memref<32xf32, #tpu.memory_space<hbm>>
      tpu.enqueue_dma source(%dma_start3A_349 : memref<32xf32, #tpu.memory_space<hbm>>) target(%dma_start3A_346 : memref<32xf32, #tpu.memory_space<hbm>>) target_semaphore(%arg8 : memref<!tpu.dma_semaphore, #tpu.memory_space<semaphore_mem>>)
      %mul3A_350 = arith.constant 64 : i32
      %mul3A_351 = arith.muli %add3A_11, %mul3A_350 : i32
      %add3A_352 = arith.constant 16 : i32
      %add3A_353 = arith.addi %mul3A_351, %add3A_352 : i32
      %add3A_354 = arith.constant 6 : i32
      %add3A_355 = arith.addi %add3A_353, %add3A_354 : i32
      %slice3A_356 = vector.extract_strided_slice %get3A_259 {offsets = [6], sizes = [1], strides = [1]} : vector<16xi32> to vector<1xi32>
      %squeeze3A_357 = vector.extract %slice3A_356[0] : i32 from vector<1xi32>
      %add3A_358 = arith.addi %mul3A_2, %add3A_355 : i32
      %dma_start3A_359 = arith.constant 0 : i32
      %dma_start3A_360 = tpu.memref_slice %arg4[%add3A_358, %dma_start3A_359] : memref<16384x32xf32, #tpu.memory_space<hbm>> -> memref<1x32xf32, #tpu.memory_space<hbm>>
      %dma_start3A_361 = tpu.memref_squeeze %dma_start3A_360 : memref<1x32xf32, #tpu.memory_space<hbm>> -> memref<32xf32, #tpu.memory_space<hbm>>
      %dma_start3A_362 = arith.constant 0 : i32
      %dma_start3A_363 = tpu.memref_slice %arg3[%squeeze3A_357, %dma_start3A_362] : memref<1000000x32xf32, #tpu.memory_space<hbm>> -> memref<1x32xf32, #tpu.memory_space<hbm>>
      %dma_start3A_364 = tpu.memref_squeeze %dma_start3A_363 : memref<1x32xf32, #tpu.memory_space<hbm>> -> memref<32xf32, #tpu.memory_space<hbm>>
      tpu.enqueue_dma source(%dma_start3A_364 : memref<32xf32, #tpu.memory_space<hbm>>) target(%dma_start3A_361 : memref<32xf32, #tpu.memory_space<hbm>>) target_semaphore(%arg8 : memref<!tpu.dma_semaphore, #tpu.memory_space<semaphore_mem>>)
      %mul3A_365 = arith.constant 64 : i32
      %mul3A_366 = arith.muli %add3A_11, %mul3A_365 : i32
      %add3A_367 = arith.constant 16 : i32
      %add3A_368 = arith.addi %mul3A_366, %add3A_367 : i32
      %add3A_369 = arith.constant 7 : i32
      %add3A_370 = arith.addi %add3A_368, %add3A_369 : i32
      %slice3A_371 = vector.extract_strided_slice %get3A_259 {offsets = [7], sizes = [1], strides = [1]} : vector<16xi32> to vector<1xi32>
      %squeeze3A_372 = vector.extract %slice3A_371[0] : i32 from vector<1xi32>
      %add3A_373 = arith.addi %mul3A_2, %add3A_370 : i32
      %dma_start3A_374 = arith.constant 0 : i32
      %dma_start3A_375 = tpu.memref_slice %arg4[%add3A_373, %dma_start3A_374] : memref<16384x32xf32, #tpu.memory_space<hbm>> -> memref<1x32xf32, #tpu.memory_space<hbm>>
      %dma_start3A_376 = tpu.memref_squeeze %dma_start3A_375 : memref<1x32xf32, #tpu.memory_space<hbm>> -> memref<32xf32, #tpu.memory_space<hbm>>
      %dma_start3A_377 = arith.constant 0 : i32
      %dma_start3A_378 = tpu.memref_slice %arg3[%squeeze3A_372, %dma_start3A_377] : memref<1000000x32xf32, #tpu.memory_space<hbm>> -> memref<1x32xf32, #tpu.memory_space<hbm>>
      %dma_start3A_379 = tpu.memref_squeeze %dma_start3A_378 : memref<1x32xf32, #tpu.memory_space<hbm>> -> memref<32xf32, #tpu.memory_space<hbm>>
      tpu.enqueue_dma source(%dma_start3A_379 : memref<32xf32, #tpu.memory_space<hbm>>) target(%dma_start3A_376 : memref<32xf32, #tpu.memory_space<hbm>>) target_semaphore(%arg8 : memref<!tpu.dma_semaphore, #tpu.memory_space<semaphore_mem>>)
      %mul3A_380 = arith.constant 64 : i32
      %mul3A_381 = arith.muli %add3A_11, %mul3A_380 : i32
      %add3A_382 = arith.constant 16 : i32
      %add3A_383 = arith.addi %mul3A_381, %add3A_382 : i32
      %add3A_384 = arith.constant 8 : i32
      %add3A_385 = arith.addi %add3A_383, %add3A_384 : i32
      %slice3A_386 = vector.extract_strided_slice %get3A_259 {offsets = [8], sizes = [1], strides = [1]} : vector<16xi32> to vector<1xi32>
      %squeeze3A_387 = vector.extract %slice3A_386[0] : i32 from vector<1xi32>
      %add3A_388 = arith.addi %mul3A_2, %add3A_385 : i32
      %dma_start3A_389 = arith.constant 0 : i32
      %dma_start3A_390 = tpu.memref_slice %arg4[%add3A_388, %dma_start3A_389] : memref<16384x32xf32, #tpu.memory_space<hbm>> -> memref<1x32xf32, #tpu.memory_space<hbm>>
      %dma_start3A_391 = tpu.memref_squeeze %dma_start3A_390 : memref<1x32xf32, #tpu.memory_space<hbm>> -> memref<32xf32, #tpu.memory_space<hbm>>
      %dma_start3A_392 = arith.constant 0 : i32
      %dma_start3A_393 = tpu.memref_slice %arg3[%squeeze3A_387, %dma_start3A_392] : memref<1000000x32xf32, #tpu.memory_space<hbm>> -> memref<1x32xf32, #tpu.memory_space<hbm>>
      %dma_start3A_394 = tpu.memref_squeeze %dma_start3A_393 : memref<1x32xf32, #tpu.memory_space<hbm>> -> memref<32xf32, #tpu.memory_space<hbm>>
      tpu.enqueue_dma source(%dma_start3A_394 : memref<32xf32, #tpu.memory_space<hbm>>) target(%dma_start3A_391 : memref<32xf32, #tpu.memory_space<hbm>>) target_semaphore(%arg8 : memref<!tpu.dma_semaphore, #tpu.memory_space<semaphore_mem>>)
      %mul3A_395 = arith.constant 64 : i32
      %mul3A_396 = arith.muli %add3A_11, %mul3A_395 : i32
      %add3A_397 = arith.constant 16 : i32
      %add3A_398 = arith.addi %mul3A_396, %add3A_397 : i32
      %add3A_399 = arith.constant 9 : i32
      %add3A_400 = arith.addi %add3A_398, %add3A_399 : i32
      %slice3A_401 = vector.extract_strided_slice %get3A_259 {offsets = [9], sizes = [1], strides = [1]} : vector<16xi32> to vector<1xi32>
      %squeeze3A_402 = vector.extract %slice3A_401[0] : i32 from vector<1xi32>
      %add3A_403 = arith.addi %mul3A_2, %add3A_400 : i32
      %dma_start3A_404 = arith.constant 0 : i32
      %dma_start3A_405 = tpu.memref_slice %arg4[%add3A_403, %dma_start3A_404] : memref<16384x32xf32, #tpu.memory_space<hbm>> -> memref<1x32xf32, #tpu.memory_space<hbm>>
      %dma_start3A_406 = tpu.memref_squeeze %dma_start3A_405 : memref<1x32xf32, #tpu.memory_space<hbm>> -> memref<32xf32, #tpu.memory_space<hbm>>
      %dma_start3A_407 = arith.constant 0 : i32
      %dma_start3A_408 = tpu.memref_slice %arg3[%squeeze3A_402, %dma_start3A_407] : memref<1000000x32xf32, #tpu.memory_space<hbm>> -> memref<1x32xf32, #tpu.memory_space<hbm>>
      %dma_start3A_409 = tpu.memref_squeeze %dma_start3A_408 : memref<1x32xf32, #tpu.memory_space<hbm>> -> memref<32xf32, #tpu.memory_space<hbm>>
      tpu.enqueue_dma source(%dma_start3A_409 : memref<32xf32, #tpu.memory_space<hbm>>) target(%dma_start3A_406 : memref<32xf32, #tpu.memory_space<hbm>>) target_semaphore(%arg8 : memref<!tpu.dma_semaphore, #tpu.memory_space<semaphore_mem>>)
      %mul3A_410 = arith.constant 64 : i32
      %mul3A_411 = arith.muli %add3A_11, %mul3A_410 : i32
      %add3A_412 = arith.constant 16 : i32
      %add3A_413 = arith.addi %mul3A_411, %add3A_412 : i32
      %add3A_414 = arith.constant 10 : i32
      %add3A_415 = arith.addi %add3A_413, %add3A_414 : i32
      %slice3A_416 = vector.extract_strided_slice %get3A_259 {offsets = [10], sizes = [1], strides = [1]} : vector<16xi32> to vector<1xi32>
      %squeeze3A_417 = vector.extract %slice3A_416[0] : i32 from vector<1xi32>
      %add3A_418 = arith.addi %mul3A_2, %add3A_415 : i32
      %dma_start3A_419 = arith.constant 0 : i32
      %dma_start3A_420 = tpu.memref_slice %arg4[%add3A_418, %dma_start3A_419] : memref<16384x32xf32, #tpu.memory_space<hbm>> -> memref<1x32xf32, #tpu.memory_space<hbm>>
      %dma_start3A_421 = tpu.memref_squeeze %dma_start3A_420 : memref<1x32xf32, #tpu.memory_space<hbm>> -> memref<32xf32, #tpu.memory_space<hbm>>
      %dma_start3A_422 = arith.constant 0 : i32
      %dma_start3A_423 = tpu.memref_slice %arg3[%squeeze3A_417, %dma_start3A_422] : memref<1000000x32xf32, #tpu.memory_space<hbm>> -> memref<1x32xf32, #tpu.memory_space<hbm>>
      %dma_start3A_424 = tpu.memref_squeeze %dma_start3A_423 : memref<1x32xf32, #tpu.memory_space<hbm>> -> memref<32xf32, #tpu.memory_space<hbm>>
      tpu.enqueue_dma source(%dma_start3A_424 : memref<32xf32, #tpu.memory_space<hbm>>) target(%dma_start3A_421 : memref<32xf32, #tpu.memory_space<hbm>>) target_semaphore(%arg8 : memref<!tpu.dma_semaphore, #tpu.memory_space<semaphore_mem>>)
      %mul3A_425 = arith.constant 64 : i32
      %mul3A_426 = arith.muli %add3A_11, %mul3A_425 : i32
      %add3A_427 = arith.constant 16 : i32
      %add3A_428 = arith.addi %mul3A_426, %add3A_427 : i32
      %add3A_429 = arith.constant 11 : i32
      %add3A_430 = arith.addi %add3A_428, %add3A_429 : i32
      %slice3A_431 = vector.extract_strided_slice %get3A_259 {offsets = [11], sizes = [1], strides = [1]} : vector<16xi32> to vector<1xi32>
      %squeeze3A_432 = vector.extract %slice3A_431[0] : i32 from vector<1xi32>
      %add3A_433 = arith.addi %mul3A_2, %add3A_430 : i32
      %dma_start3A_434 = arith.constant 0 : i32
      %dma_start3A_435 = tpu.memref_slice %arg4[%add3A_433, %dma_start3A_434] : memref<16384x32xf32, #tpu.memory_space<hbm>> -> memref<1x32xf32, #tpu.memory_space<hbm>>
      %dma_start3A_436 = tpu.memref_squeeze %dma_start3A_435 : memref<1x32xf32, #tpu.memory_space<hbm>> -> memref<32xf32, #tpu.memory_space<hbm>>
      %dma_start3A_437 = arith.constant 0 : i32
      %dma_start3A_438 = tpu.memref_slice %arg3[%squeeze3A_432, %dma_start3A_437] : memref<1000000x32xf32, #tpu.memory_space<hbm>> -> memref<1x32xf32, #tpu.memory_space<hbm>>
      %dma_start3A_439 = tpu.memref_squeeze %dma_start3A_438 : memref<1x32xf32, #tpu.memory_space<hbm>> -> memref<32xf32, #tpu.memory_space<hbm>>
      tpu.enqueue_dma source(%dma_start3A_439 : memref<32xf32, #tpu.memory_space<hbm>>) target(%dma_start3A_436 : memref<32xf32, #tpu.memory_space<hbm>>) target_semaphore(%arg8 : memref<!tpu.dma_semaphore, #tpu.memory_space<semaphore_mem>>)
      %mul3A_440 = arith.constant 64 : i32
      %mul3A_441 = arith.muli %add3A_11, %mul3A_440 : i32
      %add3A_442 = arith.constant 16 : i32
      %add3A_443 = arith.addi %mul3A_441, %add3A_442 : i32
      %add3A_444 = arith.constant 12 : i32
      %add3A_445 = arith.addi %add3A_443, %add3A_444 : i32
      %slice3A_446 = vector.extract_strided_slice %get3A_259 {offsets = [12], sizes = [1], strides = [1]} : vector<16xi32> to vector<1xi32>
      %squeeze3A_447 = vector.extract %slice3A_446[0] : i32 from vector<1xi32>
      %add3A_448 = arith.addi %mul3A_2, %add3A_445 : i32
      %dma_start3A_449 = arith.constant 0 : i32
      %dma_start3A_450 = tpu.memref_slice %arg4[%add3A_448, %dma_start3A_449] : memref<16384x32xf32, #tpu.memory_space<hbm>> -> memref<1x32xf32, #tpu.memory_space<hbm>>
      %dma_start3A_451 = tpu.memref_squeeze %dma_start3A_450 : memref<1x32xf32, #tpu.memory_space<hbm>> -> memref<32xf32, #tpu.memory_space<hbm>>
      %dma_start3A_452 = arith.constant 0 : i32
      %dma_start3A_453 = tpu.memref_slice %arg3[%squeeze3A_447, %dma_start3A_452] : memref<1000000x32xf32, #tpu.memory_space<hbm>> -> memref<1x32xf32, #tpu.memory_space<hbm>>
      %dma_start3A_454 = tpu.memref_squeeze %dma_start3A_453 : memref<1x32xf32, #tpu.memory_space<hbm>> -> memref<32xf32, #tpu.memory_space<hbm>>
      tpu.enqueue_dma source(%dma_start3A_454 : memref<32xf32, #tpu.memory_space<hbm>>) target(%dma_start3A_451 : memref<32xf32, #tpu.memory_space<hbm>>) target_semaphore(%arg8 : memref<!tpu.dma_semaphore, #tpu.memory_space<semaphore_mem>>)
      %mul3A_455 = arith.constant 64 : i32
      %mul3A_456 = arith.muli %add3A_11, %mul3A_455 : i32
      %add3A_457 = arith.constant 16 : i32
      %add3A_458 = arith.addi %mul3A_456, %add3A_457 : i32
      %add3A_459 = arith.constant 13 : i32
      %add3A_460 = arith.addi %add3A_458, %add3A_459 : i32
      %slice3A_461 = vector.extract_strided_slice %get3A_259 {offsets = [13], sizes = [1], strides = [1]} : vector<16xi32> to vector<1xi32>
      %squeeze3A_462 = vector.extract %slice3A_461[0] : i32 from vector<1xi32>
      %add3A_463 = arith.addi %mul3A_2, %add3A_460 : i32
      %dma_start3A_464 = arith.constant 0 : i32
      %dma_start3A_465 = tpu.memref_slice %arg4[%add3A_463, %dma_start3A_464] : memref<16384x32xf32, #tpu.memory_space<hbm>> -> memref<1x32xf32, #tpu.memory_space<hbm>>
      %dma_start3A_466 = tpu.memref_squeeze %dma_start3A_465 : memref<1x32xf32, #tpu.memory_space<hbm>> -> memref<32xf32, #tpu.memory_space<hbm>>
      %dma_start3A_467 = arith.constant 0 : i32
      %dma_start3A_468 = tpu.memref_slice %arg3[%squeeze3A_462, %dma_start3A_467] : memref<1000000x32xf32, #tpu.memory_space<hbm>> -> memref<1x32xf32, #tpu.memory_space<hbm>>
      %dma_start3A_469 = tpu.memref_squeeze %dma_start3A_468 : memref<1x32xf32, #tpu.memory_space<hbm>> -> memref<32xf32, #tpu.memory_space<hbm>>
      tpu.enqueue_dma source(%dma_start3A_469 : memref<32xf32, #tpu.memory_space<hbm>>) target(%dma_start3A_466 : memref<32xf32, #tpu.memory_space<hbm>>) target_semaphore(%arg8 : memref<!tpu.dma_semaphore, #tpu.memory_space<semaphore_mem>>)
      %mul3A_470 = arith.constant 64 : i32
      %mul3A_471 = arith.muli %add3A_11, %mul3A_470 : i32
      %add3A_472 = arith.constant 16 : i32
      %add3A_473 = arith.addi %mul3A_471, %add3A_472 : i32
      %add3A_474 = arith.constant 14 : i32
      %add3A_475 = arith.addi %add3A_473, %add3A_474 : i32
      %slice3A_476 = vector.extract_strided_slice %get3A_259 {offsets = [14], sizes = [1], strides = [1]} : vector<16xi32> to vector<1xi32>
      %squeeze3A_477 = vector.extract %slice3A_476[0] : i32 from vector<1xi32>
      %add3A_478 = arith.addi %mul3A_2, %add3A_475 : i32
      %dma_start3A_479 = arith.constant 0 : i32
      %dma_start3A_480 = tpu.memref_slice %arg4[%add3A_478, %dma_start3A_479] : memref<16384x32xf32, #tpu.memory_space<hbm>> -> memref<1x32xf32, #tpu.memory_space<hbm>>
      %dma_start3A_481 = tpu.memref_squeeze %dma_start3A_480 : memref<1x32xf32, #tpu.memory_space<hbm>> -> memref<32xf32, #tpu.memory_space<hbm>>
      %dma_start3A_482 = arith.constant 0 : i32
      %dma_start3A_483 = tpu.memref_slice %arg3[%squeeze3A_477, %dma_start3A_482] : memref<1000000x32xf32, #tpu.memory_space<hbm>> -> memref<1x32xf32, #tpu.memory_space<hbm>>
      %dma_start3A_484 = tpu.memref_squeeze %dma_start3A_483 : memref<1x32xf32, #tpu.memory_space<hbm>> -> memref<32xf32, #tpu.memory_space<hbm>>
      tpu.enqueue_dma source(%dma_start3A_484 : memref<32xf32, #tpu.memory_space<hbm>>) target(%dma_start3A_481 : memref<32xf32, #tpu.memory_space<hbm>>) target_semaphore(%arg8 : memref<!tpu.dma_semaphore, #tpu.memory_space<semaphore_mem>>)
      %mul3A_485 = arith.constant 64 : i32
      %mul3A_486 = arith.muli %add3A_11, %mul3A_485 : i32
      %add3A_487 = arith.constant 16 : i32
      %add3A_488 = arith.addi %mul3A_486, %add3A_487 : i32
      %add3A_489 = arith.constant 15 : i32
      %add3A_490 = arith.addi %add3A_488, %add3A_489 : i32
      %slice3A_491 = vector.extract_strided_slice %get3A_259 {offsets = [15], sizes = [1], strides = [1]} : vector<16xi32> to vector<1xi32>
      %squeeze3A_492 = vector.extract %slice3A_491[0] : i32 from vector<1xi32>
      %add3A_493 = arith.addi %mul3A_2, %add3A_490 : i32
      %dma_start3A_494 = arith.constant 0 : i32
      %dma_start3A_495 = tpu.memref_slice %arg4[%add3A_493, %dma_start3A_494] : memref<16384x32xf32, #tpu.memory_space<hbm>> -> memref<1x32xf32, #tpu.memory_space<hbm>>
      %dma_start3A_496 = tpu.memref_squeeze %dma_start3A_495 : memref<1x32xf32, #tpu.memory_space<hbm>> -> memref<32xf32, #tpu.memory_space<hbm>>
      %dma_start3A_497 = arith.constant 0 : i32
      %dma_start3A_498 = tpu.memref_slice %arg3[%squeeze3A_492, %dma_start3A_497] : memref<1000000x32xf32, #tpu.memory_space<hbm>> -> memref<1x32xf32, #tpu.memory_space<hbm>>
      %dma_start3A_499 = tpu.memref_squeeze %dma_start3A_498 : memref<1x32xf32, #tpu.memory_space<hbm>> -> memref<32xf32, #tpu.memory_space<hbm>>
      tpu.enqueue_dma source(%dma_start3A_499 : memref<32xf32, #tpu.memory_space<hbm>>) target(%dma_start3A_496 : memref<32xf32, #tpu.memory_space<hbm>>) target_semaphore(%arg8 : memref<!tpu.dma_semaphore, #tpu.memory_space<semaphore_mem>>)
      %mul3A_500 = arith.constant 64 : i32
      %mul3A_501 = arith.muli %add3A_11, %mul3A_500 : i32
      %add3A_502 = arith.constant 32 : i32
      %add3A_503 = arith.addi %mul3A_501, %add3A_502 : i32
      %get3A_504 = arith.index_cast %add3A_503 : i32 to index
      %get3A_505 = tpu.vector_load %arg5[%get3A_504] {strides = array<i32>} : memref<512xi32, #tpu.memory_space<vmem>>, vector<16xi32>,
      %mul3A_506 = arith.constant 64 : i32
      %mul3A_507 = arith.muli %add3A_11, %mul3A_506 : i32
      %add3A_508 = arith.constant 32 : i32
      %add3A_509 = arith.addi %mul3A_507, %add3A_508 : i32
      %add3A_510 = arith.constant 0 : i32
      %add3A_511 = arith.addi %add3A_509, %add3A_510 : i32
      %slice3A_512 = vector.extract_strided_slice %get3A_505 {offsets = [0], sizes = [1], strides = [1]} : vector<16xi32> to vector<1xi32>
      %squeeze3A_513 = vector.extract %slice3A_512[0] : i32 from vector<1xi32>
      %add3A_514 = arith.addi %mul3A_2, %add3A_511 : i32
      %dma_start3A_515 = arith.constant 0 : i32
      %dma_start3A_516 = tpu.memref_slice %arg4[%add3A_514, %dma_start3A_515] : memref<16384x32xf32, #tpu.memory_space<hbm>> -> memref<1x32xf32, #tpu.memory_space<hbm>>
      %dma_start3A_517 = tpu.memref_squeeze %dma_start3A_516 : memref<1x32xf32, #tpu.memory_space<hbm>> -> memref<32xf32, #tpu.memory_space<hbm>>
      %dma_start3A_518 = arith.constant 0 : i32
      %dma_start3A_519 = tpu.memref_slice %arg3[%squeeze3A_513, %dma_start3A_518] : memref<1000000x32xf32, #tpu.memory_space<hbm>> -> memref<1x32xf32, #tpu.memory_space<hbm>>
      %dma_start3A_520 = tpu.memref_squeeze %dma_start3A_519 : memref<1x32xf32, #tpu.memory_space<hbm>> -> memref<32xf32, #tpu.memory_space<hbm>>
      tpu.enqueue_dma source(%dma_start3A_520 : memref<32xf32, #tpu.memory_space<hbm>>) target(%dma_start3A_517 : memref<32xf32, #tpu.memory_space<hbm>>) target_semaphore(%arg9 : memref<!tpu.dma_semaphore, #tpu.memory_space<semaphore_mem>>)
      %mul3A_521 = arith.constant 64 : i32
      %mul3A_522 = arith.muli %add3A_11, %mul3A_521 : i32
      %add3A_523 = arith.constant 32 : i32
      %add3A_524 = arith.addi %mul3A_522, %add3A_523 : i32
      %add3A_525 = arith.constant 1 : i32
      %add3A_526 = arith.addi %add3A_524, %add3A_525 : i32
      %slice3A_527 = vector.extract_strided_slice %get3A_505 {offsets = [1], sizes = [1], strides = [1]} : vector<16xi32> to vector<1xi32>
      %squeeze3A_528 = vector.extract %slice3A_527[0] : i32 from vector<1xi32>
      %add3A_529 = arith.addi %mul3A_2, %add3A_526 : i32
      %dma_start3A_530 = arith.constant 0 : i32
      %dma_start3A_531 = tpu.memref_slice %arg4[%add3A_529, %dma_start3A_530] : memref<16384x32xf32, #tpu.memory_space<hbm>> -> memref<1x32xf32, #tpu.memory_space<hbm>>
      %dma_start3A_532 = tpu.memref_squeeze %dma_start3A_531 : memref<1x32xf32, #tpu.memory_space<hbm>> -> memref<32xf32, #tpu.memory_space<hbm>>
      %dma_start3A_533 = arith.constant 0 : i32
      %dma_start3A_534 = tpu.memref_slice %arg3[%squeeze3A_528, %dma_start3A_533] : memref<1000000x32xf32, #tpu.memory_space<hbm>> -> memref<1x32xf32, #tpu.memory_space<hbm>>
      %dma_start3A_535 = tpu.memref_squeeze %dma_start3A_534 : memref<1x32xf32, #tpu.memory_space<hbm>> -> memref<32xf32, #tpu.memory_space<hbm>>
      tpu.enqueue_dma source(%dma_start3A_535 : memref<32xf32, #tpu.memory_space<hbm>>) target(%dma_start3A_532 : memref<32xf32, #tpu.memory_space<hbm>>) target_semaphore(%arg9 : memref<!tpu.dma_semaphore, #tpu.memory_space<semaphore_mem>>)
      %mul3A_536 = arith.constant 64 : i32
      %mul3A_537 = arith.muli %add3A_11, %mul3A_536 : i32
      %add3A_538 = arith.constant 32 : i32
      %add3A_539 = arith.addi %mul3A_537, %add3A_538 : i32
      %add3A_540 = arith.constant 2 : i32
      %add3A_541 = arith.addi %add3A_539, %add3A_540 : i32
      %slice3A_542 = vector.extract_strided_slice %get3A_505 {offsets = [2], sizes = [1], strides = [1]} : vector<16xi32> to vector<1xi32>
      %squeeze3A_543 = vector.extract %slice3A_542[0] : i32 from vector<1xi32>
      %add3A_544 = arith.addi %mul3A_2, %add3A_541 : i32
      %dma_start3A_545 = arith.constant 0 : i32
      %dma_start3A_546 = tpu.memref_slice %arg4[%add3A_544, %dma_start3A_545] : memref<16384x32xf32, #tpu.memory_space<hbm>> -> memref<1x32xf32, #tpu.memory_space<hbm>>
      %dma_start3A_547 = tpu.memref_squeeze %dma_start3A_546 : memref<1x32xf32, #tpu.memory_space<hbm>> -> memref<32xf32, #tpu.memory_space<hbm>>
      %dma_start3A_548 = arith.constant 0 : i32
      %dma_start3A_549 = tpu.memref_slice %arg3[%squeeze3A_543, %dma_start3A_548] : memref<1000000x32xf32, #tpu.memory_space<hbm>> -> memref<1x32xf32, #tpu.memory_space<hbm>>
      %dma_start3A_550 = tpu.memref_squeeze %dma_start3A_549 : memref<1x32xf32, #tpu.memory_space<hbm>> -> memref<32xf32, #tpu.memory_space<hbm>>
      tpu.enqueue_dma source(%dma_start3A_550 : memref<32xf32, #tpu.memory_space<hbm>>) target(%dma_start3A_547 : memref<32xf32, #tpu.memory_space<hbm>>) target_semaphore(%arg9 : memref<!tpu.dma_semaphore, #tpu.memory_space<semaphore_mem>>)
      %mul3A_551 = arith.constant 64 : i32
      %mul3A_552 = arith.muli %add3A_11, %mul3A_551 : i32
      %add3A_553 = arith.constant 32 : i32
      %add3A_554 = arith.addi %mul3A_552, %add3A_553 : i32
      %add3A_555 = arith.constant 3 : i32
      %add3A_556 = arith.addi %add3A_554, %add3A_555 : i32
      %slice3A_557 = vector.extract_strided_slice %get3A_505 {offsets = [3], sizes = [1], strides = [1]} : vector<16xi32> to vector<1xi32>
      %squeeze3A_558 = vector.extract %slice3A_557[0] : i32 from vector<1xi32>
      %add3A_559 = arith.addi %mul3A_2, %add3A_556 : i32
      %dma_start3A_560 = arith.constant 0 : i32
      %dma_start3A_561 = tpu.memref_slice %arg4[%add3A_559, %dma_start3A_560] : memref<16384x32xf32, #tpu.memory_space<hbm>> -> memref<1x32xf32, #tpu.memory_space<hbm>>
      %dma_start3A_562 = tpu.memref_squeeze %dma_start3A_561 : memref<1x32xf32, #tpu.memory_space<hbm>> -> memref<32xf32, #tpu.memory_space<hbm>>
      %dma_start3A_563 = arith.constant 0 : i32
      %dma_start3A_564 = tpu.memref_slice %arg3[%squeeze3A_558, %dma_start3A_563] : memref<1000000x32xf32, #tpu.memory_space<hbm>> -> memref<1x32xf32, #tpu.memory_space<hbm>>
      %dma_start3A_565 = tpu.memref_squeeze %dma_start3A_564 : memref<1x32xf32, #tpu.memory_space<hbm>> -> memref<32xf32, #tpu.memory_space<hbm>>
      tpu.enqueue_dma source(%dma_start3A_565 : memref<32xf32, #tpu.memory_space<hbm>>) target(%dma_start3A_562 : memref<32xf32, #tpu.memory_space<hbm>>) target_semaphore(%arg9 : memref<!tpu.dma_semaphore, #tpu.memory_space<semaphore_mem>>)
      %mul3A_566 = arith.constant 64 : i32
      %mul3A_567 = arith.muli %add3A_11, %mul3A_566 : i32
      %add3A_568 = arith.constant 32 : i32
      %add3A_569 = arith.addi %mul3A_567, %add3A_568 : i32
      %add3A_570 = arith.constant 4 : i32
      %add3A_571 = arith.addi %add3A_569, %add3A_570 : i32
      %slice3A_572 = vector.extract_strided_slice %get3A_505 {offsets = [4], sizes = [1], strides = [1]} : vector<16xi32> to vector<1xi32>
      %squeeze3A_573 = vector.extract %slice3A_572[0] : i32 from vector<1xi32>
      %add3A_574 = arith.addi %mul3A_2, %add3A_571 : i32
      %dma_start3A_575 = arith.constant 0 : i32
      %dma_start3A_576 = tpu.memref_slice %arg4[%add3A_574, %dma_start3A_575] : memref<16384x32xf32, #tpu.memory_space<hbm>> -> memref<1x32xf32, #tpu.memory_space<hbm>>
      %dma_start3A_577 = tpu.memref_squeeze %dma_start3A_576 : memref<1x32xf32, #tpu.memory_space<hbm>> -> memref<32xf32, #tpu.memory_space<hbm>>
      %dma_start3A_578 = arith.constant 0 : i32
      %dma_start3A_579 = tpu.memref_slice %arg3[%squeeze3A_573, %dma_start3A_578] : memref<1000000x32xf32, #tpu.memory_space<hbm>> -> memref<1x32xf32, #tpu.memory_space<hbm>>
      %dma_start3A_580 = tpu.memref_squeeze %dma_start3A_579 : memref<1x32xf32, #tpu.memory_space<hbm>> -> memref<32xf32, #tpu.memory_space<hbm>>
      tpu.enqueue_dma source(%dma_start3A_580 : memref<32xf32, #tpu.memory_space<hbm>>) target(%dma_start3A_577 : memref<32xf32, #tpu.memory_space<hbm>>) target_semaphore(%arg9 : memref<!tpu.dma_semaphore, #tpu.memory_space<semaphore_mem>>)
      %mul3A_581 = arith.constant 64 : i32
      %mul3A_582 = arith.muli %add3A_11, %mul3A_581 : i32
      %add3A_583 = arith.constant 32 : i32
      %add3A_584 = arith.addi %mul3A_582, %add3A_583 : i32
      %add3A_585 = arith.constant 5 : i32
      %add3A_586 = arith.addi %add3A_584, %add3A_585 : i32
      %slice3A_587 = vector.extract_strided_slice %get3A_505 {offsets = [5], sizes = [1], strides = [1]} : vector<16xi32> to vector<1xi32>
      %squeeze3A_588 = vector.extract %slice3A_587[0] : i32 from vector<1xi32>
      %add3A_589 = arith.addi %mul3A_2, %add3A_586 : i32
      %dma_start3A_590 = arith.constant 0 : i32
      %dma_start3A_591 = tpu.memref_slice %arg4[%add3A_589, %dma_start3A_590] : memref<16384x32xf32, #tpu.memory_space<hbm>> -> memref<1x32xf32, #tpu.memory_space<hbm>>
      %dma_start3A_592 = tpu.memref_squeeze %dma_start3A_591 : memref<1x32xf32, #tpu.memory_space<hbm>> -> memref<32xf32, #tpu.memory_space<hbm>>
      %dma_start3A_593 = arith.constant 0 : i32
      %dma_start3A_594 = tpu.memref_slice %arg3[%squeeze3A_588, %dma_start3A_593] : memref<1000000x32xf32, #tpu.memory_space<hbm>> -> memref<1x32xf32, #tpu.memory_space<hbm>>
      %dma_start3A_595 = tpu.memref_squeeze %dma_start3A_594 : memref<1x32xf32, #tpu.memory_space<hbm>> -> memref<32xf32, #tpu.memory_space<hbm>>
      tpu.enqueue_dma source(%dma_start3A_595 : memref<32xf32, #tpu.memory_space<hbm>>) target(%dma_start3A_592 : memref<32xf32, #tpu.memory_space<hbm>>) target_semaphore(%arg9 : memref<!tpu.dma_semaphore, #tpu.memory_space<semaphore_mem>>)
      %mul3A_596 = arith.constant 64 : i32
      %mul3A_597 = arith.muli %add3A_11, %mul3A_596 : i32
      %add3A_598 = arith.constant 32 : i32
      %add3A_599 = arith.addi %mul3A_597, %add3A_598 : i32
      %add3A_600 = arith.constant 6 : i32
      %add3A_601 = arith.addi %add3A_599, %add3A_600 : i32
      %slice3A_602 = vector.extract_strided_slice %get3A_505 {offsets = [6], sizes = [1], strides = [1]} : vector<16xi32> to vector<1xi32>
      %squeeze3A_603 = vector.extract %slice3A_602[0] : i32 from vector<1xi32>
      %add3A_604 = arith.addi %mul3A_2, %add3A_601 : i32
      %dma_start3A_605 = arith.constant 0 : i32
      %dma_start3A_606 = tpu.memref_slice %arg4[%add3A_604, %dma_start3A_605] : memref<16384x32xf32, #tpu.memory_space<hbm>> -> memref<1x32xf32, #tpu.memory_space<hbm>>
      %dma_start3A_607 = tpu.memref_squeeze %dma_start3A_606 : memref<1x32xf32, #tpu.memory_space<hbm>> -> memref<32xf32, #tpu.memory_space<hbm>>
      %dma_start3A_608 = arith.constant 0 : i32
      %dma_start3A_609 = tpu.memref_slice %arg3[%squeeze3A_603, %dma_start3A_608] : memref<1000000x32xf32, #tpu.memory_space<hbm>> -> memref<1x32xf32, #tpu.memory_space<hbm>>
      %dma_start3A_610 = tpu.memref_squeeze %dma_start3A_609 : memref<1x32xf32, #tpu.memory_space<hbm>> -> memref<32xf32, #tpu.memory_space<hbm>>
      tpu.enqueue_dma source(%dma_start3A_610 : memref<32xf32, #tpu.memory_space<hbm>>) target(%dma_start3A_607 : memref<32xf32, #tpu.memory_space<hbm>>) target_semaphore(%arg9 : memref<!tpu.dma_semaphore, #tpu.memory_space<semaphore_mem>>)
      %mul3A_611 = arith.constant 64 : i32
      %mul3A_612 = arith.muli %add3A_11, %mul3A_611 : i32
      %add3A_613 = arith.constant 32 : i32
      %add3A_614 = arith.addi %mul3A_612, %add3A_613 : i32
      %add3A_615 = arith.constant 7 : i32
      %add3A_616 = arith.addi %add3A_614, %add3A_615 : i32
      %slice3A_617 = vector.extract_strided_slice %get3A_505 {offsets = [7], sizes = [1], strides = [1]} : vector<16xi32> to vector<1xi32>
      %squeeze3A_618 = vector.extract %slice3A_617[0] : i32 from vector<1xi32>
      %add3A_619 = arith.addi %mul3A_2, %add3A_616 : i32
      %dma_start3A_620 = arith.constant 0 : i32
      %dma_start3A_621 = tpu.memref_slice %arg4[%add3A_619, %dma_start3A_620] : memref<16384x32xf32, #tpu.memory_space<hbm>> -> memref<1x32xf32, #tpu.memory_space<hbm>>
      %dma_start3A_622 = tpu.memref_squeeze %dma_start3A_621 : memref<1x32xf32, #tpu.memory_space<hbm>> -> memref<32xf32, #tpu.memory_space<hbm>>
      %dma_start3A_623 = arith.constant 0 : i32
      %dma_start3A_624 = tpu.memref_slice %arg3[%squeeze3A_618, %dma_start3A_623] : memref<1000000x32xf32, #tpu.memory_space<hbm>> -> memref<1x32xf32, #tpu.memory_space<hbm>>
      %dma_start3A_625 = tpu.memref_squeeze %dma_start3A_624 : memref<1x32xf32, #tpu.memory_space<hbm>> -> memref<32xf32, #tpu.memory_space<hbm>>
      tpu.enqueue_dma source(%dma_start3A_625 : memref<32xf32, #tpu.memory_space<hbm>>) target(%dma_start3A_622 : memref<32xf32, #tpu.memory_space<hbm>>) target_semaphore(%arg9 : memref<!tpu.dma_semaphore, #tpu.memory_space<semaphore_mem>>)
      %mul3A_626 = arith.constant 64 : i32
      %mul3A_627 = arith.muli %add3A_11, %mul3A_626 : i32
      %add3A_628 = arith.constant 32 : i32
      %add3A_629 = arith.addi %mul3A_627, %add3A_628 : i32
      %add3A_630 = arith.constant 8 : i32
      %add3A_631 = arith.addi %add3A_629, %add3A_630 : i32
      %slice3A_632 = vector.extract_strided_slice %get3A_505 {offsets = [8], sizes = [1], strides = [1]} : vector<16xi32> to vector<1xi32>
      %squeeze3A_633 = vector.extract %slice3A_632[0] : i32 from vector<1xi32>
      %add3A_634 = arith.addi %mul3A_2, %add3A_631 : i32
      %dma_start3A_635 = arith.constant 0 : i32
      %dma_start3A_636 = tpu.memref_slice %arg4[%add3A_634, %dma_start3A_635] : memref<16384x32xf32, #tpu.memory_space<hbm>> -> memref<1x32xf32, #tpu.memory_space<hbm>>
      %dma_start3A_637 = tpu.memref_squeeze %dma_start3A_636 : memref<1x32xf32, #tpu.memory_space<hbm>> -> memref<32xf32, #tpu.memory_space<hbm>>
      %dma_start3A_638 = arith.constant 0 : i32
      %dma_start3A_639 = tpu.memref_slice %arg3[%squeeze3A_633, %dma_start3A_638] : memref<1000000x32xf32, #tpu.memory_space<hbm>> -> memref<1x32xf32, #tpu.memory_space<hbm>>
      %dma_start3A_640 = tpu.memref_squeeze %dma_start3A_639 : memref<1x32xf32, #tpu.memory_space<hbm>> -> memref<32xf32, #tpu.memory_space<hbm>>
      tpu.enqueue_dma source(%dma_start3A_640 : memref<32xf32, #tpu.memory_space<hbm>>) target(%dma_start3A_637 : memref<32xf32, #tpu.memory_space<hbm>>) target_semaphore(%arg9 : memref<!tpu.dma_semaphore, #tpu.memory_space<semaphore_mem>>)
      %mul3A_641 = arith.constant 64 : i32
      %mul3A_642 = arith.muli %add3A_11, %mul3A_641 : i32
      %add3A_643 = arith.constant 32 : i32
      %add3A_644 = arith.addi %mul3A_642, %add3A_643 : i32
      %add3A_645 = arith.constant 9 : i32
      %add3A_646 = arith.addi %add3A_644, %add3A_645 : i32
      %slice3A_647 = vector.extract_strided_slice %get3A_505 {offsets = [9], sizes = [1], strides = [1]} : vector<16xi32> to vector<1xi32>
      %squeeze3A_648 = vector.extract %slice3A_647[0] : i32 from vector<1xi32>
      %add3A_649 = arith.addi %mul3A_2, %add3A_646 : i32
      %dma_start3A_650 = arith.constant 0 : i32
      %dma_start3A_651 = tpu.memref_slice %arg4[%add3A_649, %dma_start3A_650] : memref<16384x32xf32, #tpu.memory_space<hbm>> -> memref<1x32xf32, #tpu.memory_space<hbm>>
      %dma_start3A_652 = tpu.memref_squeeze %dma_start3A_651 : memref<1x32xf32, #tpu.memory_space<hbm>> -> memref<32xf32, #tpu.memory_space<hbm>>
      %dma_start3A_653 = arith.constant 0 : i32
      %dma_start3A_654 = tpu.memref_slice %arg3[%squeeze3A_648, %dma_start3A_653] : memref<1000000x32xf32, #tpu.memory_space<hbm>> -> memref<1x32xf32, #tpu.memory_space<hbm>>
      %dma_start3A_655 = tpu.memref_squeeze %dma_start3A_654 : memref<1x32xf32, #tpu.memory_space<hbm>> -> memref<32xf32, #tpu.memory_space<hbm>>
      tpu.enqueue_dma source(%dma_start3A_655 : memref<32xf32, #tpu.memory_space<hbm>>) target(%dma_start3A_652 : memref<32xf32, #tpu.memory_space<hbm>>) target_semaphore(%arg9 : memref<!tpu.dma_semaphore, #tpu.memory_space<semaphore_mem>>)
      %mul3A_656 = arith.constant 64 : i32
      %mul3A_657 = arith.muli %add3A_11, %mul3A_656 : i32
      %add3A_658 = arith.constant 32 : i32
      %add3A_659 = arith.addi %mul3A_657, %add3A_658 : i32
      %add3A_660 = arith.constant 10 : i32
      %add3A_661 = arith.addi %add3A_659, %add3A_660 : i32
      %slice3A_662 = vector.extract_strided_slice %get3A_505 {offsets = [10], sizes = [1], strides = [1]} : vector<16xi32> to vector<1xi32>
      %squeeze3A_663 = vector.extract %slice3A_662[0] : i32 from vector<1xi32>
      %add3A_664 = arith.addi %mul3A_2, %add3A_661 : i32
      %dma_start3A_665 = arith.constant 0 : i32
      %dma_start3A_666 = tpu.memref_slice %arg4[%add3A_664, %dma_start3A_665] : memref<16384x32xf32, #tpu.memory_space<hbm>> -> memref<1x32xf32, #tpu.memory_space<hbm>>
      %dma_start3A_667 = tpu.memref_squeeze %dma_start3A_666 : memref<1x32xf32, #tpu.memory_space<hbm>> -> memref<32xf32, #tpu.memory_space<hbm>>
      %dma_start3A_668 = arith.constant 0 : i32
      %dma_start3A_669 = tpu.memref_slice %arg3[%squeeze3A_663, %dma_start3A_668] : memref<1000000x32xf32, #tpu.memory_space<hbm>> -> memref<1x32xf32, #tpu.memory_space<hbm>>
      %dma_start3A_670 = tpu.memref_squeeze %dma_start3A_669 : memref<1x32xf32, #tpu.memory_space<hbm>> -> memref<32xf32, #tpu.memory_space<hbm>>
      tpu.enqueue_dma source(%dma_start3A_670 : memref<32xf32, #tpu.memory_space<hbm>>) target(%dma_start3A_667 : memref<32xf32, #tpu.memory_space<hbm>>) target_semaphore(%arg9 : memref<!tpu.dma_semaphore, #tpu.memory_space<semaphore_mem>>)
      %mul3A_671 = arith.constant 64 : i32
      %mul3A_672 = arith.muli %add3A_11, %mul3A_671 : i32
      %add3A_673 = arith.constant 32 : i32
      %add3A_674 = arith.addi %mul3A_672, %add3A_673 : i32
      %add3A_675 = arith.constant 11 : i32
      %add3A_676 = arith.addi %add3A_674, %add3A_675 : i32
      %slice3A_677 = vector.extract_strided_slice %get3A_505 {offsets = [11], sizes = [1], strides = [1]} : vector<16xi32> to vector<1xi32>
      %squeeze3A_678 = vector.extract %slice3A_677[0] : i32 from vector<1xi32>
      %add3A_679 = arith.addi %mul3A_2, %add3A_676 : i32
      %dma_start3A_680 = arith.constant 0 : i32
      %dma_start3A_681 = tpu.memref_slice %arg4[%add3A_679, %dma_start3A_680] : memref<16384x32xf32, #tpu.memory_space<hbm>> -> memref<1x32xf32, #tpu.memory_space<hbm>>
      %dma_start3A_682 = tpu.memref_squeeze %dma_start3A_681 : memref<1x32xf32, #tpu.memory_space<hbm>> -> memref<32xf32, #tpu.memory_space<hbm>>
      %dma_start3A_683 = arith.constant 0 : i32
      %dma_start3A_684 = tpu.memref_slice %arg3[%squeeze3A_678, %dma_start3A_683] : memref<1000000x32xf32, #tpu.memory_space<hbm>> -> memref<1x32xf32, #tpu.memory_space<hbm>>
      %dma_start3A_685 = tpu.memref_squeeze %dma_start3A_684 : memref<1x32xf32, #tpu.memory_space<hbm>> -> memref<32xf32, #tpu.memory_space<hbm>>
      tpu.enqueue_dma source(%dma_start3A_685 : memref<32xf32, #tpu.memory_space<hbm>>) target(%dma_start3A_682 : memref<32xf32, #tpu.memory_space<hbm>>) target_semaphore(%arg9 : memref<!tpu.dma_semaphore, #tpu.memory_space<semaphore_mem>>)
      %mul3A_686 = arith.constant 64 : i32
      %mul3A_687 = arith.muli %add3A_11, %mul3A_686 : i32
      %add3A_688 = arith.constant 32 : i32
      %add3A_689 = arith.addi %mul3A_687, %add3A_688 : i32
      %add3A_690 = arith.constant 12 : i32
      %add3A_691 = arith.addi %add3A_689, %add3A_690 : i32
      %slice3A_692 = vector.extract_strided_slice %get3A_505 {offsets = [12], sizes = [1], strides = [1]} : vector<16xi32> to vector<1xi32>
      %squeeze3A_693 = vector.extract %slice3A_692[0] : i32 from vector<1xi32>
      %add3A_694 = arith.addi %mul3A_2, %add3A_691 : i32
      %dma_start3A_695 = arith.constant 0 : i32
      %dma_start3A_696 = tpu.memref_slice %arg4[%add3A_694, %dma_start3A_695] : memref<16384x32xf32, #tpu.memory_space<hbm>> -> memref<1x32xf32, #tpu.memory_space<hbm>>
      %dma_start3A_697 = tpu.memref_squeeze %dma_start3A_696 : memref<1x32xf32, #tpu.memory_space<hbm>> -> memref<32xf32, #tpu.memory_space<hbm>>
      %dma_start3A_698 = arith.constant 0 : i32
      %dma_start3A_699 = tpu.memref_slice %arg3[%squeeze3A_693, %dma_start3A_698] : memref<1000000x32xf32, #tpu.memory_space<hbm>> -> memref<1x32xf32, #tpu.memory_space<hbm>>
      %dma_start3A_700 = tpu.memref_squeeze %dma_start3A_699 : memref<1x32xf32, #tpu.memory_space<hbm>> -> memref<32xf32, #tpu.memory_space<hbm>>
      tpu.enqueue_dma source(%dma_start3A_700 : memref<32xf32, #tpu.memory_space<hbm>>) target(%dma_start3A_697 : memref<32xf32, #tpu.memory_space<hbm>>) target_semaphore(%arg9 : memref<!tpu.dma_semaphore, #tpu.memory_space<semaphore_mem>>)
      %mul3A_701 = arith.constant 64 : i32
      %mul3A_702 = arith.muli %add3A_11, %mul3A_701 : i32
      %add3A_703 = arith.constant 32 : i32
      %add3A_704 = arith.addi %mul3A_702, %add3A_703 : i32
      %add3A_705 = arith.constant 13 : i32
      %add3A_706 = arith.addi %add3A_704, %add3A_705 : i32
      %slice3A_707 = vector.extract_strided_slice %get3A_505 {offsets = [13], sizes = [1], strides = [1]} : vector<16xi32> to vector<1xi32>
      %squeeze3A_708 = vector.extract %slice3A_707[0] : i32 from vector<1xi32>
      %add3A_709 = arith.addi %mul3A_2, %add3A_706 : i32
      %dma_start3A_710 = arith.constant 0 : i32
      %dma_start3A_711 = tpu.memref_slice %arg4[%add3A_709, %dma_start3A_710] : memref<16384x32xf32, #tpu.memory_space<hbm>> -> memref<1x32xf32, #tpu.memory_space<hbm>>
      %dma_start3A_712 = tpu.memref_squeeze %dma_start3A_711 : memref<1x32xf32, #tpu.memory_space<hbm>> -> memref<32xf32, #tpu.memory_space<hbm>>
      %dma_start3A_713 = arith.constant 0 : i32
      %dma_start3A_714 = tpu.memref_slice %arg3[%squeeze3A_708, %dma_start3A_713] : memref<1000000x32xf32, #tpu.memory_space<hbm>> -> memref<1x32xf32, #tpu.memory_space<hbm>>
      %dma_start3A_715 = tpu.memref_squeeze %dma_start3A_714 : memref<1x32xf32, #tpu.memory_space<hbm>> -> memref<32xf32, #tpu.memory_space<hbm>>
      tpu.enqueue_dma source(%dma_start3A_715 : memref<32xf32, #tpu.memory_space<hbm>>) target(%dma_start3A_712 : memref<32xf32, #tpu.memory_space<hbm>>) target_semaphore(%arg9 : memref<!tpu.dma_semaphore, #tpu.memory_space<semaphore_mem>>)
      %mul3A_716 = arith.constant 64 : i32
      %mul3A_717 = arith.muli %add3A_11, %mul3A_716 : i32
      %add3A_718 = arith.constant 32 : i32
      %add3A_719 = arith.addi %mul3A_717, %add3A_718 : i32
      %add3A_720 = arith.constant 14 : i32
      %add3A_721 = arith.addi %add3A_719, %add3A_720 : i32
      %slice3A_722 = vector.extract_strided_slice %get3A_505 {offsets = [14], sizes = [1], strides = [1]} : vector<16xi32> to vector<1xi32>
      %squeeze3A_723 = vector.extract %slice3A_722[0] : i32 from vector<1xi32>
      %add3A_724 = arith.addi %mul3A_2, %add3A_721 : i32
      %dma_start3A_725 = arith.constant 0 : i32
      %dma_start3A_726 = tpu.memref_slice %arg4[%add3A_724, %dma_start3A_725] : memref<16384x32xf32, #tpu.memory_space<hbm>> -> memref<1x32xf32, #tpu.memory_space<hbm>>
      %dma_start3A_727 = tpu.memref_squeeze %dma_start3A_726 : memref<1x32xf32, #tpu.memory_space<hbm>> -> memref<32xf32, #tpu.memory_space<hbm>>
      %dma_start3A_728 = arith.constant 0 : i32
      %dma_start3A_729 = tpu.memref_slice %arg3[%squeeze3A_723, %dma_start3A_728] : memref<1000000x32xf32, #tpu.memory_space<hbm>> -> memref<1x32xf32, #tpu.memory_space<hbm>>
      %dma_start3A_730 = tpu.memref_squeeze %dma_start3A_729 : memref<1x32xf32, #tpu.memory_space<hbm>> -> memref<32xf32, #tpu.memory_space<hbm>>
      tpu.enqueue_dma source(%dma_start3A_730 : memref<32xf32, #tpu.memory_space<hbm>>) target(%dma_start3A_727 : memref<32xf32, #tpu.memory_space<hbm>>) target_semaphore(%arg9 : memref<!tpu.dma_semaphore, #tpu.memory_space<semaphore_mem>>)
      %mul3A_731 = arith.constant 64 : i32
      %mul3A_732 = arith.muli %add3A_11, %mul3A_731 : i32
      %add3A_733 = arith.constant 32 : i32
      %add3A_734 = arith.addi %mul3A_732, %add3A_733 : i32
      %add3A_735 = arith.constant 15 : i32
      %add3A_736 = arith.addi %add3A_734, %add3A_735 : i32
      %slice3A_737 = vector.extract_strided_slice %get3A_505 {offsets = [15], sizes = [1], strides = [1]} : vector<16xi32> to vector<1xi32>
      %squeeze3A_738 = vector.extract %slice3A_737[0] : i32 from vector<1xi32>
      %add3A_739 = arith.addi %mul3A_2, %add3A_736 : i32
      %dma_start3A_740 = arith.constant 0 : i32
      %dma_start3A_741 = tpu.memref_slice %arg4[%add3A_739, %dma_start3A_740] : memref<16384x32xf32, #tpu.memory_space<hbm>> -> memref<1x32xf32, #tpu.memory_space<hbm>>
      %dma_start3A_742 = tpu.memref_squeeze %dma_start3A_741 : memref<1x32xf32, #tpu.memory_space<hbm>> -> memref<32xf32, #tpu.memory_space<hbm>>
      %dma_start3A_743 = arith.constant 0 : i32
      %dma_start3A_744 = tpu.memref_slice %arg3[%squeeze3A_738, %dma_start3A_743] : memref<1000000x32xf32, #tpu.memory_space<hbm>> -> memref<1x32xf32, #tpu.memory_space<hbm>>
      %dma_start3A_745 = tpu.memref_squeeze %dma_start3A_744 : memref<1x32xf32, #tpu.memory_space<hbm>> -> memref<32xf32, #tpu.memory_space<hbm>>
      tpu.enqueue_dma source(%dma_start3A_745 : memref<32xf32, #tpu.memory_space<hbm>>) target(%dma_start3A_742 : memref<32xf32, #tpu.memory_space<hbm>>) target_semaphore(%arg9 : memref<!tpu.dma_semaphore, #tpu.memory_space<semaphore_mem>>)
      %mul3A_746 = arith.constant 64 : i32
      %mul3A_747 = arith.muli %add3A_11, %mul3A_746 : i32
      %add3A_748 = arith.constant 48 : i32
      %add3A_749 = arith.addi %mul3A_747, %add3A_748 : i32
      %get3A_750 = arith.index_cast %add3A_749 : i32 to index
      %get3A_751 = tpu.vector_load %arg5[%get3A_750] {strides = array<i32>} : memref<512xi32, #tpu.memory_space<vmem>>, vector<16xi32>,
      %mul3A_752 = arith.constant 64 : i32
      %mul3A_753 = arith.muli %add3A_11, %mul3A_752 : i32
      %add3A_754 = arith.constant 48 : i32
      %add3A_755 = arith.addi %mul3A_753, %add3A_754 : i32
      %add3A_756 = arith.constant 0 : i32
      %add3A_757 = arith.addi %add3A_755, %add3A_756 : i32
      %slice3A_758 = vector.extract_strided_slice %get3A_751 {offsets = [0], sizes = [1], strides = [1]} : vector<16xi32> to vector<1xi32>
      %squeeze3A_759 = vector.extract %slice3A_758[0] : i32 from vector<1xi32>
      %add3A_760 = arith.addi %mul3A_2, %add3A_757 : i32
      %dma_start3A_761 = arith.constant 0 : i32
      %dma_start3A_762 = tpu.memref_slice %arg4[%add3A_760, %dma_start3A_761] : memref<16384x32xf32, #tpu.memory_space<hbm>> -> memref<1x32xf32, #tpu.memory_space<hbm>>
      %dma_start3A_763 = tpu.memref_squeeze %dma_start3A_762 : memref<1x32xf32, #tpu.memory_space<hbm>> -> memref<32xf32, #tpu.memory_space<hbm>>
      %dma_start3A_764 = arith.constant 0 : i32
      %dma_start3A_765 = tpu.memref_slice %arg3[%squeeze3A_759, %dma_start3A_764] : memref<1000000x32xf32, #tpu.memory_space<hbm>> -> memref<1x32xf32, #tpu.memory_space<hbm>>
      %dma_start3A_766 = tpu.memref_squeeze %dma_start3A_765 : memref<1x32xf32, #tpu.memory_space<hbm>> -> memref<32xf32, #tpu.memory_space<hbm>>
      tpu.enqueue_dma source(%dma_start3A_766 : memref<32xf32, #tpu.memory_space<hbm>>) target(%dma_start3A_763 : memref<32xf32, #tpu.memory_space<hbm>>) target_semaphore(%arg10 : memref<!tpu.dma_semaphore, #tpu.memory_space<semaphore_mem>>)
      %mul3A_767 = arith.constant 64 : i32
      %mul3A_768 = arith.muli %add3A_11, %mul3A_767 : i32
      %add3A_769 = arith.constant 48 : i32
      %add3A_770 = arith.addi %mul3A_768, %add3A_769 : i32
      %add3A_771 = arith.constant 1 : i32
      %add3A_772 = arith.addi %add3A_770, %add3A_771 : i32
      %slice3A_773 = vector.extract_strided_slice %get3A_751 {offsets = [1], sizes = [1], strides = [1]} : vector<16xi32> to vector<1xi32>
      %squeeze3A_774 = vector.extract %slice3A_773[0] : i32 from vector<1xi32>
      %add3A_775 = arith.addi %mul3A_2, %add3A_772 : i32
      %dma_start3A_776 = arith.constant 0 : i32
      %dma_start3A_777 = tpu.memref_slice %arg4[%add3A_775, %dma_start3A_776] : memref<16384x32xf32, #tpu.memory_space<hbm>> -> memref<1x32xf32, #tpu.memory_space<hbm>>
      %dma_start3A_778 = tpu.memref_squeeze %dma_start3A_777 : memref<1x32xf32, #tpu.memory_space<hbm>> -> memref<32xf32, #tpu.memory_space<hbm>>
      %dma_start3A_779 = arith.constant 0 : i32
      %dma_start3A_780 = tpu.memref_slice %arg3[%squeeze3A_774, %dma_start3A_779] : memref<1000000x32xf32, #tpu.memory_space<hbm>> -> memref<1x32xf32, #tpu.memory_space<hbm>>
      %dma_start3A_781 = tpu.memref_squeeze %dma_start3A_780 : memref<1x32xf32, #tpu.memory_space<hbm>> -> memref<32xf32, #tpu.memory_space<hbm>>
      tpu.enqueue_dma source(%dma_start3A_781 : memref<32xf32, #tpu.memory_space<hbm>>) target(%dma_start3A_778 : memref<32xf32, #tpu.memory_space<hbm>>) target_semaphore(%arg10 : memref<!tpu.dma_semaphore, #tpu.memory_space<semaphore_mem>>)
      %mul3A_782 = arith.constant 64 : i32
      %mul3A_783 = arith.muli %add3A_11, %mul3A_782 : i32
      %add3A_784 = arith.constant 48 : i32
      %add3A_785 = arith.addi %mul3A_783, %add3A_784 : i32
      %add3A_786 = arith.constant 2 : i32
      %add3A_787 = arith.addi %add3A_785, %add3A_786 : i32
      %slice3A_788 = vector.extract_strided_slice %get3A_751 {offsets = [2], sizes = [1], strides = [1]} : vector<16xi32> to vector<1xi32>
      %squeeze3A_789 = vector.extract %slice3A_788[0] : i32 from vector<1xi32>
      %add3A_790 = arith.addi %mul3A_2, %add3A_787 : i32
      %dma_start3A_791 = arith.constant 0 : i32
      %dma_start3A_792 = tpu.memref_slice %arg4[%add3A_790, %dma_start3A_791] : memref<16384x32xf32, #tpu.memory_space<hbm>> -> memref<1x32xf32, #tpu.memory_space<hbm>>
      %dma_start3A_793 = tpu.memref_squeeze %dma_start3A_792 : memref<1x32xf32, #tpu.memory_space<hbm>> -> memref<32xf32, #tpu.memory_space<hbm>>
      %dma_start3A_794 = arith.constant 0 : i32
      %dma_start3A_795 = tpu.memref_slice %arg3[%squeeze3A_789, %dma_start3A_794] : memref<1000000x32xf32, #tpu.memory_space<hbm>> -> memref<1x32xf32, #tpu.memory_space<hbm>>
      %dma_start3A_796 = tpu.memref_squeeze %dma_start3A_795 : memref<1x32xf32, #tpu.memory_space<hbm>> -> memref<32xf32, #tpu.memory_space<hbm>>
      tpu.enqueue_dma source(%dma_start3A_796 : memref<32xf32, #tpu.memory_space<hbm>>) target(%dma_start3A_793 : memref<32xf32, #tpu.memory_space<hbm>>) target_semaphore(%arg10 : memref<!tpu.dma_semaphore, #tpu.memory_space<semaphore_mem>>)
      %mul3A_797 = arith.constant 64 : i32
      %mul3A_798 = arith.muli %add3A_11, %mul3A_797 : i32
      %add3A_799 = arith.constant 48 : i32
      %add3A_800 = arith.addi %mul3A_798, %add3A_799 : i32
      %add3A_801 = arith.constant 3 : i32
      %add3A_802 = arith.addi %add3A_800, %add3A_801 : i32
      %slice3A_803 = vector.extract_strided_slice %get3A_751 {offsets = [3], sizes = [1], strides = [1]} : vector<16xi32> to vector<1xi32>
      %squeeze3A_804 = vector.extract %slice3A_803[0] : i32 from vector<1xi32>
      %add3A_805 = arith.addi %mul3A_2, %add3A_802 : i32
      %dma_start3A_806 = arith.constant 0 : i32
      %dma_start3A_807 = tpu.memref_slice %arg4[%add3A_805, %dma_start3A_806] : memref<16384x32xf32, #tpu.memory_space<hbm>> -> memref<1x32xf32, #tpu.memory_space<hbm>>
      %dma_start3A_808 = tpu.memref_squeeze %dma_start3A_807 : memref<1x32xf32, #tpu.memory_space<hbm>> -> memref<32xf32, #tpu.memory_space<hbm>>
      %dma_start3A_809 = arith.constant 0 : i32
      %dma_start3A_810 = tpu.memref_slice %arg3[%squeeze3A_804, %dma_start3A_809] : memref<1000000x32xf32, #tpu.memory_space<hbm>> -> memref<1x32xf32, #tpu.memory_space<hbm>>
      %dma_start3A_811 = tpu.memref_squeeze %dma_start3A_810 : memref<1x32xf32, #tpu.memory_space<hbm>> -> memref<32xf32, #tpu.memory_space<hbm>>
      tpu.enqueue_dma source(%dma_start3A_811 : memref<32xf32, #tpu.memory_space<hbm>>) target(%dma_start3A_808 : memref<32xf32, #tpu.memory_space<hbm>>) target_semaphore(%arg10 : memref<!tpu.dma_semaphore, #tpu.memory_space<semaphore_mem>>)
      %mul3A_812 = arith.constant 64 : i32
      %mul3A_813 = arith.muli %add3A_11, %mul3A_812 : i32
      %add3A_814 = arith.constant 48 : i32
      %add3A_815 = arith.addi %mul3A_813, %add3A_814 : i32
      %add3A_816 = arith.constant 4 : i32
      %add3A_817 = arith.addi %add3A_815, %add3A_816 : i32
      %slice3A_818 = vector.extract_strided_slice %get3A_751 {offsets = [4], sizes = [1], strides = [1]} : vector<16xi32> to vector<1xi32>
      %squeeze3A_819 = vector.extract %slice3A_818[0] : i32 from vector<1xi32>
      %add3A_820 = arith.addi %mul3A_2, %add3A_817 : i32
      %dma_start3A_821 = arith.constant 0 : i32
      %dma_start3A_822 = tpu.memref_slice %arg4[%add3A_820, %dma_start3A_821] : memref<16384x32xf32, #tpu.memory_space<hbm>> -> memref<1x32xf32, #tpu.memory_space<hbm>>
      %dma_start3A_823 = tpu.memref_squeeze %dma_start3A_822 : memref<1x32xf32, #tpu.memory_space<hbm>> -> memref<32xf32, #tpu.memory_space<hbm>>
      %dma_start3A_824 = arith.constant 0 : i32
      %dma_start3A_825 = tpu.memref_slice %arg3[%squeeze3A_819, %dma_start3A_824] : memref<1000000x32xf32, #tpu.memory_space<hbm>> -> memref<1x32xf32, #tpu.memory_space<hbm>>
      %dma_start3A_826 = tpu.memref_squeeze %dma_start3A_825 : memref<1x32xf32, #tpu.memory_space<hbm>> -> memref<32xf32, #tpu.memory_space<hbm>>
      tpu.enqueue_dma source(%dma_start3A_826 : memref<32xf32, #tpu.memory_space<hbm>>) target(%dma_start3A_823 : memref<32xf32, #tpu.memory_space<hbm>>) target_semaphore(%arg10 : memref<!tpu.dma_semaphore, #tpu.memory_space<semaphore_mem>>)
      %mul3A_827 = arith.constant 64 : i32
      %mul3A_828 = arith.muli %add3A_11, %mul3A_827 : i32
      %add3A_829 = arith.constant 48 : i32
      %add3A_830 = arith.addi %mul3A_828, %add3A_829 : i32
      %add3A_831 = arith.constant 5 : i32
      %add3A_832 = arith.addi %add3A_830, %add3A_831 : i32
      %slice3A_833 = vector.extract_strided_slice %get3A_751 {offsets = [5], sizes = [1], strides = [1]} : vector<16xi32> to vector<1xi32>
      %squeeze3A_834 = vector.extract %slice3A_833[0] : i32 from vector<1xi32>
      %add3A_835 = arith.addi %mul3A_2, %add3A_832 : i32
      %dma_start3A_836 = arith.constant 0 : i32
      %dma_start3A_837 = tpu.memref_slice %arg4[%add3A_835, %dma_start3A_836] : memref<16384x32xf32, #tpu.memory_space<hbm>> -> memref<1x32xf32, #tpu.memory_space<hbm>>
      %dma_start3A_838 = tpu.memref_squeeze %dma_start3A_837 : memref<1x32xf32, #tpu.memory_space<hbm>> -> memref<32xf32, #tpu.memory_space<hbm>>
      %dma_start3A_839 = arith.constant 0 : i32
      %dma_start3A_840 = tpu.memref_slice %arg3[%squeeze3A_834, %dma_start3A_839] : memref<1000000x32xf32, #tpu.memory_space<hbm>> -> memref<1x32xf32, #tpu.memory_space<hbm>>
      %dma_start3A_841 = tpu.memref_squeeze %dma_start3A_840 : memref<1x32xf32, #tpu.memory_space<hbm>> -> memref<32xf32, #tpu.memory_space<hbm>>
      tpu.enqueue_dma source(%dma_start3A_841 : memref<32xf32, #tpu.memory_space<hbm>>) target(%dma_start3A_838 : memref<32xf32, #tpu.memory_space<hbm>>) target_semaphore(%arg10 : memref<!tpu.dma_semaphore, #tpu.memory_space<semaphore_mem>>)
      %mul3A_842 = arith.constant 64 : i32
      %mul3A_843 = arith.muli %add3A_11, %mul3A_842 : i32
      %add3A_844 = arith.constant 48 : i32
      %add3A_845 = arith.addi %mul3A_843, %add3A_844 : i32
      %add3A_846 = arith.constant 6 : i32
      %add3A_847 = arith.addi %add3A_845, %add3A_846 : i32
      %slice3A_848 = vector.extract_strided_slice %get3A_751 {offsets = [6], sizes = [1], strides = [1]} : vector<16xi32> to vector<1xi32>
      %squeeze3A_849 = vector.extract %slice3A_848[0] : i32 from vector<1xi32>
      %add3A_850 = arith.addi %mul3A_2, %add3A_847 : i32
      %dma_start3A_851 = arith.constant 0 : i32
      %dma_start3A_852 = tpu.memref_slice %arg4[%add3A_850, %dma_start3A_851] : memref<16384x32xf32, #tpu.memory_space<hbm>> -> memref<1x32xf32, #tpu.memory_space<hbm>>
      %dma_start3A_853 = tpu.memref_squeeze %dma_start3A_852 : memref<1x32xf32, #tpu.memory_space<hbm>> -> memref<32xf32, #tpu.memory_space<hbm>>
      %dma_start3A_854 = arith.constant 0 : i32
      %dma_start3A_855 = tpu.memref_slice %arg3[%squeeze3A_849, %dma_start3A_854] : memref<1000000x32xf32, #tpu.memory_space<hbm>> -> memref<1x32xf32, #tpu.memory_space<hbm>>
      %dma_start3A_856 = tpu.memref_squeeze %dma_start3A_855 : memref<1x32xf32, #tpu.memory_space<hbm>> -> memref<32xf32, #tpu.memory_space<hbm>>
      tpu.enqueue_dma source(%dma_start3A_856 : memref<32xf32, #tpu.memory_space<hbm>>) target(%dma_start3A_853 : memref<32xf32, #tpu.memory_space<hbm>>) target_semaphore(%arg10 : memref<!tpu.dma_semaphore, #tpu.memory_space<semaphore_mem>>)
      %mul3A_857 = arith.constant 64 : i32
      %mul3A_858 = arith.muli %add3A_11, %mul3A_857 : i32
      %add3A_859 = arith.constant 48 : i32
      %add3A_860 = arith.addi %mul3A_858, %add3A_859 : i32
      %add3A_861 = arith.constant 7 : i32
      %add3A_862 = arith.addi %add3A_860, %add3A_861 : i32
      %slice3A_863 = vector.extract_strided_slice %get3A_751 {offsets = [7], sizes = [1], strides = [1]} : vector<16xi32> to vector<1xi32>
      %squeeze3A_864 = vector.extract %slice3A_863[0] : i32 from vector<1xi32>
      %add3A_865 = arith.addi %mul3A_2, %add3A_862 : i32
      %dma_start3A_866 = arith.constant 0 : i32
      %dma_start3A_867 = tpu.memref_slice %arg4[%add3A_865, %dma_start3A_866] : memref<16384x32xf32, #tpu.memory_space<hbm>> -> memref<1x32xf32, #tpu.memory_space<hbm>>
      %dma_start3A_868 = tpu.memref_squeeze %dma_start3A_867 : memref<1x32xf32, #tpu.memory_space<hbm>> -> memref<32xf32, #tpu.memory_space<hbm>>
      %dma_start3A_869 = arith.constant 0 : i32
      %dma_start3A_870 = tpu.memref_slice %arg3[%squeeze3A_864, %dma_start3A_869] : memref<1000000x32xf32, #tpu.memory_space<hbm>> -> memref<1x32xf32, #tpu.memory_space<hbm>>
      %dma_start3A_871 = tpu.memref_squeeze %dma_start3A_870 : memref<1x32xf32, #tpu.memory_space<hbm>> -> memref<32xf32, #tpu.memory_space<hbm>>
      tpu.enqueue_dma source(%dma_start3A_871 : memref<32xf32, #tpu.memory_space<hbm>>) target(%dma_start3A_868 : memref<32xf32, #tpu.memory_space<hbm>>) target_semaphore(%arg10 : memref<!tpu.dma_semaphore, #tpu.memory_space<semaphore_mem>>)
      %mul3A_872 = arith.constant 64 : i32
      %mul3A_873 = arith.muli %add3A_11, %mul3A_872 : i32
      %add3A_874 = arith.constant 48 : i32
      %add3A_875 = arith.addi %mul3A_873, %add3A_874 : i32
      %add3A_876 = arith.constant 8 : i32
      %add3A_877 = arith.addi %add3A_875, %add3A_876 : i32
      %slice3A_878 = vector.extract_strided_slice %get3A_751 {offsets = [8], sizes = [1], strides = [1]} : vector<16xi32> to vector<1xi32>
      %squeeze3A_879 = vector.extract %slice3A_878[0] : i32 from vector<1xi32>
      %add3A_880 = arith.addi %mul3A_2, %add3A_877 : i32
      %dma_start3A_881 = arith.constant 0 : i32
      %dma_start3A_882 = tpu.memref_slice %arg4[%add3A_880, %dma_start3A_881] : memref<16384x32xf32, #tpu.memory_space<hbm>> -> memref<1x32xf32, #tpu.memory_space<hbm>>
      %dma_start3A_883 = tpu.memref_squeeze %dma_start3A_882 : memref<1x32xf32, #tpu.memory_space<hbm>> -> memref<32xf32, #tpu.memory_space<hbm>>
      %dma_start3A_884 = arith.constant 0 : i32
      %dma_start3A_885 = tpu.memref_slice %arg3[%squeeze3A_879, %dma_start3A_884] : memref<1000000x32xf32, #tpu.memory_space<hbm>> -> memref<1x32xf32, #tpu.memory_space<hbm>>
      %dma_start3A_886 = tpu.memref_squeeze %dma_start3A_885 : memref<1x32xf32, #tpu.memory_space<hbm>> -> memref<32xf32, #tpu.memory_space<hbm>>
      tpu.enqueue_dma source(%dma_start3A_886 : memref<32xf32, #tpu.memory_space<hbm>>) target(%dma_start3A_883 : memref<32xf32, #tpu.memory_space<hbm>>) target_semaphore(%arg10 : memref<!tpu.dma_semaphore, #tpu.memory_space<semaphore_mem>>)
      %mul3A_887 = arith.constant 64 : i32
      %mul3A_888 = arith.muli %add3A_11, %mul3A_887 : i32
      %add3A_889 = arith.constant 48 : i32
      %add3A_890 = arith.addi %mul3A_888, %add3A_889 : i32
      %add3A_891 = arith.constant 9 : i32
      %add3A_892 = arith.addi %add3A_890, %add3A_891 : i32
      %slice3A_893 = vector.extract_strided_slice %get3A_751 {offsets = [9], sizes = [1], strides = [1]} : vector<16xi32> to vector<1xi32>
      %squeeze3A_894 = vector.extract %slice3A_893[0] : i32 from vector<1xi32>
      %add3A_895 = arith.addi %mul3A_2, %add3A_892 : i32
      %dma_start3A_896 = arith.constant 0 : i32
      %dma_start3A_897 = tpu.memref_slice %arg4[%add3A_895, %dma_start3A_896] : memref<16384x32xf32, #tpu.memory_space<hbm>> -> memref<1x32xf32, #tpu.memory_space<hbm>>
      %dma_start3A_898 = tpu.memref_squeeze %dma_start3A_897 : memref<1x32xf32, #tpu.memory_space<hbm>> -> memref<32xf32, #tpu.memory_space<hbm>>
      %dma_start3A_899 = arith.constant 0 : i32
      %dma_start3A_900 = tpu.memref_slice %arg3[%squeeze3A_894, %dma_start3A_899] : memref<1000000x32xf32, #tpu.memory_space<hbm>> -> memref<1x32xf32, #tpu.memory_space<hbm>>
      %dma_start3A_901 = tpu.memref_squeeze %dma_start3A_900 : memref<1x32xf32, #tpu.memory_space<hbm>> -> memref<32xf32, #tpu.memory_space<hbm>>
      tpu.enqueue_dma source(%dma_start3A_901 : memref<32xf32, #tpu.memory_space<hbm>>) target(%dma_start3A_898 : memref<32xf32, #tpu.memory_space<hbm>>) target_semaphore(%arg10 : memref<!tpu.dma_semaphore, #tpu.memory_space<semaphore_mem>>)
      %mul3A_902 = arith.constant 64 : i32
      %mul3A_903 = arith.muli %add3A_11, %mul3A_902 : i32
      %add3A_904 = arith.constant 48 : i32
      %add3A_905 = arith.addi %mul3A_903, %add3A_904 : i32
      %add3A_906 = arith.constant 10 : i32
      %add3A_907 = arith.addi %add3A_905, %add3A_906 : i32
      %slice3A_908 = vector.extract_strided_slice %get3A_751 {offsets = [10], sizes = [1], strides = [1]} : vector<16xi32> to vector<1xi32>
      %squeeze3A_909 = vector.extract %slice3A_908[0] : i32 from vector<1xi32>
      %add3A_910 = arith.addi %mul3A_2, %add3A_907 : i32
      %dma_start3A_911 = arith.constant 0 : i32
      %dma_start3A_912 = tpu.memref_slice %arg4[%add3A_910, %dma_start3A_911] : memref<16384x32xf32, #tpu.memory_space<hbm>> -> memref<1x32xf32, #tpu.memory_space<hbm>>
      %dma_start3A_913 = tpu.memref_squeeze %dma_start3A_912 : memref<1x32xf32, #tpu.memory_space<hbm>> -> memref<32xf32, #tpu.memory_space<hbm>>
      %dma_start3A_914 = arith.constant 0 : i32
      %dma_start3A_915 = tpu.memref_slice %arg3[%squeeze3A_909, %dma_start3A_914] : memref<1000000x32xf32, #tpu.memory_space<hbm>> -> memref<1x32xf32, #tpu.memory_space<hbm>>
      %dma_start3A_916 = tpu.memref_squeeze %dma_start3A_915 : memref<1x32xf32, #tpu.memory_space<hbm>> -> memref<32xf32, #tpu.memory_space<hbm>>
      tpu.enqueue_dma source(%dma_start3A_916 : memref<32xf32, #tpu.memory_space<hbm>>) target(%dma_start3A_913 : memref<32xf32, #tpu.memory_space<hbm>>) target_semaphore(%arg10 : memref<!tpu.dma_semaphore, #tpu.memory_space<semaphore_mem>>)
      %mul3A_917 = arith.constant 64 : i32
      %mul3A_918 = arith.muli %add3A_11, %mul3A_917 : i32
      %add3A_919 = arith.constant 48 : i32
      %add3A_920 = arith.addi %mul3A_918, %add3A_919 : i32
      %add3A_921 = arith.constant 11 : i32
      %add3A_922 = arith.addi %add3A_920, %add3A_921 : i32
      %slice3A_923 = vector.extract_strided_slice %get3A_751 {offsets = [11], sizes = [1], strides = [1]} : vector<16xi32> to vector<1xi32>
      %squeeze3A_924 = vector.extract %slice3A_923[0] : i32 from vector<1xi32>
      %add3A_925 = arith.addi %mul3A_2, %add3A_922 : i32
      %dma_start3A_926 = arith.constant 0 : i32
      %dma_start3A_927 = tpu.memref_slice %arg4[%add3A_925, %dma_start3A_926] : memref<16384x32xf32, #tpu.memory_space<hbm>> -> memref<1x32xf32, #tpu.memory_space<hbm>>
      %dma_start3A_928 = tpu.memref_squeeze %dma_start3A_927 : memref<1x32xf32, #tpu.memory_space<hbm>> -> memref<32xf32, #tpu.memory_space<hbm>>
      %dma_start3A_929 = arith.constant 0 : i32
      %dma_start3A_930 = tpu.memref_slice %arg3[%squeeze3A_924, %dma_start3A_929] : memref<1000000x32xf32, #tpu.memory_space<hbm>> -> memref<1x32xf32, #tpu.memory_space<hbm>>
      %dma_start3A_931 = tpu.memref_squeeze %dma_start3A_930 : memref<1x32xf32, #tpu.memory_space<hbm>> -> memref<32xf32, #tpu.memory_space<hbm>>
      tpu.enqueue_dma source(%dma_start3A_931 : memref<32xf32, #tpu.memory_space<hbm>>) target(%dma_start3A_928 : memref<32xf32, #tpu.memory_space<hbm>>) target_semaphore(%arg10 : memref<!tpu.dma_semaphore, #tpu.memory_space<semaphore_mem>>)
      %mul3A_932 = arith.constant 64 : i32
      %mul3A_933 = arith.muli %add3A_11, %mul3A_932 : i32
      %add3A_934 = arith.constant 48 : i32
      %add3A_935 = arith.addi %mul3A_933, %add3A_934 : i32
      %add3A_936 = arith.constant 12 : i32
      %add3A_937 = arith.addi %add3A_935, %add3A_936 : i32
      %slice3A_938 = vector.extract_strided_slice %get3A_751 {offsets = [12], sizes = [1], strides = [1]} : vector<16xi32> to vector<1xi32>
      %squeeze3A_939 = vector.extract %slice3A_938[0] : i32 from vector<1xi32>
      %add3A_940 = arith.addi %mul3A_2, %add3A_937 : i32
      %dma_start3A_941 = arith.constant 0 : i32
      %dma_start3A_942 = tpu.memref_slice %arg4[%add3A_940, %dma_start3A_941] : memref<16384x32xf32, #tpu.memory_space<hbm>> -> memref<1x32xf32, #tpu.memory_space<hbm>>
      %dma_start3A_943 = tpu.memref_squeeze %dma_start3A_942 : memref<1x32xf32, #tpu.memory_space<hbm>> -> memref<32xf32, #tpu.memory_space<hbm>>
      %dma_start3A_944 = arith.constant 0 : i32
      %dma_start3A_945 = tpu.memref_slice %arg3[%squeeze3A_939, %dma_start3A_944] : memref<1000000x32xf32, #tpu.memory_space<hbm>> -> memref<1x32xf32, #tpu.memory_space<hbm>>
      %dma_start3A_946 = tpu.memref_squeeze %dma_start3A_945 : memref<1x32xf32, #tpu.memory_space<hbm>> -> memref<32xf32, #tpu.memory_space<hbm>>
      tpu.enqueue_dma source(%dma_start3A_946 : memref<32xf32, #tpu.memory_space<hbm>>) target(%dma_start3A_943 : memref<32xf32, #tpu.memory_space<hbm>>) target_semaphore(%arg10 : memref<!tpu.dma_semaphore, #tpu.memory_space<semaphore_mem>>)
      %mul3A_947 = arith.constant 64 : i32
      %mul3A_948 = arith.muli %add3A_11, %mul3A_947 : i32
      %add3A_949 = arith.constant 48 : i32
      %add3A_950 = arith.addi %mul3A_948, %add3A_949 : i32
      %add3A_951 = arith.constant 13 : i32
      %add3A_952 = arith.addi %add3A_950, %add3A_951 : i32
      %slice3A_953 = vector.extract_strided_slice %get3A_751 {offsets = [13], sizes = [1], strides = [1]} : vector<16xi32> to vector<1xi32>
      %squeeze3A_954 = vector.extract %slice3A_953[0] : i32 from vector<1xi32>
      %add3A_955 = arith.addi %mul3A_2, %add3A_952 : i32
      %dma_start3A_956 = arith.constant 0 : i32
      %dma_start3A_957 = tpu.memref_slice %arg4[%add3A_955, %dma_start3A_956] : memref<16384x32xf32, #tpu.memory_space<hbm>> -> memref<1x32xf32, #tpu.memory_space<hbm>>
      %dma_start3A_958 = tpu.memref_squeeze %dma_start3A_957 : memref<1x32xf32, #tpu.memory_space<hbm>> -> memref<32xf32, #tpu.memory_space<hbm>>
      %dma_start3A_959 = arith.constant 0 : i32
      %dma_start3A_960 = tpu.memref_slice %arg3[%squeeze3A_954, %dma_start3A_959] : memref<1000000x32xf32, #tpu.memory_space<hbm>> -> memref<1x32xf32, #tpu.memory_space<hbm>>
      %dma_start3A_961 = tpu.memref_squeeze %dma_start3A_960 : memref<1x32xf32, #tpu.memory_space<hbm>> -> memref<32xf32, #tpu.memory_space<hbm>>
      tpu.enqueue_dma source(%dma_start3A_961 : memref<32xf32, #tpu.memory_space<hbm>>) target(%dma_start3A_958 : memref<32xf32, #tpu.memory_space<hbm>>) target_semaphore(%arg10 : memref<!tpu.dma_semaphore, #tpu.memory_space<semaphore_mem>>)
      %mul3A_962 = arith.constant 64 : i32
      %mul3A_963 = arith.muli %add3A_11, %mul3A_962 : i32
      %add3A_964 = arith.constant 48 : i32
      %add3A_965 = arith.addi %mul3A_963, %add3A_964 : i32
      %add3A_966 = arith.constant 14 : i32
      %add3A_967 = arith.addi %add3A_965, %add3A_966 : i32
      %slice3A_968 = vector.extract_strided_slice %get3A_751 {offsets = [14], sizes = [1], strides = [1]} : vector<16xi32> to vector<1xi32>
      %squeeze3A_969 = vector.extract %slice3A_968[0] : i32 from vector<1xi32>
      %add3A_970 = arith.addi %mul3A_2, %add3A_967 : i32
      %dma_start3A_971 = arith.constant 0 : i32
      %dma_start3A_972 = tpu.memref_slice %arg4[%add3A_970, %dma_start3A_971] : memref<16384x32xf32, #tpu.memory_space<hbm>> -> memref<1x32xf32, #tpu.memory_space<hbm>>
      %dma_start3A_973 = tpu.memref_squeeze %dma_start3A_972 : memref<1x32xf32, #tpu.memory_space<hbm>> -> memref<32xf32, #tpu.memory_space<hbm>>
      %dma_start3A_974 = arith.constant 0 : i32
      %dma_start3A_975 = tpu.memref_slice %arg3[%squeeze3A_969, %dma_start3A_974] : memref<1000000x32xf32, #tpu.memory_space<hbm>> -> memref<1x32xf32, #tpu.memory_space<hbm>>
      %dma_start3A_976 = tpu.memref_squeeze %dma_start3A_975 : memref<1x32xf32, #tpu.memory_space<hbm>> -> memref<32xf32, #tpu.memory_space<hbm>>
      tpu.enqueue_dma source(%dma_start3A_976 : memref<32xf32, #tpu.memory_space<hbm>>) target(%dma_start3A_973 : memref<32xf32, #tpu.memory_space<hbm>>) target_semaphore(%arg10 : memref<!tpu.dma_semaphore, #tpu.memory_space<semaphore_mem>>)
      %mul3A_977 = arith.constant 64 : i32
      %mul3A_978 = arith.muli %add3A_11, %mul3A_977 : i32
      %add3A_979 = arith.constant 48 : i32
      %add3A_980 = arith.addi %mul3A_978, %add3A_979 : i32
      %add3A_981 = arith.constant 15 : i32
      %add3A_982 = arith.addi %add3A_980, %add3A_981 : i32
      %slice3A_983 = vector.extract_strided_slice %get3A_751 {offsets = [15], sizes = [1], strides = [1]} : vector<16xi32> to vector<1xi32>
      %squeeze3A_984 = vector.extract %slice3A_983[0] : i32 from vector<1xi32>
      %add3A_985 = arith.addi %mul3A_2, %add3A_982 : i32
      %dma_start3A_986 = arith.constant 0 : i32
      %dma_start3A_987 = tpu.memref_slice %arg4[%add3A_985, %dma_start3A_986] : memref<16384x32xf32, #tpu.memory_space<hbm>> -> memref<1x32xf32, #tpu.memory_space<hbm>>
      %dma_start3A_988 = tpu.memref_squeeze %dma_start3A_987 : memref<1x32xf32, #tpu.memory_space<hbm>> -> memref<32xf32, #tpu.memory_space<hbm>>
      %dma_start3A_989 = arith.constant 0 : i32
      %dma_start3A_990 = tpu.memref_slice %arg3[%squeeze3A_984, %dma_start3A_989] : memref<1000000x32xf32, #tpu.memory_space<hbm>> -> memref<1x32xf32, #tpu.memory_space<hbm>>
      %dma_start3A_991 = tpu.memref_squeeze %dma_start3A_990 : memref<1x32xf32, #tpu.memory_space<hbm>> -> memref<32xf32, #tpu.memory_space<hbm>>
      tpu.enqueue_dma source(%dma_start3A_991 : memref<32xf32, #tpu.memory_space<hbm>>) target(%dma_start3A_988 : memref<32xf32, #tpu.memory_space<hbm>>) target_semaphore(%arg10 : memref<!tpu.dma_semaphore, #tpu.memory_space<semaphore_mem>>)
      %dma_wait3A = arith.constant 0 : i32
      %dma_wait3A_992 = tpu.memref_slice %arg4[%add3A_23, %dma_wait3A] : memref<16384x32xf32, #tpu.memory_space<hbm>> -> memref<1x32xf32, #tpu.memory_space<hbm>>
      %dma_wait3A_993 = tpu.memref_squeeze %dma_wait3A_992 : memref<1x32xf32, #tpu.memory_space<hbm>> -> memref<32xf32, #tpu.memory_space<hbm>>
      %dma_wait3A_994 = arith.constant 0 : i32
      %dma_wait3A_995 = tpu.memref_slice %arg3[%squeeze3A, %dma_wait3A_994] : memref<1000000x32xf32, #tpu.memory_space<hbm>> -> memref<1x32xf32, #tpu.memory_space<hbm>>
      %dma_wait3A_996 = tpu.memref_squeeze %dma_wait3A_995 : memref<1x32xf32, #tpu.memory_space<hbm>> -> memref<32xf32, #tpu.memory_space<hbm>>
      tpu.wait_dma2 semaphore(%arg7 : memref<!tpu.dma_semaphore, #tpu.memory_space<semaphore_mem>>) src(%dma_wait3A_996 : memref<32xf32, #tpu.memory_space<hbm>>) dst(%dma_wait3A_993 : memref<32xf32, #tpu.memory_space<hbm>>)
      %dma_wait3A_997 = arith.constant 0 : i32
      %dma_wait3A_998 = tpu.memref_slice %arg4[%add3A_37, %dma_wait3A_997] : memref<16384x32xf32, #tpu.memory_space<hbm>> -> memref<1x32xf32, #tpu.memory_space<hbm>>
      %dma_wait3A_999 = tpu.memref_squeeze %dma_wait3A_998 : memref<1x32xf32, #tpu.memory_space<hbm>> -> memref<32xf32, #tpu.memory_space<hbm>>
      %dma_wait3A_1000 = arith.constant 0 : i32
      %dma_wait3A_1001 = tpu.memref_slice %arg3[%squeeze3A_36, %dma_wait3A_1000] : memref<1000000x32xf32, #tpu.memory_space<hbm>> -> memref<1x32xf32, #tpu.memory_space<hbm>>
      %dma_wait3A_1002 = tpu.memref_squeeze %dma_wait3A_1001 : memref<1x32xf32, #tpu.memory_space<hbm>> -> memref<32xf32, #tpu.memory_space<hbm>>
      tpu.wait_dma2 semaphore(%arg7 : memref<!tpu.dma_semaphore, #tpu.memory_space<semaphore_mem>>) src(%dma_wait3A_1002 : memref<32xf32, #tpu.memory_space<hbm>>) dst(%dma_wait3A_999 : memref<32xf32, #tpu.memory_space<hbm>>)
      %dma_wait3A_1003 = arith.constant 0 : i32
      %dma_wait3A_1004 = tpu.memref_slice %arg4[%add3A_52, %dma_wait3A_1003] : memref<16384x32xf32, #tpu.memory_space<hbm>> -> memref<1x32xf32, #tpu.memory_space<hbm>>
      %dma_wait3A_1005 = tpu.memref_squeeze %dma_wait3A_1004 : memref<1x32xf32, #tpu.memory_space<hbm>> -> memref<32xf32, #tpu.memory_space<hbm>>
      %dma_wait3A_1006 = arith.constant 0 : i32
      %dma_wait3A_1007 = tpu.memref_slice %arg3[%squeeze3A_51, %dma_wait3A_1006] : memref<1000000x32xf32, #tpu.memory_space<hbm>> -> memref<1x32xf32, #tpu.memory_space<hbm>>
      %dma_wait3A_1008 = tpu.memref_squeeze %dma_wait3A_1007 : memref<1x32xf32, #tpu.memory_space<hbm>> -> memref<32xf32, #tpu.memory_space<hbm>>
      tpu.wait_dma2 semaphore(%arg7 : memref<!tpu.dma_semaphore, #tpu.memory_space<semaphore_mem>>) src(%dma_wait3A_1008 : memref<32xf32, #tpu.memory_space<hbm>>) dst(%dma_wait3A_1005 : memref<32xf32, #tpu.memory_space<hbm>>)
      %dma_wait3A_1009 = arith.constant 0 : i32
      %dma_wait3A_1010 = tpu.memref_slice %arg4[%add3A_67, %dma_wait3A_1009] : memref<16384x32xf32, #tpu.memory_space<hbm>> -> memref<1x32xf32, #tpu.memory_space<hbm>>
      %dma_wait3A_1011 = tpu.memref_squeeze %dma_wait3A_1010 : memref<1x32xf32, #tpu.memory_space<hbm>> -> memref<32xf32, #tpu.memory_space<hbm>>
      %dma_wait3A_1012 = arith.constant 0 : i32
      %dma_wait3A_1013 = tpu.memref_slice %arg3[%squeeze3A_66, %dma_wait3A_1012] : memref<1000000x32xf32, #tpu.memory_space<hbm>> -> memref<1x32xf32, #tpu.memory_space<hbm>>
      %dma_wait3A_1014 = tpu.memref_squeeze %dma_wait3A_1013 : memref<1x32xf32, #tpu.memory_space<hbm>> -> memref<32xf32, #tpu.memory_space<hbm>>
      tpu.wait_dma2 semaphore(%arg7 : memref<!tpu.dma_semaphore, #tpu.memory_space<semaphore_mem>>) src(%dma_wait3A_1014 : memref<32xf32, #tpu.memory_space<hbm>>) dst(%dma_wait3A_1011 : memref<32xf32, #tpu.memory_space<hbm>>)
      %dma_wait3A_1015 = arith.constant 0 : i32
      %dma_wait3A_1016 = tpu.memref_slice %arg4[%add3A_82, %dma_wait3A_1015] : memref<16384x32xf32, #tpu.memory_space<hbm>> -> memref<1x32xf32, #tpu.memory_space<hbm>>
      %dma_wait3A_1017 = tpu.memref_squeeze %dma_wait3A_1016 : memref<1x32xf32, #tpu.memory_space<hbm>> -> memref<32xf32, #tpu.memory_space<hbm>>
      %dma_wait3A_1018 = arith.constant 0 : i32
      %dma_wait3A_1019 = tpu.memref_slice %arg3[%squeeze3A_81, %dma_wait3A_1018] : memref<1000000x32xf32, #tpu.memory_space<hbm>> -> memref<1x32xf32, #tpu.memory_space<hbm>>
      %dma_wait3A_1020 = tpu.memref_squeeze %dma_wait3A_1019 : memref<1x32xf32, #tpu.memory_space<hbm>> -> memref<32xf32, #tpu.memory_space<hbm>>
      tpu.wait_dma2 semaphore(%arg7 : memref<!tpu.dma_semaphore, #tpu.memory_space<semaphore_mem>>) src(%dma_wait3A_1020 : memref<32xf32, #tpu.memory_space<hbm>>) dst(%dma_wait3A_1017 : memref<32xf32, #tpu.memory_space<hbm>>)
      %dma_wait3A_1021 = arith.constant 0 : i32
      %dma_wait3A_1022 = tpu.memref_slice %arg4[%add3A_97, %dma_wait3A_1021] : memref<16384x32xf32, #tpu.memory_space<hbm>> -> memref<1x32xf32, #tpu.memory_space<hbm>>
      %dma_wait3A_1023 = tpu.memref_squeeze %dma_wait3A_1022 : memref<1x32xf32, #tpu.memory_space<hbm>> -> memref<32xf32, #tpu.memory_space<hbm>>
      %dma_wait3A_1024 = arith.constant 0 : i32
      %dma_wait3A_1025 = tpu.memref_slice %arg3[%squeeze3A_96, %dma_wait3A_1024] : memref<1000000x32xf32, #tpu.memory_space<hbm>> -> memref<1x32xf32, #tpu.memory_space<hbm>>
      %dma_wait3A_1026 = tpu.memref_squeeze %dma_wait3A_1025 : memref<1x32xf32, #tpu.memory_space<hbm>> -> memref<32xf32, #tpu.memory_space<hbm>>
      tpu.wait_dma2 semaphore(%arg7 : memref<!tpu.dma_semaphore, #tpu.memory_space<semaphore_mem>>) src(%dma_wait3A_1026 : memref<32xf32, #tpu.memory_space<hbm>>) dst(%dma_wait3A_1023 : memref<32xf32, #tpu.memory_space<hbm>>)
      %dma_wait3A_1027 = arith.constant 0 : i32
      %dma_wait3A_1028 = tpu.memref_slice %arg4[%add3A_112, %dma_wait3A_1027] : memref<16384x32xf32, #tpu.memory_space<hbm>> -> memref<1x32xf32, #tpu.memory_space<hbm>>
      %dma_wait3A_1029 = tpu.memref_squeeze %dma_wait3A_1028 : memref<1x32xf32, #tpu.memory_space<hbm>> -> memref<32xf32, #tpu.memory_space<hbm>>
      %dma_wait3A_1030 = arith.constant 0 : i32
      %dma_wait3A_1031 = tpu.memref_slice %arg3[%squeeze3A_111, %dma_wait3A_1030] : memref<1000000x32xf32, #tpu.memory_space<hbm>> -> memref<1x32xf32, #tpu.memory_space<hbm>>
      %dma_wait3A_1032 = tpu.memref_squeeze %dma_wait3A_1031 : memref<1x32xf32, #tpu.memory_space<hbm>> -> memref<32xf32, #tpu.memory_space<hbm>>
      tpu.wait_dma2 semaphore(%arg7 : memref<!tpu.dma_semaphore, #tpu.memory_space<semaphore_mem>>) src(%dma_wait3A_1032 : memref<32xf32, #tpu.memory_space<hbm>>) dst(%dma_wait3A_1029 : memref<32xf32, #tpu.memory_space<hbm>>)
      %dma_wait3A_1033 = arith.constant 0 : i32
      %dma_wait3A_1034 = tpu.memref_slice %arg4[%add3A_127, %dma_wait3A_1033] : memref<16384x32xf32, #tpu.memory_space<hbm>> -> memref<1x32xf32, #tpu.memory_space<hbm>>
      %dma_wait3A_1035 = tpu.memref_squeeze %dma_wait3A_1034 : memref<1x32xf32, #tpu.memory_space<hbm>> -> memref<32xf32, #tpu.memory_space<hbm>>
      %dma_wait3A_1036 = arith.constant 0 : i32
      %dma_wait3A_1037 = tpu.memref_slice %arg3[%squeeze3A_126, %dma_wait3A_1036] : memref<1000000x32xf32, #tpu.memory_space<hbm>> -> memref<1x32xf32, #tpu.memory_space<hbm>>
      %dma_wait3A_1038 = tpu.memref_squeeze %dma_wait3A_1037 : memref<1x32xf32, #tpu.memory_space<hbm>> -> memref<32xf32, #tpu.memory_space<hbm>>
      tpu.wait_dma2 semaphore(%arg7 : memref<!tpu.dma_semaphore, #tpu.memory_space<semaphore_mem>>) src(%dma_wait3A_1038 : memref<32xf32, #tpu.memory_space<hbm>>) dst(%dma_wait3A_1035 : memref<32xf32, #tpu.memory_space<hbm>>)
      %dma_wait3A_1039 = arith.constant 0 : i32
      %dma_wait3A_1040 = tpu.memref_slice %arg4[%add3A_142, %dma_wait3A_1039] : memref<16384x32xf32, #tpu.memory_space<hbm>> -> memref<1x32xf32, #tpu.memory_space<hbm>>
      %dma_wait3A_1041 = tpu.memref_squeeze %dma_wait3A_1040 : memref<1x32xf32, #tpu.memory_space<hbm>> -> memref<32xf32, #tpu.memory_space<hbm>>
      %dma_wait3A_1042 = arith.constant 0 : i32
      %dma_wait3A_1043 = tpu.memref_slice %arg3[%squeeze3A_141, %dma_wait3A_1042] : memref<1000000x32xf32, #tpu.memory_space<hbm>> -> memref<1x32xf32, #tpu.memory_space<hbm>>
      %dma_wait3A_1044 = tpu.memref_squeeze %dma_wait3A_1043 : memref<1x32xf32, #tpu.memory_space<hbm>> -> memref<32xf32, #tpu.memory_space<hbm>>
      tpu.wait_dma2 semaphore(%arg7 : memref<!tpu.dma_semaphore, #tpu.memory_space<semaphore_mem>>) src(%dma_wait3A_1044 : memref<32xf32, #tpu.memory_space<hbm>>) dst(%dma_wait3A_1041 : memref<32xf32, #tpu.memory_space<hbm>>)
      %dma_wait3A_1045 = arith.constant 0 : i32
      %dma_wait3A_1046 = tpu.memref_slice %arg4[%add3A_157, %dma_wait3A_1045] : memref<16384x32xf32, #tpu.memory_space<hbm>> -> memref<1x32xf32, #tpu.memory_space<hbm>>
      %dma_wait3A_1047 = tpu.memref_squeeze %dma_wait3A_1046 : memref<1x32xf32, #tpu.memory_space<hbm>> -> memref<32xf32, #tpu.memory_space<hbm>>
      %dma_wait3A_1048 = arith.constant 0 : i32
      %dma_wait3A_1049 = tpu.memref_slice %arg3[%squeeze3A_156, %dma_wait3A_1048] : memref<1000000x32xf32, #tpu.memory_space<hbm>> -> memref<1x32xf32, #tpu.memory_space<hbm>>
      %dma_wait3A_1050 = tpu.memref_squeeze %dma_wait3A_1049 : memref<1x32xf32, #tpu.memory_space<hbm>> -> memref<32xf32, #tpu.memory_space<hbm>>
      tpu.wait_dma2 semaphore(%arg7 : memref<!tpu.dma_semaphore, #tpu.memory_space<semaphore_mem>>) src(%dma_wait3A_1050 : memref<32xf32, #tpu.memory_space<hbm>>) dst(%dma_wait3A_1047 : memref<32xf32, #tpu.memory_space<hbm>>)
      %dma_wait3A_1051 = arith.constant 0 : i32
      %dma_wait3A_1052 = tpu.memref_slice %arg4[%add3A_172, %dma_wait3A_1051] : memref<16384x32xf32, #tpu.memory_space<hbm>> -> memref<1x32xf32, #tpu.memory_space<hbm>>
      %dma_wait3A_1053 = tpu.memref_squeeze %dma_wait3A_1052 : memref<1x32xf32, #tpu.memory_space<hbm>> -> memref<32xf32, #tpu.memory_space<hbm>>
      %dma_wait3A_1054 = arith.constant 0 : i32
      %dma_wait3A_1055 = tpu.memref_slice %arg3[%squeeze3A_171, %dma_wait3A_1054] : memref<1000000x32xf32, #tpu.memory_space<hbm>> -> memref<1x32xf32, #tpu.memory_space<hbm>>
      %dma_wait3A_1056 = tpu.memref_squeeze %dma_wait3A_1055 : memref<1x32xf32, #tpu.memory_space<hbm>> -> memref<32xf32, #tpu.memory_space<hbm>>
      tpu.wait_dma2 semaphore(%arg7 : memref<!tpu.dma_semaphore, #tpu.memory_space<semaphore_mem>>) src(%dma_wait3A_1056 : memref<32xf32, #tpu.memory_space<hbm>>) dst(%dma_wait3A_1053 : memref<32xf32, #tpu.memory_space<hbm>>)
      %dma_wait3A_1057 = arith.constant 0 : i32
      %dma_wait3A_1058 = tpu.memref_slice %arg4[%add3A_187, %dma_wait3A_1057] : memref<16384x32xf32, #tpu.memory_space<hbm>> -> memref<1x32xf32, #tpu.memory_space<hbm>>
      %dma_wait3A_1059 = tpu.memref_squeeze %dma_wait3A_1058 : memref<1x32xf32, #tpu.memory_space<hbm>> -> memref<32xf32, #tpu.memory_space<hbm>>
      %dma_wait3A_1060 = arith.constant 0 : i32
      %dma_wait3A_1061 = tpu.memref_slice %arg3[%squeeze3A_186, %dma_wait3A_1060] : memref<1000000x32xf32, #tpu.memory_space<hbm>> -> memref<1x32xf32, #tpu.memory_space<hbm>>
      %dma_wait3A_1062 = tpu.memref_squeeze %dma_wait3A_1061 : memref<1x32xf32, #tpu.memory_space<hbm>> -> memref<32xf32, #tpu.memory_space<hbm>>
      tpu.wait_dma2 semaphore(%arg7 : memref<!tpu.dma_semaphore, #tpu.memory_space<semaphore_mem>>) src(%dma_wait3A_1062 : memref<32xf32, #tpu.memory_space<hbm>>) dst(%dma_wait3A_1059 : memref<32xf32, #tpu.memory_space<hbm>>)
      %dma_wait3A_1063 = arith.constant 0 : i32
      %dma_wait3A_1064 = tpu.memref_slice %arg4[%add3A_202, %dma_wait3A_1063] : memref<16384x32xf32, #tpu.memory_space<hbm>> -> memref<1x32xf32, #tpu.memory_space<hbm>>
      %dma_wait3A_1065 = tpu.memref_squeeze %dma_wait3A_1064 : memref<1x32xf32, #tpu.memory_space<hbm>> -> memref<32xf32, #tpu.memory_space<hbm>>
      %dma_wait3A_1066 = arith.constant 0 : i32
      %dma_wait3A_1067 = tpu.memref_slice %arg3[%squeeze3A_201, %dma_wait3A_1066] : memref<1000000x32xf32, #tpu.memory_space<hbm>> -> memref<1x32xf32, #tpu.memory_space<hbm>>
      %dma_wait3A_1068 = tpu.memref_squeeze %dma_wait3A_1067 : memref<1x32xf32, #tpu.memory_space<hbm>> -> memref<32xf32, #tpu.memory_space<hbm>>
      tpu.wait_dma2 semaphore(%arg7 : memref<!tpu.dma_semaphore, #tpu.memory_space<semaphore_mem>>) src(%dma_wait3A_1068 : memref<32xf32, #tpu.memory_space<hbm>>) dst(%dma_wait3A_1065 : memref<32xf32, #tpu.memory_space<hbm>>)
      %dma_wait3A_1069 = arith.constant 0 : i32
      %dma_wait3A_1070 = tpu.memref_slice %arg4[%add3A_217, %dma_wait3A_1069] : memref<16384x32xf32, #tpu.memory_space<hbm>> -> memref<1x32xf32, #tpu.memory_space<hbm>>
      %dma_wait3A_1071 = tpu.memref_squeeze %dma_wait3A_1070 : memref<1x32xf32, #tpu.memory_space<hbm>> -> memref<32xf32, #tpu.memory_space<hbm>>
      %dma_wait3A_1072 = arith.constant 0 : i32
      %dma_wait3A_1073 = tpu.memref_slice %arg3[%squeeze3A_216, %dma_wait3A_1072] : memref<1000000x32xf32, #tpu.memory_space<hbm>> -> memref<1x32xf32, #tpu.memory_space<hbm>>
      %dma_wait3A_1074 = tpu.memref_squeeze %dma_wait3A_1073 : memref<1x32xf32, #tpu.memory_space<hbm>> -> memref<32xf32, #tpu.memory_space<hbm>>
      tpu.wait_dma2 semaphore(%arg7 : memref<!tpu.dma_semaphore, #tpu.memory_space<semaphore_mem>>) src(%dma_wait3A_1074 : memref<32xf32, #tpu.memory_space<hbm>>) dst(%dma_wait3A_1071 : memref<32xf32, #tpu.memory_space<hbm>>)
      %dma_wait3A_1075 = arith.constant 0 : i32
      %dma_wait3A_1076 = tpu.memref_slice %arg4[%add3A_232, %dma_wait3A_1075] : memref<16384x32xf32, #tpu.memory_space<hbm>> -> memref<1x32xf32, #tpu.memory_space<hbm>>
      %dma_wait3A_1077 = tpu.memref_squeeze %dma_wait3A_1076 : memref<1x32xf32, #tpu.memory_space<hbm>> -> memref<32xf32, #tpu.memory_space<hbm>>
      %dma_wait3A_1078 = arith.constant 0 : i32
      %dma_wait3A_1079 = tpu.memref_slice %arg3[%squeeze3A_231, %dma_wait3A_1078] : memref<1000000x32xf32, #tpu.memory_space<hbm>> -> memref<1x32xf32, #tpu.memory_space<hbm>>
      %dma_wait3A_1080 = tpu.memref_squeeze %dma_wait3A_1079 : memref<1x32xf32, #tpu.memory_space<hbm>> -> memref<32xf32, #tpu.memory_space<hbm>>
      tpu.wait_dma2 semaphore(%arg7 : memref<!tpu.dma_semaphore, #tpu.memory_space<semaphore_mem>>) src(%dma_wait3A_1080 : memref<32xf32, #tpu.memory_space<hbm>>) dst(%dma_wait3A_1077 : memref<32xf32, #tpu.memory_space<hbm>>)
      %dma_wait3A_1081 = arith.constant 0 : i32
      %dma_wait3A_1082 = tpu.memref_slice %arg4[%add3A_247, %dma_wait3A_1081] : memref<16384x32xf32, #tpu.memory_space<hbm>> -> memref<1x32xf32, #tpu.memory_space<hbm>>
      %dma_wait3A_1083 = tpu.memref_squeeze %dma_wait3A_1082 : memref<1x32xf32, #tpu.memory_space<hbm>> -> memref<32xf32, #tpu.memory_space<hbm>>
      %dma_wait3A_1084 = arith.constant 0 : i32
      %dma_wait3A_1085 = tpu.memref_slice %arg3[%squeeze3A_246, %dma_wait3A_1084] : memref<1000000x32xf32, #tpu.memory_space<hbm>> -> memref<1x32xf32, #tpu.memory_space<hbm>>
      %dma_wait3A_1086 = tpu.memref_squeeze %dma_wait3A_1085 : memref<1x32xf32, #tpu.memory_space<hbm>> -> memref<32xf32, #tpu.memory_space<hbm>>
      tpu.wait_dma2 semaphore(%arg7 : memref<!tpu.dma_semaphore, #tpu.memory_space<semaphore_mem>>) src(%dma_wait3A_1086 : memref<32xf32, #tpu.memory_space<hbm>>) dst(%dma_wait3A_1083 : memref<32xf32, #tpu.memory_space<hbm>>)
      %dma_wait3A_1087 = arith.constant 0 : i32
      %dma_wait3A_1088 = tpu.memref_slice %arg4[%add3A_268, %dma_wait3A_1087] : memref<16384x32xf32, #tpu.memory_space<hbm>> -> memref<1x32xf32, #tpu.memory_space<hbm>>
      %dma_wait3A_1089 = tpu.memref_squeeze %dma_wait3A_1088 : memref<1x32xf32, #tpu.memory_space<hbm>> -> memref<32xf32, #tpu.memory_space<hbm>>
      %dma_wait3A_1090 = arith.constant 0 : i32
      %dma_wait3A_1091 = tpu.memref_slice %arg3[%squeeze3A_267, %dma_wait3A_1090] : memref<1000000x32xf32, #tpu.memory_space<hbm>> -> memref<1x32xf32, #tpu.memory_space<hbm>>
      %dma_wait3A_1092 = tpu.memref_squeeze %dma_wait3A_1091 : memref<1x32xf32, #tpu.memory_space<hbm>> -> memref<32xf32, #tpu.memory_space<hbm>>
      tpu.wait_dma2 semaphore(%arg8 : memref<!tpu.dma_semaphore, #tpu.memory_space<semaphore_mem>>) src(%dma_wait3A_1092 : memref<32xf32, #tpu.memory_space<hbm>>) dst(%dma_wait3A_1089 : memref<32xf32, #tpu.memory_space<hbm>>)
      %dma_wait3A_1093 = arith.constant 0 : i32
      %dma_wait3A_1094 = tpu.memref_slice %arg4[%add3A_283, %dma_wait3A_1093] : memref<16384x32xf32, #tpu.memory_space<hbm>> -> memref<1x32xf32, #tpu.memory_space<hbm>>
      %dma_wait3A_1095 = tpu.memref_squeeze %dma_wait3A_1094 : memref<1x32xf32, #tpu.memory_space<hbm>> -> memref<32xf32, #tpu.memory_space<hbm>>
      %dma_wait3A_1096 = arith.constant 0 : i32
      %dma_wait3A_1097 = tpu.memref_slice %arg3[%squeeze3A_282, %dma_wait3A_1096] : memref<1000000x32xf32, #tpu.memory_space<hbm>> -> memref<1x32xf32, #tpu.memory_space<hbm>>
      %dma_wait3A_1098 = tpu.memref_squeeze %dma_wait3A_1097 : memref<1x32xf32, #tpu.memory_space<hbm>> -> memref<32xf32, #tpu.memory_space<hbm>>
      tpu.wait_dma2 semaphore(%arg8 : memref<!tpu.dma_semaphore, #tpu.memory_space<semaphore_mem>>) src(%dma_wait3A_1098 : memref<32xf32, #tpu.memory_space<hbm>>) dst(%dma_wait3A_1095 : memref<32xf32, #tpu.memory_space<hbm>>)
      %dma_wait3A_1099 = arith.constant 0 : i32
      %dma_wait3A_1100 = tpu.memref_slice %arg4[%add3A_298, %dma_wait3A_1099] : memref<16384x32xf32, #tpu.memory_space<hbm>> -> memref<1x32xf32, #tpu.memory_space<hbm>>
      %dma_wait3A_1101 = tpu.memref_squeeze %dma_wait3A_1100 : memref<1x32xf32, #tpu.memory_space<hbm>> -> memref<32xf32, #tpu.memory_space<hbm>>
      %dma_wait3A_1102 = arith.constant 0 : i32
      %dma_wait3A_1103 = tpu.memref_slice %arg3[%squeeze3A_297, %dma_wait3A_1102] : memref<1000000x32xf32, #tpu.memory_space<hbm>> -> memref<1x32xf32, #tpu.memory_space<hbm>>
      %dma_wait3A_1104 = tpu.memref_squeeze %dma_wait3A_1103 : memref<1x32xf32, #tpu.memory_space<hbm>> -> memref<32xf32, #tpu.memory_space<hbm>>
      tpu.wait_dma2 semaphore(%arg8 : memref<!tpu.dma_semaphore, #tpu.memory_space<semaphore_mem>>) src(%dma_wait3A_1104 : memref<32xf32, #tpu.memory_space<hbm>>) dst(%dma_wait3A_1101 : memref<32xf32, #tpu.memory_space<hbm>>)
      %dma_wait3A_1105 = arith.constant 0 : i32
      %dma_wait3A_1106 = tpu.memref_slice %arg4[%add3A_313, %dma_wait3A_1105] : memref<16384x32xf32, #tpu.memory_space<hbm>> -> memref<1x32xf32, #tpu.memory_space<hbm>>
      %dma_wait3A_1107 = tpu.memref_squeeze %dma_wait3A_1106 : memref<1x32xf32, #tpu.memory_space<hbm>> -> memref<32xf32, #tpu.memory_space<hbm>>
      %dma_wait3A_1108 = arith.constant 0 : i32
      %dma_wait3A_1109 = tpu.memref_slice %arg3[%squeeze3A_312, %dma_wait3A_1108] : memref<1000000x32xf32, #tpu.memory_space<hbm>> -> memref<1x32xf32, #tpu.memory_space<hbm>>
      %dma_wait3A_1110 = tpu.memref_squeeze %dma_wait3A_1109 : memref<1x32xf32, #tpu.memory_space<hbm>> -> memref<32xf32, #tpu.memory_space<hbm>>
      tpu.wait_dma2 semaphore(%arg8 : memref<!tpu.dma_semaphore, #tpu.memory_space<semaphore_mem>>) src(%dma_wait3A_1110 : memref<32xf32, #tpu.memory_space<hbm>>) dst(%dma_wait3A_1107 : memref<32xf32, #tpu.memory_space<hbm>>)
      %dma_wait3A_1111 = arith.constant 0 : i32
      %dma_wait3A_1112 = tpu.memref_slice %arg4[%add3A_328, %dma_wait3A_1111] : memref<16384x32xf32, #tpu.memory_space<hbm>> -> memref<1x32xf32, #tpu.memory_space<hbm>>
      %dma_wait3A_1113 = tpu.memref_squeeze %dma_wait3A_1112 : memref<1x32xf32, #tpu.memory_space<hbm>> -> memref<32xf32, #tpu.memory_space<hbm>>
      %dma_wait3A_1114 = arith.constant 0 : i32
      %dma_wait3A_1115 = tpu.memref_slice %arg3[%squeeze3A_327, %dma_wait3A_1114] : memref<1000000x32xf32, #tpu.memory_space<hbm>> -> memref<1x32xf32, #tpu.memory_space<hbm>>
      %dma_wait3A_1116 = tpu.memref_squeeze %dma_wait3A_1115 : memref<1x32xf32, #tpu.memory_space<hbm>> -> memref<32xf32, #tpu.memory_space<hbm>>
      tpu.wait_dma2 semaphore(%arg8 : memref<!tpu.dma_semaphore, #tpu.memory_space<semaphore_mem>>) src(%dma_wait3A_1116 : memref<32xf32, #tpu.memory_space<hbm>>) dst(%dma_wait3A_1113 : memref<32xf32, #tpu.memory_space<hbm>>)
      %dma_wait3A_1117 = arith.constant 0 : i32
      %dma_wait3A_1118 = tpu.memref_slice %arg4[%add3A_343, %dma_wait3A_1117] : memref<16384x32xf32, #tpu.memory_space<hbm>> -> memref<1x32xf32, #tpu.memory_space<hbm>>
      %dma_wait3A_1119 = tpu.memref_squeeze %dma_wait3A_1118 : memref<1x32xf32, #tpu.memory_space<hbm>> -> memref<32xf32, #tpu.memory_space<hbm>>
      %dma_wait3A_1120 = arith.constant 0 : i32
      %dma_wait3A_1121 = tpu.memref_slice %arg3[%squeeze3A_342, %dma_wait3A_1120] : memref<1000000x32xf32, #tpu.memory_space<hbm>> -> memref<1x32xf32, #tpu.memory_space<hbm>>
      %dma_wait3A_1122 = tpu.memref_squeeze %dma_wait3A_1121 : memref<1x32xf32, #tpu.memory_space<hbm>> -> memref<32xf32, #tpu.memory_space<hbm>>
      tpu.wait_dma2 semaphore(%arg8 : memref<!tpu.dma_semaphore, #tpu.memory_space<semaphore_mem>>) src(%dma_wait3A_1122 : memref<32xf32, #tpu.memory_space<hbm>>) dst(%dma_wait3A_1119 : memref<32xf32, #tpu.memory_space<hbm>>)
      %dma_wait3A_1123 = arith.constant 0 : i32
      %dma_wait3A_1124 = tpu.memref_slice %arg4[%add3A_358, %dma_wait3A_1123] : memref<16384x32xf32, #tpu.memory_space<hbm>> -> memref<1x32xf32, #tpu.memory_space<hbm>>
      %dma_wait3A_1125 = tpu.memref_squeeze %dma_wait3A_1124 : memref<1x32xf32, #tpu.memory_space<hbm>> -> memref<32xf32, #tpu.memory_space<hbm>>
      %dma_wait3A_1126 = arith.constant 0 : i32
      %dma_wait3A_1127 = tpu.memref_slice %arg3[%squeeze3A_357, %dma_wait3A_1126] : memref<1000000x32xf32, #tpu.memory_space<hbm>> -> memref<1x32xf32, #tpu.memory_space<hbm>>
      %dma_wait3A_1128 = tpu.memref_squeeze %dma_wait3A_1127 : memref<1x32xf32, #tpu.memory_space<hbm>> -> memref<32xf32, #tpu.memory_space<hbm>>
      tpu.wait_dma2 semaphore(%arg8 : memref<!tpu.dma_semaphore, #tpu.memory_space<semaphore_mem>>) src(%dma_wait3A_1128 : memref<32xf32, #tpu.memory_space<hbm>>) dst(%dma_wait3A_1125 : memref<32xf32, #tpu.memory_space<hbm>>)
      %dma_wait3A_1129 = arith.constant 0 : i32
      %dma_wait3A_1130 = tpu.memref_slice %arg4[%add3A_373, %dma_wait3A_1129] : memref<16384x32xf32, #tpu.memory_space<hbm>> -> memref<1x32xf32, #tpu.memory_space<hbm>>
      %dma_wait3A_1131 = tpu.memref_squeeze %dma_wait3A_1130 : memref<1x32xf32, #tpu.memory_space<hbm>> -> memref<32xf32, #tpu.memory_space<hbm>>
      %dma_wait3A_1132 = arith.constant 0 : i32
      %dma_wait3A_1133 = tpu.memref_slice %arg3[%squeeze3A_372, %dma_wait3A_1132] : memref<1000000x32xf32, #tpu.memory_space<hbm>> -> memref<1x32xf32, #tpu.memory_space<hbm>>
      %dma_wait3A_1134 = tpu.memref_squeeze %dma_wait3A_1133 : memref<1x32xf32, #tpu.memory_space<hbm>> -> memref<32xf32, #tpu.memory_space<hbm>>
      tpu.wait_dma2 semaphore(%arg8 : memref<!tpu.dma_semaphore, #tpu.memory_space<semaphore_mem>>) src(%dma_wait3A_1134 : memref<32xf32, #tpu.memory_space<hbm>>) dst(%dma_wait3A_1131 : memref<32xf32, #tpu.memory_space<hbm>>)
      %dma_wait3A_1135 = arith.constant 0 : i32
      %dma_wait3A_1136 = tpu.memref_slice %arg4[%add3A_388, %dma_wait3A_1135] : memref<16384x32xf32, #tpu.memory_space<hbm>> -> memref<1x32xf32, #tpu.memory_space<hbm>>
      %dma_wait3A_1137 = tpu.memref_squeeze %dma_wait3A_1136 : memref<1x32xf32, #tpu.memory_space<hbm>> -> memref<32xf32, #tpu.memory_space<hbm>>
      %dma_wait3A_1138 = arith.constant 0 : i32
      %dma_wait3A_1139 = tpu.memref_slice %arg3[%squeeze3A_387, %dma_wait3A_1138] : memref<1000000x32xf32, #tpu.memory_space<hbm>> -> memref<1x32xf32, #tpu.memory_space<hbm>>
      %dma_wait3A_1140 = tpu.memref_squeeze %dma_wait3A_1139 : memref<1x32xf32, #tpu.memory_space<hbm>> -> memref<32xf32, #tpu.memory_space<hbm>>
      tpu.wait_dma2 semaphore(%arg8 : memref<!tpu.dma_semaphore, #tpu.memory_space<semaphore_mem>>) src(%dma_wait3A_1140 : memref<32xf32, #tpu.memory_space<hbm>>) dst(%dma_wait3A_1137 : memref<32xf32, #tpu.memory_space<hbm>>)
      %dma_wait3A_1141 = arith.constant 0 : i32
      %dma_wait3A_1142 = tpu.memref_slice %arg4[%add3A_403, %dma_wait3A_1141] : memref<16384x32xf32, #tpu.memory_space<hbm>> -> memref<1x32xf32, #tpu.memory_space<hbm>>
      %dma_wait3A_1143 = tpu.memref_squeeze %dma_wait3A_1142 : memref<1x32xf32, #tpu.memory_space<hbm>> -> memref<32xf32, #tpu.memory_space<hbm>>
      %dma_wait3A_1144 = arith.constant 0 : i32
      %dma_wait3A_1145 = tpu.memref_slice %arg3[%squeeze3A_402, %dma_wait3A_1144] : memref<1000000x32xf32, #tpu.memory_space<hbm>> -> memref<1x32xf32, #tpu.memory_space<hbm>>
      %dma_wait3A_1146 = tpu.memref_squeeze %dma_wait3A_1145 : memref<1x32xf32, #tpu.memory_space<hbm>> -> memref<32xf32, #tpu.memory_space<hbm>>
      tpu.wait_dma2 semaphore(%arg8 : memref<!tpu.dma_semaphore, #tpu.memory_space<semaphore_mem>>) src(%dma_wait3A_1146 : memref<32xf32, #tpu.memory_space<hbm>>) dst(%dma_wait3A_1143 : memref<32xf32, #tpu.memory_space<hbm>>)
      %dma_wait3A_1147 = arith.constant 0 : i32
      %dma_wait3A_1148 = tpu.memref_slice %arg4[%add3A_418, %dma_wait3A_1147] : memref<16384x32xf32, #tpu.memory_space<hbm>> -> memref<1x32xf32, #tpu.memory_space<hbm>>
      %dma_wait3A_1149 = tpu.memref_squeeze %dma_wait3A_1148 : memref<1x32xf32, #tpu.memory_space<hbm>> -> memref<32xf32, #tpu.memory_space<hbm>>
      %dma_wait3A_1150 = arith.constant 0 : i32
      %dma_wait3A_1151 = tpu.memref_slice %arg3[%squeeze3A_417, %dma_wait3A_1150] : memref<1000000x32xf32, #tpu.memory_space<hbm>> -> memref<1x32xf32, #tpu.memory_space<hbm>>
      %dma_wait3A_1152 = tpu.memref_squeeze %dma_wait3A_1151 : memref<1x32xf32, #tpu.memory_space<hbm>> -> memref<32xf32, #tpu.memory_space<hbm>>
      tpu.wait_dma2 semaphore(%arg8 : memref<!tpu.dma_semaphore, #tpu.memory_space<semaphore_mem>>) src(%dma_wait3A_1152 : memref<32xf32, #tpu.memory_space<hbm>>) dst(%dma_wait3A_1149 : memref<32xf32, #tpu.memory_space<hbm>>)
      %dma_wait3A_1153 = arith.constant 0 : i32
      %dma_wait3A_1154 = tpu.memref_slice %arg4[%add3A_433, %dma_wait3A_1153] : memref<16384x32xf32, #tpu.memory_space<hbm>> -> memref<1x32xf32, #tpu.memory_space<hbm>>
      %dma_wait3A_1155 = tpu.memref_squeeze %dma_wait3A_1154 : memref<1x32xf32, #tpu.memory_space<hbm>> -> memref<32xf32, #tpu.memory_space<hbm>>
      %dma_wait3A_1156 = arith.constant 0 : i32
      %dma_wait3A_1157 = tpu.memref_slice %arg3[%squeeze3A_432, %dma_wait3A_1156] : memref<1000000x32xf32, #tpu.memory_space<hbm>> -> memref<1x32xf32, #tpu.memory_space<hbm>>
      %dma_wait3A_1158 = tpu.memref_squeeze %dma_wait3A_1157 : memref<1x32xf32, #tpu.memory_space<hbm>> -> memref<32xf32, #tpu.memory_space<hbm>>
      tpu.wait_dma2 semaphore(%arg8 : memref<!tpu.dma_semaphore, #tpu.memory_space<semaphore_mem>>) src(%dma_wait3A_1158 : memref<32xf32, #tpu.memory_space<hbm>>) dst(%dma_wait3A_1155 : memref<32xf32, #tpu.memory_space<hbm>>)
      %dma_wait3A_1159 = arith.constant 0 : i32
      %dma_wait3A_1160 = tpu.memref_slice %arg4[%add3A_448, %dma_wait3A_1159] : memref<16384x32xf32, #tpu.memory_space<hbm>> -> memref<1x32xf32, #tpu.memory_space<hbm>>
      %dma_wait3A_1161 = tpu.memref_squeeze %dma_wait3A_1160 : memref<1x32xf32, #tpu.memory_space<hbm>> -> memref<32xf32, #tpu.memory_space<hbm>>
      %dma_wait3A_1162 = arith.constant 0 : i32
      %dma_wait3A_1163 = tpu.memref_slice %arg3[%squeeze3A_447, %dma_wait3A_1162] : memref<1000000x32xf32, #tpu.memory_space<hbm>> -> memref<1x32xf32, #tpu.memory_space<hbm>>
      %dma_wait3A_1164 = tpu.memref_squeeze %dma_wait3A_1163 : memref<1x32xf32, #tpu.memory_space<hbm>> -> memref<32xf32, #tpu.memory_space<hbm>>
      tpu.wait_dma2 semaphore(%arg8 : memref<!tpu.dma_semaphore, #tpu.memory_space<semaphore_mem>>) src(%dma_wait3A_1164 : memref<32xf32, #tpu.memory_space<hbm>>) dst(%dma_wait3A_1161 : memref<32xf32, #tpu.memory_space<hbm>>)
      %dma_wait3A_1165 = arith.constant 0 : i32
      %dma_wait3A_1166 = tpu.memref_slice %arg4[%add3A_463, %dma_wait3A_1165] : memref<16384x32xf32, #tpu.memory_space<hbm>> -> memref<1x32xf32, #tpu.memory_space<hbm>>
      %dma_wait3A_1167 = tpu.memref_squeeze %dma_wait3A_1166 : memref<1x32xf32, #tpu.memory_space<hbm>> -> memref<32xf32, #tpu.memory_space<hbm>>
      %dma_wait3A_1168 = arith.constant 0 : i32
      %dma_wait3A_1169 = tpu.memref_slice %arg3[%squeeze3A_462, %dma_wait3A_1168] : memref<1000000x32xf32, #tpu.memory_space<hbm>> -> memref<1x32xf32, #tpu.memory_space<hbm>>
      %dma_wait3A_1170 = tpu.memref_squeeze %dma_wait3A_1169 : memref<1x32xf32, #tpu.memory_space<hbm>> -> memref<32xf32, #tpu.memory_space<hbm>>
      tpu.wait_dma2 semaphore(%arg8 : memref<!tpu.dma_semaphore, #tpu.memory_space<semaphore_mem>>) src(%dma_wait3A_1170 : memref<32xf32, #tpu.memory_space<hbm>>) dst(%dma_wait3A_1167 : memref<32xf32, #tpu.memory_space<hbm>>)
      %dma_wait3A_1171 = arith.constant 0 : i32
      %dma_wait3A_1172 = tpu.memref_slice %arg4[%add3A_478, %dma_wait3A_1171] : memref<16384x32xf32, #tpu.memory_space<hbm>> -> memref<1x32xf32, #tpu.memory_space<hbm>>
      %dma_wait3A_1173 = tpu.memref_squeeze %dma_wait3A_1172 : memref<1x32xf32, #tpu.memory_space<hbm>> -> memref<32xf32, #tpu.memory_space<hbm>>
      %dma_wait3A_1174 = arith.constant 0 : i32
      %dma_wait3A_1175 = tpu.memref_slice %arg3[%squeeze3A_477, %dma_wait3A_1174] : memref<1000000x32xf32, #tpu.memory_space<hbm>> -> memref<1x32xf32, #tpu.memory_space<hbm>>
      %dma_wait3A_1176 = tpu.memref_squeeze %dma_wait3A_1175 : memref<1x32xf32, #tpu.memory_space<hbm>> -> memref<32xf32, #tpu.memory_space<hbm>>
      tpu.wait_dma2 semaphore(%arg8 : memref<!tpu.dma_semaphore, #tpu.memory_space<semaphore_mem>>) src(%dma_wait3A_1176 : memref<32xf32, #tpu.memory_space<hbm>>) dst(%dma_wait3A_1173 : memref<32xf32, #tpu.memory_space<hbm>>)
      %dma_wait3A_1177 = arith.constant 0 : i32
      %dma_wait3A_1178 = tpu.memref_slice %arg4[%add3A_493, %dma_wait3A_1177] : memref<16384x32xf32, #tpu.memory_space<hbm>> -> memref<1x32xf32, #tpu.memory_space<hbm>>
      %dma_wait3A_1179 = tpu.memref_squeeze %dma_wait3A_1178 : memref<1x32xf32, #tpu.memory_space<hbm>> -> memref<32xf32, #tpu.memory_space<hbm>>
      %dma_wait3A_1180 = arith.constant 0 : i32
      %dma_wait3A_1181 = tpu.memref_slice %arg3[%squeeze3A_492, %dma_wait3A_1180] : memref<1000000x32xf32, #tpu.memory_space<hbm>> -> memref<1x32xf32, #tpu.memory_space<hbm>>
      %dma_wait3A_1182 = tpu.memref_squeeze %dma_wait3A_1181 : memref<1x32xf32, #tpu.memory_space<hbm>> -> memref<32xf32, #tpu.memory_space<hbm>>
      tpu.wait_dma2 semaphore(%arg8 : memref<!tpu.dma_semaphore, #tpu.memory_space<semaphore_mem>>) src(%dma_wait3A_1182 : memref<32xf32, #tpu.memory_space<hbm>>) dst(%dma_wait3A_1179 : memref<32xf32, #tpu.memory_space<hbm>>)
      %dma_wait3A_1183 = arith.constant 0 : i32
      %dma_wait3A_1184 = tpu.memref_slice %arg4[%add3A_514, %dma_wait3A_1183] : memref<16384x32xf32, #tpu.memory_space<hbm>> -> memref<1x32xf32, #tpu.memory_space<hbm>>
      %dma_wait3A_1185 = tpu.memref_squeeze %dma_wait3A_1184 : memref<1x32xf32, #tpu.memory_space<hbm>> -> memref<32xf32, #tpu.memory_space<hbm>>
      %dma_wait3A_1186 = arith.constant 0 : i32
      %dma_wait3A_1187 = tpu.memref_slice %arg3[%squeeze3A_513, %dma_wait3A_1186] : memref<1000000x32xf32, #tpu.memory_space<hbm>> -> memref<1x32xf32, #tpu.memory_space<hbm>>
      %dma_wait3A_1188 = tpu.memref_squeeze %dma_wait3A_1187 : memref<1x32xf32, #tpu.memory_space<hbm>> -> memref<32xf32, #tpu.memory_space<hbm>>
      tpu.wait_dma2 semaphore(%arg9 : memref<!tpu.dma_semaphore, #tpu.memory_space<semaphore_mem>>) src(%dma_wait3A_1188 : memref<32xf32, #tpu.memory_space<hbm>>) dst(%dma_wait3A_1185 : memref<32xf32, #tpu.memory_space<hbm>>)
      %dma_wait3A_1189 = arith.constant 0 : i32
      %dma_wait3A_1190 = tpu.memref_slice %arg4[%add3A_529, %dma_wait3A_1189] : memref<16384x32xf32, #tpu.memory_space<hbm>> -> memref<1x32xf32, #tpu.memory_space<hbm>>
      %dma_wait3A_1191 = tpu.memref_squeeze %dma_wait3A_1190 : memref<1x32xf32, #tpu.memory_space<hbm>> -> memref<32xf32, #tpu.memory_space<hbm>>
      %dma_wait3A_1192 = arith.constant 0 : i32
      %dma_wait3A_1193 = tpu.memref_slice %arg3[%squeeze3A_528, %dma_wait3A_1192] : memref<1000000x32xf32, #tpu.memory_space<hbm>> -> memref<1x32xf32, #tpu.memory_space<hbm>>
      %dma_wait3A_1194 = tpu.memref_squeeze %dma_wait3A_1193 : memref<1x32xf32, #tpu.memory_space<hbm>> -> memref<32xf32, #tpu.memory_space<hbm>>
      tpu.wait_dma2 semaphore(%arg9 : memref<!tpu.dma_semaphore, #tpu.memory_space<semaphore_mem>>) src(%dma_wait3A_1194 : memref<32xf32, #tpu.memory_space<hbm>>) dst(%dma_wait3A_1191 : memref<32xf32, #tpu.memory_space<hbm>>)
      %dma_wait3A_1195 = arith.constant 0 : i32
      %dma_wait3A_1196 = tpu.memref_slice %arg4[%add3A_544, %dma_wait3A_1195] : memref<16384x32xf32, #tpu.memory_space<hbm>> -> memref<1x32xf32, #tpu.memory_space<hbm>>
      %dma_wait3A_1197 = tpu.memref_squeeze %dma_wait3A_1196 : memref<1x32xf32, #tpu.memory_space<hbm>> -> memref<32xf32, #tpu.memory_space<hbm>>
      %dma_wait3A_1198 = arith.constant 0 : i32
      %dma_wait3A_1199 = tpu.memref_slice %arg3[%squeeze3A_543, %dma_wait3A_1198] : memref<1000000x32xf32, #tpu.memory_space<hbm>> -> memref<1x32xf32, #tpu.memory_space<hbm>>
      %dma_wait3A_1200 = tpu.memref_squeeze %dma_wait3A_1199 : memref<1x32xf32, #tpu.memory_space<hbm>> -> memref<32xf32, #tpu.memory_space<hbm>>
      tpu.wait_dma2 semaphore(%arg9 : memref<!tpu.dma_semaphore, #tpu.memory_space<semaphore_mem>>) src(%dma_wait3A_1200 : memref<32xf32, #tpu.memory_space<hbm>>) dst(%dma_wait3A_1197 : memref<32xf32, #tpu.memory_space<hbm>>)
      %dma_wait3A_1201 = arith.constant 0 : i32
      %dma_wait3A_1202 = tpu.memref_slice %arg4[%add3A_559, %dma_wait3A_1201] : memref<16384x32xf32, #tpu.memory_space<hbm>> -> memref<1x32xf32, #tpu.memory_space<hbm>>
      %dma_wait3A_1203 = tpu.memref_squeeze %dma_wait3A_1202 : memref<1x32xf32, #tpu.memory_space<hbm>> -> memref<32xf32, #tpu.memory_space<hbm>>
      %dma_wait3A_1204 = arith.constant 0 : i32
      %dma_wait3A_1205 = tpu.memref_slice %arg3[%squeeze3A_558, %dma_wait3A_1204] : memref<1000000x32xf32, #tpu.memory_space<hbm>> -> memref<1x32xf32, #tpu.memory_space<hbm>>
      %dma_wait3A_1206 = tpu.memref_squeeze %dma_wait3A_1205 : memref<1x32xf32, #tpu.memory_space<hbm>> -> memref<32xf32, #tpu.memory_space<hbm>>
      tpu.wait_dma2 semaphore(%arg9 : memref<!tpu.dma_semaphore, #tpu.memory_space<semaphore_mem>>) src(%dma_wait3A_1206 : memref<32xf32, #tpu.memory_space<hbm>>) dst(%dma_wait3A_1203 : memref<32xf32, #tpu.memory_space<hbm>>)
      %dma_wait3A_1207 = arith.constant 0 : i32
      %dma_wait3A_1208 = tpu.memref_slice %arg4[%add3A_574, %dma_wait3A_1207] : memref<16384x32xf32, #tpu.memory_space<hbm>> -> memref<1x32xf32, #tpu.memory_space<hbm>>
      %dma_wait3A_1209 = tpu.memref_squeeze %dma_wait3A_1208 : memref<1x32xf32, #tpu.memory_space<hbm>> -> memref<32xf32, #tpu.memory_space<hbm>>
      %dma_wait3A_1210 = arith.constant 0 : i32
      %dma_wait3A_1211 = tpu.memref_slice %arg3[%squeeze3A_573, %dma_wait3A_1210] : memref<1000000x32xf32, #tpu.memory_space<hbm>> -> memref<1x32xf32, #tpu.memory_space<hbm>>
      %dma_wait3A_1212 = tpu.memref_squeeze %dma_wait3A_1211 : memref<1x32xf32, #tpu.memory_space<hbm>> -> memref<32xf32, #tpu.memory_space<hbm>>
      tpu.wait_dma2 semaphore(%arg9 : memref<!tpu.dma_semaphore, #tpu.memory_space<semaphore_mem>>) src(%dma_wait3A_1212 : memref<32xf32, #tpu.memory_space<hbm>>) dst(%dma_wait3A_1209 : memref<32xf32, #tpu.memory_space<hbm>>)
      %dma_wait3A_1213 = arith.constant 0 : i32
      %dma_wait3A_1214 = tpu.memref_slice %arg4[%add3A_589, %dma_wait3A_1213] : memref<16384x32xf32, #tpu.memory_space<hbm>> -> memref<1x32xf32, #tpu.memory_space<hbm>>
      %dma_wait3A_1215 = tpu.memref_squeeze %dma_wait3A_1214 : memref<1x32xf32, #tpu.memory_space<hbm>> -> memref<32xf32, #tpu.memory_space<hbm>>
      %dma_wait3A_1216 = arith.constant 0 : i32
      %dma_wait3A_1217 = tpu.memref_slice %arg3[%squeeze3A_588, %dma_wait3A_1216] : memref<1000000x32xf32, #tpu.memory_space<hbm>> -> memref<1x32xf32, #tpu.memory_space<hbm>>
      %dma_wait3A_1218 = tpu.memref_squeeze %dma_wait3A_1217 : memref<1x32xf32, #tpu.memory_space<hbm>> -> memref<32xf32, #tpu.memory_space<hbm>>
      tpu.wait_dma2 semaphore(%arg9 : memref<!tpu.dma_semaphore, #tpu.memory_space<semaphore_mem>>) src(%dma_wait3A_1218 : memref<32xf32, #tpu.memory_space<hbm>>) dst(%dma_wait3A_1215 : memref<32xf32, #tpu.memory_space<hbm>>)
      %dma_wait3A_1219 = arith.constant 0 : i32
      %dma_wait3A_1220 = tpu.memref_slice %arg4[%add3A_604, %dma_wait3A_1219] : memref<16384x32xf32, #tpu.memory_space<hbm>> -> memref<1x32xf32, #tpu.memory_space<hbm>>
      %dma_wait3A_1221 = tpu.memref_squeeze %dma_wait3A_1220 : memref<1x32xf32, #tpu.memory_space<hbm>> -> memref<32xf32, #tpu.memory_space<hbm>>
      %dma_wait3A_1222 = arith.constant 0 : i32
      %dma_wait3A_1223 = tpu.memref_slice %arg3[%squeeze3A_603, %dma_wait3A_1222] : memref<1000000x32xf32, #tpu.memory_space<hbm>> -> memref<1x32xf32, #tpu.memory_space<hbm>>
      %dma_wait3A_1224 = tpu.memref_squeeze %dma_wait3A_1223 : memref<1x32xf32, #tpu.memory_space<hbm>> -> memref<32xf32, #tpu.memory_space<hbm>>
      tpu.wait_dma2 semaphore(%arg9 : memref<!tpu.dma_semaphore, #tpu.memory_space<semaphore_mem>>) src(%dma_wait3A_1224 : memref<32xf32, #tpu.memory_space<hbm>>) dst(%dma_wait3A_1221 : memref<32xf32, #tpu.memory_space<hbm>>)
      %dma_wait3A_1225 = arith.constant 0 : i32
      %dma_wait3A_1226 = tpu.memref_slice %arg4[%add3A_619, %dma_wait3A_1225] : memref<16384x32xf32, #tpu.memory_space<hbm>> -> memref<1x32xf32, #tpu.memory_space<hbm>>
      %dma_wait3A_1227 = tpu.memref_squeeze %dma_wait3A_1226 : memref<1x32xf32, #tpu.memory_space<hbm>> -> memref<32xf32, #tpu.memory_space<hbm>>
      %dma_wait3A_1228 = arith.constant 0 : i32
      %dma_wait3A_1229 = tpu.memref_slice %arg3[%squeeze3A_618, %dma_wait3A_1228] : memref<1000000x32xf32, #tpu.memory_space<hbm>> -> memref<1x32xf32, #tpu.memory_space<hbm>>
      %dma_wait3A_1230 = tpu.memref_squeeze %dma_wait3A_1229 : memref<1x32xf32, #tpu.memory_space<hbm>> -> memref<32xf32, #tpu.memory_space<hbm>>
      tpu.wait_dma2 semaphore(%arg9 : memref<!tpu.dma_semaphore, #tpu.memory_space<semaphore_mem>>) src(%dma_wait3A_1230 : memref<32xf32, #tpu.memory_space<hbm>>) dst(%dma_wait3A_1227 : memref<32xf32, #tpu.memory_space<hbm>>)
      %dma_wait3A_1231 = arith.constant 0 : i32
      %dma_wait3A_1232 = tpu.memref_slice %arg4[%add3A_634, %dma_wait3A_1231] : memref<16384x32xf32, #tpu.memory_space<hbm>> -> memref<1x32xf32, #tpu.memory_space<hbm>>
      %dma_wait3A_1233 = tpu.memref_squeeze %dma_wait3A_1232 : memref<1x32xf32, #tpu.memory_space<hbm>> -> memref<32xf32, #tpu.memory_space<hbm>>
      %dma_wait3A_1234 = arith.constant 0 : i32
      %dma_wait3A_1235 = tpu.memref_slice %arg3[%squeeze3A_633, %dma_wait3A_1234] : memref<1000000x32xf32, #tpu.memory_space<hbm>> -> memref<1x32xf32, #tpu.memory_space<hbm>>
      %dma_wait3A_1236 = tpu.memref_squeeze %dma_wait3A_1235 : memref<1x32xf32, #tpu.memory_space<hbm>> -> memref<32xf32, #tpu.memory_space<hbm>>
      tpu.wait_dma2 semaphore(%arg9 : memref<!tpu.dma_semaphore, #tpu.memory_space<semaphore_mem>>) src(%dma_wait3A_1236 : memref<32xf32, #tpu.memory_space<hbm>>) dst(%dma_wait3A_1233 : memref<32xf32, #tpu.memory_space<hbm>>)
      %dma_wait3A_1237 = arith.constant 0 : i32
      %dma_wait3A_1238 = tpu.memref_slice %arg4[%add3A_649, %dma_wait3A_1237] : memref<16384x32xf32, #tpu.memory_space<hbm>> -> memref<1x32xf32, #tpu.memory_space<hbm>>
      %dma_wait3A_1239 = tpu.memref_squeeze %dma_wait3A_1238 : memref<1x32xf32, #tpu.memory_space<hbm>> -> memref<32xf32, #tpu.memory_space<hbm>>
      %dma_wait3A_1240 = arith.constant 0 : i32
      %dma_wait3A_1241 = tpu.memref_slice %arg3[%squeeze3A_648, %dma_wait3A_1240] : memref<1000000x32xf32, #tpu.memory_space<hbm>> -> memref<1x32xf32, #tpu.memory_space<hbm>>
      %dma_wait3A_1242 = tpu.memref_squeeze %dma_wait3A_1241 : memref<1x32xf32, #tpu.memory_space<hbm>> -> memref<32xf32, #tpu.memory_space<hbm>>
      tpu.wait_dma2 semaphore(%arg9 : memref<!tpu.dma_semaphore, #tpu.memory_space<semaphore_mem>>) src(%dma_wait3A_1242 : memref<32xf32, #tpu.memory_space<hbm>>) dst(%dma_wait3A_1239 : memref<32xf32, #tpu.memory_space<hbm>>)
      %dma_wait3A_1243 = arith.constant 0 : i32
      %dma_wait3A_1244 = tpu.memref_slice %arg4[%add3A_664, %dma_wait3A_1243] : memref<16384x32xf32, #tpu.memory_space<hbm>> -> memref<1x32xf32, #tpu.memory_space<hbm>>
      %dma_wait3A_1245 = tpu.memref_squeeze %dma_wait3A_1244 : memref<1x32xf32, #tpu.memory_space<hbm>> -> memref<32xf32, #tpu.memory_space<hbm>>
      %dma_wait3A_1246 = arith.constant 0 : i32
      %dma_wait3A_1247 = tpu.memref_slice %arg3[%squeeze3A_663, %dma_wait3A_1246] : memref<1000000x32xf32, #tpu.memory_space<hbm>> -> memref<1x32xf32, #tpu.memory_space<hbm>>
      %dma_wait3A_1248 = tpu.memref_squeeze %dma_wait3A_1247 : memref<1x32xf32, #tpu.memory_space<hbm>> -> memref<32xf32, #tpu.memory_space<hbm>>
      tpu.wait_dma2 semaphore(%arg9 : memref<!tpu.dma_semaphore, #tpu.memory_space<semaphore_mem>>) src(%dma_wait3A_1248 : memref<32xf32, #tpu.memory_space<hbm>>) dst(%dma_wait3A_1245 : memref<32xf32, #tpu.memory_space<hbm>>)
      %dma_wait3A_1249 = arith.constant 0 : i32
      %dma_wait3A_1250 = tpu.memref_slice %arg4[%add3A_679, %dma_wait3A_1249] : memref<16384x32xf32, #tpu.memory_space<hbm>> -> memref<1x32xf32, #tpu.memory_space<hbm>>
      %dma_wait3A_1251 = tpu.memref_squeeze %dma_wait3A_1250 : memref<1x32xf32, #tpu.memory_space<hbm>> -> memref<32xf32, #tpu.memory_space<hbm>>
      %dma_wait3A_1252 = arith.constant 0 : i32
      %dma_wait3A_1253 = tpu.memref_slice %arg3[%squeeze3A_678, %dma_wait3A_1252] : memref<1000000x32xf32, #tpu.memory_space<hbm>> -> memref<1x32xf32, #tpu.memory_space<hbm>>
      %dma_wait3A_1254 = tpu.memref_squeeze %dma_wait3A_1253 : memref<1x32xf32, #tpu.memory_space<hbm>> -> memref<32xf32, #tpu.memory_space<hbm>>
      tpu.wait_dma2 semaphore(%arg9 : memref<!tpu.dma_semaphore, #tpu.memory_space<semaphore_mem>>) src(%dma_wait3A_1254 : memref<32xf32, #tpu.memory_space<hbm>>) dst(%dma_wait3A_1251 : memref<32xf32, #tpu.memory_space<hbm>>)
      %dma_wait3A_1255 = arith.constant 0 : i32
      %dma_wait3A_1256 = tpu.memref_slice %arg4[%add3A_694, %dma_wait3A_1255] : memref<16384x32xf32, #tpu.memory_space<hbm>> -> memref<1x32xf32, #tpu.memory_space<hbm>>
      %dma_wait3A_1257 = tpu.memref_squeeze %dma_wait3A_1256 : memref<1x32xf32, #tpu.memory_space<hbm>> -> memref<32xf32, #tpu.memory_space<hbm>>
      %dma_wait3A_1258 = arith.constant 0 : i32
      %dma_wait3A_1259 = tpu.memref_slice %arg3[%squeeze3A_693, %dma_wait3A_1258] : memref<1000000x32xf32, #tpu.memory_space<hbm>> -> memref<1x32xf32, #tpu.memory_space<hbm>>
      %dma_wait3A_1260 = tpu.memref_squeeze %dma_wait3A_1259 : memref<1x32xf32, #tpu.memory_space<hbm>> -> memref<32xf32, #tpu.memory_space<hbm>>
      tpu.wait_dma2 semaphore(%arg9 : memref<!tpu.dma_semaphore, #tpu.memory_space<semaphore_mem>>) src(%dma_wait3A_1260 : memref<32xf32, #tpu.memory_space<hbm>>) dst(%dma_wait3A_1257 : memref<32xf32, #tpu.memory_space<hbm>>)
      %dma_wait3A_1261 = arith.constant 0 : i32
      %dma_wait3A_1262 = tpu.memref_slice %arg4[%add3A_709, %dma_wait3A_1261] : memref<16384x32xf32, #tpu.memory_space<hbm>> -> memref<1x32xf32, #tpu.memory_space<hbm>>
      %dma_wait3A_1263 = tpu.memref_squeeze %dma_wait3A_1262 : memref<1x32xf32, #tpu.memory_space<hbm>> -> memref<32xf32, #tpu.memory_space<hbm>>
      %dma_wait3A_1264 = arith.constant 0 : i32
      %dma_wait3A_1265 = tpu.memref_slice %arg3[%squeeze3A_708, %dma_wait3A_1264] : memref<1000000x32xf32, #tpu.memory_space<hbm>> -> memref<1x32xf32, #tpu.memory_space<hbm>>
      %dma_wait3A_1266 = tpu.memref_squeeze %dma_wait3A_1265 : memref<1x32xf32, #tpu.memory_space<hbm>> -> memref<32xf32, #tpu.memory_space<hbm>>
      tpu.wait_dma2 semaphore(%arg9 : memref<!tpu.dma_semaphore, #tpu.memory_space<semaphore_mem>>) src(%dma_wait3A_1266 : memref<32xf32, #tpu.memory_space<hbm>>) dst(%dma_wait3A_1263 : memref<32xf32, #tpu.memory_space<hbm>>)
      %dma_wait3A_1267 = arith.constant 0 : i32
      %dma_wait3A_1268 = tpu.memref_slice %arg4[%add3A_724, %dma_wait3A_1267] : memref<16384x32xf32, #tpu.memory_space<hbm>> -> memref<1x32xf32, #tpu.memory_space<hbm>>
      %dma_wait3A_1269 = tpu.memref_squeeze %dma_wait3A_1268 : memref<1x32xf32, #tpu.memory_space<hbm>> -> memref<32xf32, #tpu.memory_space<hbm>>
      %dma_wait3A_1270 = arith.constant 0 : i32
      %dma_wait3A_1271 = tpu.memref_slice %arg3[%squeeze3A_723, %dma_wait3A_1270] : memref<1000000x32xf32, #tpu.memory_space<hbm>> -> memref<1x32xf32, #tpu.memory_space<hbm>>
      %dma_wait3A_1272 = tpu.memref_squeeze %dma_wait3A_1271 : memref<1x32xf32, #tpu.memory_space<hbm>> -> memref<32xf32, #tpu.memory_space<hbm>>
      tpu.wait_dma2 semaphore(%arg9 : memref<!tpu.dma_semaphore, #tpu.memory_space<semaphore_mem>>) src(%dma_wait3A_1272 : memref<32xf32, #tpu.memory_space<hbm>>) dst(%dma_wait3A_1269 : memref<32xf32, #tpu.memory_space<hbm>>)
      %dma_wait3A_1273 = arith.constant 0 : i32
      %dma_wait3A_1274 = tpu.memref_slice %arg4[%add3A_739, %dma_wait3A_1273] : memref<16384x32xf32, #tpu.memory_space<hbm>> -> memref<1x32xf32, #tpu.memory_space<hbm>>
      %dma_wait3A_1275 = tpu.memref_squeeze %dma_wait3A_1274 : memref<1x32xf32, #tpu.memory_space<hbm>> -> memref<32xf32, #tpu.memory_space<hbm>>
      %dma_wait3A_1276 = arith.constant 0 : i32
      %dma_wait3A_1277 = tpu.memref_slice %arg3[%squeeze3A_738, %dma_wait3A_1276] : memref<1000000x32xf32, #tpu.memory_space<hbm>> -> memref<1x32xf32, #tpu.memory_space<hbm>>
      %dma_wait3A_1278 = tpu.memref_squeeze %dma_wait3A_1277 : memref<1x32xf32, #tpu.memory_space<hbm>> -> memref<32xf32, #tpu.memory_space<hbm>>
      tpu.wait_dma2 semaphore(%arg9 : memref<!tpu.dma_semaphore, #tpu.memory_space<semaphore_mem>>) src(%dma_wait3A_1278 : memref<32xf32, #tpu.memory_space<hbm>>) dst(%dma_wait3A_1275 : memref<32xf32, #tpu.memory_space<hbm>>)
      %dma_wait3A_1279 = arith.constant 0 : i32
      %dma_wait3A_1280 = tpu.memref_slice %arg4[%add3A_760, %dma_wait3A_1279] : memref<16384x32xf32, #tpu.memory_space<hbm>> -> memref<1x32xf32, #tpu.memory_space<hbm>>
      %dma_wait3A_1281 = tpu.memref_squeeze %dma_wait3A_1280 : memref<1x32xf32, #tpu.memory_space<hbm>> -> memref<32xf32, #tpu.memory_space<hbm>>
      %dma_wait3A_1282 = arith.constant 0 : i32
      %dma_wait3A_1283 = tpu.memref_slice %arg3[%squeeze3A_759, %dma_wait3A_1282] : memref<1000000x32xf32, #tpu.memory_space<hbm>> -> memref<1x32xf32, #tpu.memory_space<hbm>>
      %dma_wait3A_1284 = tpu.memref_squeeze %dma_wait3A_1283 : memref<1x32xf32, #tpu.memory_space<hbm>> -> memref<32xf32, #tpu.memory_space<hbm>>
      tpu.wait_dma2 semaphore(%arg10 : memref<!tpu.dma_semaphore, #tpu.memory_space<semaphore_mem>>) src(%dma_wait3A_1284 : memref<32xf32, #tpu.memory_space<hbm>>) dst(%dma_wait3A_1281 : memref<32xf32, #tpu.memory_space<hbm>>)
      %dma_wait3A_1285 = arith.constant 0 : i32
      %dma_wait3A_1286 = tpu.memref_slice %arg4[%add3A_775, %dma_wait3A_1285] : memref<16384x32xf32, #tpu.memory_space<hbm>> -> memref<1x32xf32, #tpu.memory_space<hbm>>
      %dma_wait3A_1287 = tpu.memref_squeeze %dma_wait3A_1286 : memref<1x32xf32, #tpu.memory_space<hbm>> -> memref<32xf32, #tpu.memory_space<hbm>>
      %dma_wait3A_1288 = arith.constant 0 : i32
      %dma_wait3A_1289 = tpu.memref_slice %arg3[%squeeze3A_774, %dma_wait3A_1288] : memref<1000000x32xf32, #tpu.memory_space<hbm>> -> memref<1x32xf32, #tpu.memory_space<hbm>>
      %dma_wait3A_1290 = tpu.memref_squeeze %dma_wait3A_1289 : memref<1x32xf32, #tpu.memory_space<hbm>> -> memref<32xf32, #tpu.memory_space<hbm>>
      tpu.wait_dma2 semaphore(%arg10 : memref<!tpu.dma_semaphore, #tpu.memory_space<semaphore_mem>>) src(%dma_wait3A_1290 : memref<32xf32, #tpu.memory_space<hbm>>) dst(%dma_wait3A_1287 : memref<32xf32, #tpu.memory_space<hbm>>)
      %dma_wait3A_1291 = arith.constant 0 : i32
      %dma_wait3A_1292 = tpu.memref_slice %arg4[%add3A_790, %dma_wait3A_1291] : memref<16384x32xf32, #tpu.memory_space<hbm>> -> memref<1x32xf32, #tpu.memory_space<hbm>>
      %dma_wait3A_1293 = tpu.memref_squeeze %dma_wait3A_1292 : memref<1x32xf32, #tpu.memory_space<hbm>> -> memref<32xf32, #tpu.memory_space<hbm>>
      %dma_wait3A_1294 = arith.constant 0 : i32
      %dma_wait3A_1295 = tpu.memref_slice %arg3[%squeeze3A_789, %dma_wait3A_1294] : memref<1000000x32xf32, #tpu.memory_space<hbm>> -> memref<1x32xf32, #tpu.memory_space<hbm>>
      %dma_wait3A_1296 = tpu.memref_squeeze %dma_wait3A_1295 : memref<1x32xf32, #tpu.memory_space<hbm>> -> memref<32xf32, #tpu.memory_space<hbm>>
      tpu.wait_dma2 semaphore(%arg10 : memref<!tpu.dma_semaphore, #tpu.memory_space<semaphore_mem>>) src(%dma_wait3A_1296 : memref<32xf32, #tpu.memory_space<hbm>>) dst(%dma_wait3A_1293 : memref<32xf32, #tpu.memory_space<hbm>>)
      %dma_wait3A_1297 = arith.constant 0 : i32
      %dma_wait3A_1298 = tpu.memref_slice %arg4[%add3A_805, %dma_wait3A_1297] : memref<16384x32xf32, #tpu.memory_space<hbm>> -> memref<1x32xf32, #tpu.memory_space<hbm>>
      %dma_wait3A_1299 = tpu.memref_squeeze %dma_wait3A_1298 : memref<1x32xf32, #tpu.memory_space<hbm>> -> memref<32xf32, #tpu.memory_space<hbm>>
      %dma_wait3A_1300 = arith.constant 0 : i32
      %dma_wait3A_1301 = tpu.memref_slice %arg3[%squeeze3A_804, %dma_wait3A_1300] : memref<1000000x32xf32, #tpu.memory_space<hbm>> -> memref<1x32xf32, #tpu.memory_space<hbm>>
      %dma_wait3A_1302 = tpu.memref_squeeze %dma_wait3A_1301 : memref<1x32xf32, #tpu.memory_space<hbm>> -> memref<32xf32, #tpu.memory_space<hbm>>
      tpu.wait_dma2 semaphore(%arg10 : memref<!tpu.dma_semaphore, #tpu.memory_space<semaphore_mem>>) src(%dma_wait3A_1302 : memref<32xf32, #tpu.memory_space<hbm>>) dst(%dma_wait3A_1299 : memref<32xf32, #tpu.memory_space<hbm>>)
      %dma_wait3A_1303 = arith.constant 0 : i32
      %dma_wait3A_1304 = tpu.memref_slice %arg4[%add3A_820, %dma_wait3A_1303] : memref<16384x32xf32, #tpu.memory_space<hbm>> -> memref<1x32xf32, #tpu.memory_space<hbm>>
      %dma_wait3A_1305 = tpu.memref_squeeze %dma_wait3A_1304 : memref<1x32xf32, #tpu.memory_space<hbm>> -> memref<32xf32, #tpu.memory_space<hbm>>
      %dma_wait3A_1306 = arith.constant 0 : i32
      %dma_wait3A_1307 = tpu.memref_slice %arg3[%squeeze3A_819, %dma_wait3A_1306] : memref<1000000x32xf32, #tpu.memory_space<hbm>> -> memref<1x32xf32, #tpu.memory_space<hbm>>
      %dma_wait3A_1308 = tpu.memref_squeeze %dma_wait3A_1307 : memref<1x32xf32, #tpu.memory_space<hbm>> -> memref<32xf32, #tpu.memory_space<hbm>>
      tpu.wait_dma2 semaphore(%arg10 : memref<!tpu.dma_semaphore, #tpu.memory_space<semaphore_mem>>) src(%dma_wait3A_1308 : memref<32xf32, #tpu.memory_space<hbm>>) dst(%dma_wait3A_1305 : memref<32xf32, #tpu.memory_space<hbm>>)
      %dma_wait3A_1309 = arith.constant 0 : i32
      %dma_wait3A_1310 = tpu.memref_slice %arg4[%add3A_835, %dma_wait3A_1309] : memref<16384x32xf32, #tpu.memory_space<hbm>> -> memref<1x32xf32, #tpu.memory_space<hbm>>
      %dma_wait3A_1311 = tpu.memref_squeeze %dma_wait3A_1310 : memref<1x32xf32, #tpu.memory_space<hbm>> -> memref<32xf32, #tpu.memory_space<hbm>>
      %dma_wait3A_1312 = arith.constant 0 : i32
      %dma_wait3A_1313 = tpu.memref_slice %arg3[%squeeze3A_834, %dma_wait3A_1312] : memref<1000000x32xf32, #tpu.memory_space<hbm>> -> memref<1x32xf32, #tpu.memory_space<hbm>>
      %dma_wait3A_1314 = tpu.memref_squeeze %dma_wait3A_1313 : memref<1x32xf32, #tpu.memory_space<hbm>> -> memref<32xf32, #tpu.memory_space<hbm>>
      tpu.wait_dma2 semaphore(%arg10 : memref<!tpu.dma_semaphore, #tpu.memory_space<semaphore_mem>>) src(%dma_wait3A_1314 : memref<32xf32, #tpu.memory_space<hbm>>) dst(%dma_wait3A_1311 : memref<32xf32, #tpu.memory_space<hbm>>)
      %dma_wait3A_1315 = arith.constant 0 : i32
      %dma_wait3A_1316 = tpu.memref_slice %arg4[%add3A_850, %dma_wait3A_1315] : memref<16384x32xf32, #tpu.memory_space<hbm>> -> memref<1x32xf32, #tpu.memory_space<hbm>>
      %dma_wait3A_1317 = tpu.memref_squeeze %dma_wait3A_1316 : memref<1x32xf32, #tpu.memory_space<hbm>> -> memref<32xf32, #tpu.memory_space<hbm>>
      %dma_wait3A_1318 = arith.constant 0 : i32
      %dma_wait3A_1319 = tpu.memref_slice %arg3[%squeeze3A_849, %dma_wait3A_1318] : memref<1000000x32xf32, #tpu.memory_space<hbm>> -> memref<1x32xf32, #tpu.memory_space<hbm>>
      %dma_wait3A_1320 = tpu.memref_squeeze %dma_wait3A_1319 : memref<1x32xf32, #tpu.memory_space<hbm>> -> memref<32xf32, #tpu.memory_space<hbm>>
      tpu.wait_dma2 semaphore(%arg10 : memref<!tpu.dma_semaphore, #tpu.memory_space<semaphore_mem>>) src(%dma_wait3A_1320 : memref<32xf32, #tpu.memory_space<hbm>>) dst(%dma_wait3A_1317 : memref<32xf32, #tpu.memory_space<hbm>>)
      %dma_wait3A_1321 = arith.constant 0 : i32
      %dma_wait3A_1322 = tpu.memref_slice %arg4[%add3A_865, %dma_wait3A_1321] : memref<16384x32xf32, #tpu.memory_space<hbm>> -> memref<1x32xf32, #tpu.memory_space<hbm>>
      %dma_wait3A_1323 = tpu.memref_squeeze %dma_wait3A_1322 : memref<1x32xf32, #tpu.memory_space<hbm>> -> memref<32xf32, #tpu.memory_space<hbm>>
      %dma_wait3A_1324 = arith.constant 0 : i32
      %dma_wait3A_1325 = tpu.memref_slice %arg3[%squeeze3A_864, %dma_wait3A_1324] : memref<1000000x32xf32, #tpu.memory_space<hbm>> -> memref<1x32xf32, #tpu.memory_space<hbm>>
      %dma_wait3A_1326 = tpu.memref_squeeze %dma_wait3A_1325 : memref<1x32xf32, #tpu.memory_space<hbm>> -> memref<32xf32, #tpu.memory_space<hbm>>
      tpu.wait_dma2 semaphore(%arg10 : memref<!tpu.dma_semaphore, #tpu.memory_space<semaphore_mem>>) src(%dma_wait3A_1326 : memref<32xf32, #tpu.memory_space<hbm>>) dst(%dma_wait3A_1323 : memref<32xf32, #tpu.memory_space<hbm>>)
      %dma_wait3A_1327 = arith.constant 0 : i32
      %dma_wait3A_1328 = tpu.memref_slice %arg4[%add3A_880, %dma_wait3A_1327] : memref<16384x32xf32, #tpu.memory_space<hbm>> -> memref<1x32xf32, #tpu.memory_space<hbm>>
      %dma_wait3A_1329 = tpu.memref_squeeze %dma_wait3A_1328 : memref<1x32xf32, #tpu.memory_space<hbm>> -> memref<32xf32, #tpu.memory_space<hbm>>
      %dma_wait3A_1330 = arith.constant 0 : i32
      %dma_wait3A_1331 = tpu.memref_slice %arg3[%squeeze3A_879, %dma_wait3A_1330] : memref<1000000x32xf32, #tpu.memory_space<hbm>> -> memref<1x32xf32, #tpu.memory_space<hbm>>
      %dma_wait3A_1332 = tpu.memref_squeeze %dma_wait3A_1331 : memref<1x32xf32, #tpu.memory_space<hbm>> -> memref<32xf32, #tpu.memory_space<hbm>>
      tpu.wait_dma2 semaphore(%arg10 : memref<!tpu.dma_semaphore, #tpu.memory_space<semaphore_mem>>) src(%dma_wait3A_1332 : memref<32xf32, #tpu.memory_space<hbm>>) dst(%dma_wait3A_1329 : memref<32xf32, #tpu.memory_space<hbm>>)
      %dma_wait3A_1333 = arith.constant 0 : i32
      %dma_wait3A_1334 = tpu.memref_slice %arg4[%add3A_895, %dma_wait3A_1333] : memref<16384x32xf32, #tpu.memory_space<hbm>> -> memref<1x32xf32, #tpu.memory_space<hbm>>
      %dma_wait3A_1335 = tpu.memref_squeeze %dma_wait3A_1334 : memref<1x32xf32, #tpu.memory_space<hbm>> -> memref<32xf32, #tpu.memory_space<hbm>>
      %dma_wait3A_1336 = arith.constant 0 : i32
      %dma_wait3A_1337 = tpu.memref_slice %arg3[%squeeze3A_894, %dma_wait3A_1336] : memref<1000000x32xf32, #tpu.memory_space<hbm>> -> memref<1x32xf32, #tpu.memory_space<hbm>>
      %dma_wait3A_1338 = tpu.memref_squeeze %dma_wait3A_1337 : memref<1x32xf32, #tpu.memory_space<hbm>> -> memref<32xf32, #tpu.memory_space<hbm>>
      tpu.wait_dma2 semaphore(%arg10 : memref<!tpu.dma_semaphore, #tpu.memory_space<semaphore_mem>>) src(%dma_wait3A_1338 : memref<32xf32, #tpu.memory_space<hbm>>) dst(%dma_wait3A_1335 : memref<32xf32, #tpu.memory_space<hbm>>)
      %dma_wait3A_1339 = arith.constant 0 : i32
      %dma_wait3A_1340 = tpu.memref_slice %arg4[%add3A_910, %dma_wait3A_1339] : memref<16384x32xf32, #tpu.memory_space<hbm>> -> memref<1x32xf32, #tpu.memory_space<hbm>>
      %dma_wait3A_1341 = tpu.memref_squeeze %dma_wait3A_1340 : memref<1x32xf32, #tpu.memory_space<hbm>> -> memref<32xf32, #tpu.memory_space<hbm>>
      %dma_wait3A_1342 = arith.constant 0 : i32
      %dma_wait3A_1343 = tpu.memref_slice %arg3[%squeeze3A_909, %dma_wait3A_1342] : memref<1000000x32xf32, #tpu.memory_space<hbm>> -> memref<1x32xf32, #tpu.memory_space<hbm>>
      %dma_wait3A_1344 = tpu.memref_squeeze %dma_wait3A_1343 : memref<1x32xf32, #tpu.memory_space<hbm>> -> memref<32xf32, #tpu.memory_space<hbm>>
      tpu.wait_dma2 semaphore(%arg10 : memref<!tpu.dma_semaphore, #tpu.memory_space<semaphore_mem>>) src(%dma_wait3A_1344 : memref<32xf32, #tpu.memory_space<hbm>>) dst(%dma_wait3A_1341 : memref<32xf32, #tpu.memory_space<hbm>>)
      %dma_wait3A_1345 = arith.constant 0 : i32
      %dma_wait3A_1346 = tpu.memref_slice %arg4[%add3A_925, %dma_wait3A_1345] : memref<16384x32xf32, #tpu.memory_space<hbm>> -> memref<1x32xf32, #tpu.memory_space<hbm>>
      %dma_wait3A_1347 = tpu.memref_squeeze %dma_wait3A_1346 : memref<1x32xf32, #tpu.memory_space<hbm>> -> memref<32xf32, #tpu.memory_space<hbm>>
      %dma_wait3A_1348 = arith.constant 0 : i32
      %dma_wait3A_1349 = tpu.memref_slice %arg3[%squeeze3A_924, %dma_wait3A_1348] : memref<1000000x32xf32, #tpu.memory_space<hbm>> -> memref<1x32xf32, #tpu.memory_space<hbm>>
      %dma_wait3A_1350 = tpu.memref_squeeze %dma_wait3A_1349 : memref<1x32xf32, #tpu.memory_space<hbm>> -> memref<32xf32, #tpu.memory_space<hbm>>
      tpu.wait_dma2 semaphore(%arg10 : memref<!tpu.dma_semaphore, #tpu.memory_space<semaphore_mem>>) src(%dma_wait3A_1350 : memref<32xf32, #tpu.memory_space<hbm>>) dst(%dma_wait3A_1347 : memref<32xf32, #tpu.memory_space<hbm>>)
      %dma_wait3A_1351 = arith.constant 0 : i32
      %dma_wait3A_1352 = tpu.memref_slice %arg4[%add3A_940, %dma_wait3A_1351] : memref<16384x32xf32, #tpu.memory_space<hbm>> -> memref<1x32xf32, #tpu.memory_space<hbm>>
      %dma_wait3A_1353 = tpu.memref_squeeze %dma_wait3A_1352 : memref<1x32xf32, #tpu.memory_space<hbm>> -> memref<32xf32, #tpu.memory_space<hbm>>
      %dma_wait3A_1354 = arith.constant 0 : i32
      %dma_wait3A_1355 = tpu.memref_slice %arg3[%squeeze3A_939, %dma_wait3A_1354] : memref<1000000x32xf32, #tpu.memory_space<hbm>> -> memref<1x32xf32, #tpu.memory_space<hbm>>
      %dma_wait3A_1356 = tpu.memref_squeeze %dma_wait3A_1355 : memref<1x32xf32, #tpu.memory_space<hbm>> -> memref<32xf32, #tpu.memory_space<hbm>>
      tpu.wait_dma2 semaphore(%arg10 : memref<!tpu.dma_semaphore, #tpu.memory_space<semaphore_mem>>) src(%dma_wait3A_1356 : memref<32xf32, #tpu.memory_space<hbm>>) dst(%dma_wait3A_1353 : memref<32xf32, #tpu.memory_space<hbm>>)
      %dma_wait3A_1357 = arith.constant 0 : i32
      %dma_wait3A_1358 = tpu.memref_slice %arg4[%add3A_955, %dma_wait3A_1357] : memref<16384x32xf32, #tpu.memory_space<hbm>> -> memref<1x32xf32, #tpu.memory_space<hbm>>
      %dma_wait3A_1359 = tpu.memref_squeeze %dma_wait3A_1358 : memref<1x32xf32, #tpu.memory_space<hbm>> -> memref<32xf32, #tpu.memory_space<hbm>>
      %dma_wait3A_1360 = arith.constant 0 : i32
      %dma_wait3A_1361 = tpu.memref_slice %arg3[%squeeze3A_954, %dma_wait3A_1360] : memref<1000000x32xf32, #tpu.memory_space<hbm>> -> memref<1x32xf32, #tpu.memory_space<hbm>>
      %dma_wait3A_1362 = tpu.memref_squeeze %dma_wait3A_1361 : memref<1x32xf32, #tpu.memory_space<hbm>> -> memref<32xf32, #tpu.memory_space<hbm>>
      tpu.wait_dma2 semaphore(%arg10 : memref<!tpu.dma_semaphore, #tpu.memory_space<semaphore_mem>>) src(%dma_wait3A_1362 : memref<32xf32, #tpu.memory_space<hbm>>) dst(%dma_wait3A_1359 : memref<32xf32, #tpu.memory_space<hbm>>)
      %dma_wait3A_1363 = arith.constant 0 : i32
      %dma_wait3A_1364 = tpu.memref_slice %arg4[%add3A_970, %dma_wait3A_1363] : memref<16384x32xf32, #tpu.memory_space<hbm>> -> memref<1x32xf32, #tpu.memory_space<hbm>>
      %dma_wait3A_1365 = tpu.memref_squeeze %dma_wait3A_1364 : memref<1x32xf32, #tpu.memory_space<hbm>> -> memref<32xf32, #tpu.memory_space<hbm>>
      %dma_wait3A_1366 = arith.constant 0 : i32
      %dma_wait3A_1367 = tpu.memref_slice %arg3[%squeeze3A_969, %dma_wait3A_1366] : memref<1000000x32xf32, #tpu.memory_space<hbm>> -> memref<1x32xf32, #tpu.memory_space<hbm>>
      %dma_wait3A_1368 = tpu.memref_squeeze %dma_wait3A_1367 : memref<1x32xf32, #tpu.memory_space<hbm>> -> memref<32xf32, #tpu.memory_space<hbm>>
      tpu.wait_dma2 semaphore(%arg10 : memref<!tpu.dma_semaphore, #tpu.memory_space<semaphore_mem>>) src(%dma_wait3A_1368 : memref<32xf32, #tpu.memory_space<hbm>>) dst(%dma_wait3A_1365 : memref<32xf32, #tpu.memory_space<hbm>>)
      %dma_wait3A_1369 = arith.constant 0 : i32
      %dma_wait3A_1370 = tpu.memref_slice %arg4[%add3A_985, %dma_wait3A_1369] : memref<16384x32xf32, #tpu.memory_space<hbm>> -> memref<1x32xf32, #tpu.memory_space<hbm>>
      %dma_wait3A_1371 = tpu.memref_squeeze %dma_wait3A_1370 : memref<1x32xf32, #tpu.memory_space<hbm>> -> memref<32xf32, #tpu.memory_space<hbm>>
      %dma_wait3A_1372 = arith.constant 0 : i32
      %dma_wait3A_1373 = tpu.memref_slice %arg3[%squeeze3A_984, %dma_wait3A_1372] : memref<1000000x32xf32, #tpu.memory_space<hbm>> -> memref<1x32xf32, #tpu.memory_space<hbm>>
      %dma_wait3A_1374 = tpu.memref_squeeze %dma_wait3A_1373 : memref<1x32xf32, #tpu.memory_space<hbm>> -> memref<32xf32, #tpu.memory_space<hbm>>
      tpu.wait_dma2 semaphore(%arg10 : memref<!tpu.dma_semaphore, #tpu.memory_space<semaphore_mem>>) src(%dma_wait3A_1374 : memref<32xf32, #tpu.memory_space<hbm>>) dst(%dma_wait3A_1371 : memref<32xf32, #tpu.memory_space<hbm>>)
    }
    %scan3A_6 = arith.constant 8 : i32
    return
  }
}

</mosaic_0001>

<sc_bundles>
// kernel: kernel.3.cloned.1.call-start
scs
__scs_entry_jumppad:
0x0: {  	(pc) =	sbr.rel $0x88, $3  }
0x1: {  	(tag) =	ssettag $0x0;
	lr =	simm.s32 $0x1  }
0x2: {  	[smem:$0x3F9F] =	sst lr;
	_ =	strace $0xD0000000  }
0x3: {  	_ = 	snop  }
0x4: {  	_ = 	snop  }
0x5: {  	_ = 	snop  }
0x6: {  	_ = 	snop  }
0x7: {  	_ = 	snop  }
__scs_overlays_trampoline_lowered:
0x8: {  	[smem:$0x3FAE] =	sst s0  }
0x9: {  	[smem:$0x3FAF] =	sst s1  }
0xa: {  	[smem:$0x3FB0] =	sst s2  }
0xb: {  	[smem:$0x3FB1] =	sst s3  }
0xc: {  	[smem:$0x3FB2] =	sst s4  }
0xd: {  	[smem:$0x3FB3] =	sst s5  }
0xe: {  	[smem:$0x3FB4] =	sst s6  }
0xf: {  	[smem:$0x3FB5] =	sst s7  }
0x10: {  	[smem:$0x3FB6] =	sst s8  }
0x11: {  	[smem:$0x3FB7] =	sst s9;
	s0 =	simm.s32 @!p0 $0x0  }
0x12: {  	s1 =	sld [smem:$0x3F9D];
	s0 =	simm.s32 @p0 $0x1  }
0x13: {  	[smem:$0x3FB8] =	sst s0;
	s0 =	simm.s32 @!p1 $0x0  }
0x14: {  	s2 =	sld [smem:$0x3F9C];
	s0 =	simm.s32 @p1 $0x1  }
0x15: {  	[smem:$0x3FB9] =	sst s0;
	s0 =	simm.s32 @!p2 $0x0  }
0x16: {  	s3 =	sld [smem:$0x3FDB];
	s0 =	simm.s32 @p2 $0x1  }
0x17: {  	s4 =	simm.s32 $0x1BF5;
	[smem:$0x3FBB] =	sst s0  }
0x18: {  	s0 =	sld [smem:$0x3F9E];
	_ =	swait.ge [sflag:s4], $0x0  }
0x19: {  	s7 =	sld [smem:$0x3F9F]  }
0x1a: {  	s8 =	sadd.s32 $0xFFFFE003, lr  }
0x1b: {  	s9 =	sadd.s32 $0xFFFFFEF7, lr;
	s5 =	simm.s32 $0xFFFFFFFF;
	p2 =	slt.u32 s8, $0xFFFFF086  }
0x1c: {  	p1 =	slt.u32 s9, $0xF7A;
	s5 =	simm.s32 @!p2 $0x0  }
0x1d: {  	s5 =	simm.s32 @p1 $0x1;
	p0 =	seq.s32 s7, s2  }
0x1e: {  	s7 =	smul.u32 @!p0 $0xF7A, s2;
	p2 =	seq.s32 @!p0 s5, $0x0  }
0x1f: {  	s9 =	smul.u32 $0xF7A, s1;
	s8 =	simm.s32 @!p0 $0x1BF5;
	p2 =	por !p2, p0  }
0x20: {  	[sflag:s8] =	ssyncset.s32 @!p0 $0xFFFFF086;
	s6 =	sadd.s32 @!p0 s3, s7;
	s7 =	simm.s32 @!p0 $0x108  }
0x21: {  	s3 =	sadd.s32 s3, s9;
	s6 =	sadd.s32 @!p0 $0x88, s6;
	s7 =	simm.s32 @p2 $0x1082  }
0x22: {  	[simem:s7], [sflag:s8] =	dma.local @!p0 [hbm:s6], $0xF7A  }
0x23: {  	s9 =	sor.u32 $0xD0000000, s2;
	s6 =	simm.s32 $0x108;
	_ =	swait.ge @!p0 [sflag:s8], $0x0  }
0x24: {  	s3 =	sadd.s32 $0x88, s3;
	s6 =	simm.s32 @!p1 $0x1082;
	[sflag:s4] =	ssyncset.s32 $0xFFFFF086  }
0x25: {  	[simem:s6], [sflag:s4] =	dma.local [hbm:s3], $0xF7A  }
0x26: {  	[smem:$0x3F9F] =	sst s1;
	(tag) =	ssettag s2;
	_ =	strace s9  }
0x27: {  	s1 =	sld [smem:$0x3FAF]  }
0x28: {  	s2 =	sld [smem:$0x3FB0]  }
0x29: {  	s4 =	sld [smem:$0x3FB2]  }
0x2a: {  	p0 =	seq.s32 s5, $0x0;
	s5 =	sld [smem:$0x3FB3]  }
0x2b: {  	s6 =	sld [smem:$0x3FB4]  }
0x2c: {  	s7 =	sld [smem:$0x3FB5]  }
0x2d: {  	s3 =	simm.s32 $0x108;
	s8 =	sld [smem:$0x3FB6]  }
0x2e: {  	s3 =	simm.s32 @!p0 $0x1082;
	s9 =	sld [smem:$0x3FB7]  }
0x2f: {  	lr =	sadd.s32 s0, s3;
	s0 =	sld [smem:$0x3FAE]  }
0x30: {  	s3 =	sld [smem:$0x3FB1]  }
0x31: {  	[smem:$0x3FBA] =	sst s10  }
0x32: {  	s10 =	sld [smem:$0x3FB8];
	_ =	sdelay $0x3  }
0x33: {  	p0 =	seq.s32 s10, $0x1;
	s10 =	sld [smem:$0x3FBA];
	_ =	sdelay $0x3  }
0x34: {  	[smem:$0x3FBA] =	sst s10  }
0x35: {  	s10 =	sld [smem:$0x3FB9];
	_ =	sdelay $0x3  }
0x36: {  	p1 =	seq.s32 s10, $0x1;
	s10 =	sld [smem:$0x3FBA];
	_ =	sdelay $0x3  }
0x37: {  	[smem:$0x3FBA] =	sst s10  }
0x38: {  	s10 =	sld [smem:$0x3FBB]  }
0x39: {  	_ = 	snop;
	(pc) =	sbr.ind lr, $3  }
0x3a: {  	_ = 	snop  }
0x3b: {  	_ = 	snop  }
0x3c: {  	p2 =	seq.s32 s10, $0x1;
	s10 =	sld [smem:$0x3FBA]  }
0x3d: {  	_ =	shalt  }
0x3e: {  	_ =	shalt  }
0x3f: {  	_ =	shalt  }
0x40: {  	_ =	shalt  }
0x41: {  	_ =	shalt  }
0x42: {  	_ =	shalt  }
0x43: {  	_ =	shalt  }
0x44: {  	_ =	shalt  }
0x45: {  	_ =	shalt  }
0x46: {  	_ =	shalt  }
0x47: {  	_ =	shalt  }
0x48: {  	_ =	shalt  }
0x49: {  	_ =	shalt  }
0x4a: {  	_ =	shalt  }
0x4b: {  	_ =	shalt  }
0x4c: {  	_ =	shalt  }
0x4d: {  	_ =	shalt  }
0x4e: {  	_ =	shalt  }
0x4f: {  	_ =	shalt  }
0x50: {  	_ =	shalt  }
0x51: {  	_ =	shalt  }
0x52: {  	_ =	shalt  }
0x53: {  	_ =	shalt  }
0x54: {  	_ =	shalt  }
0x55: {  	_ =	shalt  }
0x56: {  	_ =	shalt  }
0x57: {  	_ =	shalt  }
0x58: {  	_ =	shalt  }
0x59: {  	_ =	shalt  }
0x5a: {  	_ =	shalt  }
0x5b: {  	_ =	shalt  }
0x5c: {  	_ =	shalt  }
0x5d: {  	_ =	shalt  }
0x5e: {  	_ =	shalt  }
0x5f: {  	_ =	shalt  }
0x60: {  	_ =	shalt  }
0x61: {  	_ =	shalt  }
0x62: {  	_ =	shalt  }
0x63: {  	_ =	shalt  }
0x64: {  	_ =	shalt  }
0x65: {  	_ =	shalt  }
0x66: {  	_ =	shalt  }
0x67: {  	_ =	shalt  }
0x68: {  	_ =	shalt  }
0x69: {  	_ =	shalt  }
0x6a: {  	_ =	shalt  }
0x6b: {  	_ =	shalt  }
0x6c: {  	_ =	shalt  }
0x6d: {  	_ =	shalt  }
0x6e: {  	_ =	shalt  }
0x6f: {  	_ =	shalt  }
0x70: {  	_ =	shalt  }
0x71: {  	_ =	shalt  }
0x72: {  	_ =	shalt  }
0x73: {  	_ =	shalt  }
0x74: {  	_ =	shalt  }
0x75: {  	_ =	shalt  }
0x76: {  	_ =	shalt  }
0x77: {  	_ =	shalt  }
0x78: {  	_ =	shalt  }
0x79: {  	_ =	shalt  }
0x7a: {  	_ =	shalt  }
0x7b: {  	_ =	shalt  }
0x7c: {  	_ =	shalt  }
0x7d: {  	_ =	shalt  }
0x7e: {  	_ =	shalt  }
0x7f: {  	_ =	shalt  }
0x80: {  	_ =	shalt  }
0x81: {  	_ =	shalt  }
0x82: {  	_ =	shalt  }
0x83: {  	_ =	shalt  }
0x84: {  	_ =	shalt  }
0x85: {  	_ =	shalt  }
0x86: {  	_ =	shalt  }
0x87: {  	_ =	shalt  }
.Lfunc_end0:
.L_simem_size_0:
called_computation_lowered:
.L_overlay_start_0:
0x88: {  	s2 =	sld [smem:$0x3FD9]  }
0x89: {  	s3 =	sld [smem:$0x3FFE];
	_ =	sdelay $0x1  }
0x8a: {  	s1 =	srdreg.scid  }
0x8b: {  	s0 =	sand.u32 $0x1, s1  }
0x8c: {  	s17 =	sshll.u32 s0, $0xA;
	s2 =	sadd.s32 s3, s2  }
0x8d: {  	s2 =	sadd.s32 s2, s17  }
0x8e: {  	[smem:$0x3FC6] =	sst s2  }
0x8f: {  	_ = 	snop  }
0x90: {  	s2 =	sld [smem:$0x3FD0];
	(tm) =	ssettm $0x1  }
0x91: {  	s18 =	sld [smem:$0x3FFB];
	_ =	sdelay $0x3  }
0x92: {  	_ =	strace s18  }
0x93: {  	s3 =	sld [smem:$0x3FFC];
	_ =	sdelay $0x3  }
0x94: {  	_ =	strace s3  }
0x95: {  	s3 =	sld [smem:$0x3FFD];
	_ =	sdelay $0x3  }
0x96: {  	_ =	strace s3  }
0x97: {  	_ =	strace $0x8FFFFFFF  }
0x98: {  	s19 =	sld [smem:$0x3FDB];
	_ =	sdelay $0x1  }
0x99: {  	s4 =	simm.s32 $_scs_section_size  }
0x9a: {  	s5 =	simm.s32 $_size__tile_overlayer_lowered;
	s6 =	simm.s32 $_tile_overlayer_lowered  }
0x9b: {  	s22 =	simm.s32 $0x1BFF;
	s21 =	sshll.u32 s6, $0x1;
	s3 =	sadd.s32 s4, s19  }
0x9c: {  	s7 =	simm.s32 $0x0;
	s20 =	sshll.u32 s5, $0x1;
	s5 =	sadd.s32 s21, s3  }
0x9d: {  	[timem:s7], [sflag:s22] =	dma.local [hbm:s5], s20  }
0x9e: {  	_ =	swait.ge [sflag:s22], s20  }
0x9f: {  	s4 =	ssub.s32 $0x0, s20;
	[sflag:s22] =	ssyncset.done $0x0  }
0xa0: {  	[sflag:s22] =	ssyncadd.s32 s4;
	_ =	sdelay $0x1  }
0xa1: {  	s23 =	simm.s32 $0x1B8B  }
0xa2: {  	_ =	swait.ge [sflag:s23], $0x1  }
0xa3: {  	[sflag:s23] =	ssyncset.done $0x0  }
0xa4: {  	s25 =	simm.s32 $0x1B8E;
	s24 =	sld [smem:$0x3FFE];
	[sflag:s23] =	ssyncadd.s32 $0xFFFFFFFF  }
0xa5: {  	s26 =	simm.s32 $execute0_lowered;
	[smem:$0x3FD2] =	sst s25  }
0xa6: {  	s5 =	sshll.u32 s26, $0x1;
	_ =	strace $0x80000046;
	[dreg:$0x1] =	wrdreg $0xFFFFFFFF  }
0xa7: {  	s28 =	simm.s32 $_size_execute0_lowered;
	s3 =	sadd.s32 s3, s5;
	[dreg:$0x0] =	wrdreg $0x0  }
0xa8: {  	s5 =	sshll.u32 s28, $0x1;
	[dreg:$0x2] =	wrdreg s3  }
0xa9: {  	[dreg:$0x3] =	wrdreg s5  }
0xaa: {  	[dreg:$0x4] =	wrdreg $0xC0  }
0xab: {  	_ =	task [dreg:s7], $0x5FFFF  }
0xac: {  	[dreg:$0x1] =	wrdreg $0xFFFFFFFF  }
0xad: {  	[dreg:$0x0] =	wrdreg $0x60  }
0xae: {  	[dreg:$0x2] =	wrdreg s2  }
0xaf: {  	[dreg:$0x3] =	wrdreg s24  }
0xb0: {  	[dreg:$0x4] =	wrdreg $0x9  }
0xb1: {  	_ =	task.clear_ibuf [dreg:s7], $0x5FFFF;
	_ =	strace $0x90000046  }
0xb2: {  	s29 =	simm.s32 $0x9;
	_ =	strace $0x80000048  }
0xb3: {  	_ =	swait.ge [sflag:s29], $0x1  }
0xb4: {  	[sflag:s29] =	ssyncadd.s32 $0xFFFFFFFF  }
0xb5: {  	_ =	strace $0x90000048  }
0xb6: {  	_ =	sfence  }
0xb7: {  	s30 =	sld [smem:$0x0];
	_ =	sdelay $0x2  }
0xb8: {  	s31 =	sshll.u32 s1, $0xD;
	s1 =	sshrl.u32 s1, $0x2  }
0xb9: {  	s3 =	sand.u32 $0x4000, s31;
	s1 =	sadd.s32 s1, s30  }
0xba: {  	s0 =	sor.u32 s3, s0;
	s1 =	sshll.u32 s1, $0x11  }
0xbb: {  	s0 =	sor.u32 s1, s0  }
0xbc: {  	s0 =	sadd.s32 $0x8F2B, s0  }
0xbd: {  	[sflag:s0] =	ssyncadd.remote.s32 $0x1  }
0xbe: {  	_ =	sfence.sel $0xFFFF  }
0xbf: {  	[dreg:$0x0] =	wrdreg $0xFFFFFFFF;
	(pc) =	sbr.abs _section_cstart, $3  }
0xc0: {  	[dreg:$0x1] =	wrdreg $0xFFFFFFFF  }
0xc1: {  	_ =	task.clear_ibuf [dreg:s7], $0x2FFFF;
	_ =	strace $0x9FFFFFFF  }
0xc2: {  	(tm) =	ssettm $0x7FFFFFFF  }
0xc3: {  	_ =	shalt  }
tec
execute0_lowered:
.L_overlay_start_1:
0x0: {  	(tag) =	ssettag $0x1  }
0x1: {  	s5 =	rddreg [dreg:$0x0]  }
0x2: {  	s4 =	rddreg [dreg:$0x1];
	s3 =	srdreg.scid  }
0x3: {  	s0 =	rddreg [dreg:$0x2];
	s1 =	stileid.u32;
	s6 =	sand.u32 $0x1, s3  }
0x4: {  	s20 =	sadd.s32 $0xF42800, s4;
	s7 =	sshll.u32 s1, $0xE;
	s8 =	sshll.u32 s6, $0xD  }
0x5: {  	s2 =	simm.s32 $0x0;
	s9 =	sadd.s32 s7, s20;
	s7 =	sor.u32 s7, s8  }
0x6: {  	[smem:$0x7FF] =	sst s2;
	s8 =	sadd.s32 s8, s9;
	s3 =	sadd.s32 s7, s20  }
0x7: {  	_ =	strace $0x80000047;
	[dreg:$0x3] =	wrdreg s8;
	s7 =	sadd.s32 $0x3E0, s3  }
0x8: {  	s21 =	sadd.s32 $0x3C0, s3;
	[dreg:$0x4] =	wrdreg s7  }
0x9: {  	s22 =	sadd.s32 $0x3A0, s3;
	[dreg:$0x5] =	wrdreg s21  }
0xa: {  	s23 =	sadd.s32 $0x380, s3;
	[dreg:$0x6] =	wrdreg s22  }
0xb: {  	s24 =	sadd.s32 $0x360, s3;
	[dreg:$0x7] =	wrdreg s23  }
0xc: {  	s25 =	sadd.s32 $0x340, s3;
	[dreg:$0x8] =	wrdreg s24  }
0xd: {  	s26 =	sadd.s32 $0x320, s3;
	[dreg:$0x9] =	wrdreg s25  }
0xe: {  	s28 =	sadd.s32 $0x300, s3;
	[dreg:$0xa] =	wrdreg s26  }
0xf: {  	s29 =	sadd.s32 $0x2E0, s3;
	[dreg:$0xb] =	wrdreg s28  }
0x10: {  	s30 =	sadd.s32 $0x2C0, s3;
	[dreg:$0xc] =	wrdreg s29  }
0x11: {  	s31 =	sadd.s32 $0x2A0, s3;
	[dreg:$0xd] =	wrdreg s30  }
0x12: {  	s8 =	sadd.s32 $0x280, s3;
	[dreg:$0xe] =	wrdreg s31  }
0x13: {  	s9 =	sadd.s32 $0x260, s3;
	[dreg:$0xf] =	wrdreg s8  }
0x14: {  	s10 =	sadd.s32 $0x240, s3;
	[dreg:$0x10] =	wrdreg s9  }
0x15: {  	s11 =	sadd.s32 $0x220, s3;
	[dreg:$0x11] =	wrdreg s10  }
0x16: {  	s12 =	sadd.s32 $0x200, s3;
	[dreg:$0x12] =	wrdreg s11  }
0x17: {  	s13 =	sadd.s32 $0x1E0, s3;
	[dreg:$0x13] =	wrdreg s12  }
0x18: {  	s14 =	sadd.s32 $0x1C0, s3;
	[dreg:$0x14] =	wrdreg s13  }
0x19: {  	s4 =	sadd.s32 $0x400, s4;
	s15 =	sadd.s32 $0x1A0, s3;
	[dreg:$0x15] =	wrdreg s14  }
0x1a: {  	s16 =	ssub.s32 $0x2, s6;
	s17 =	sadd.s32 $0x180, s3;
	[dreg:$0x16] =	wrdreg s15  }
0x1b: {  	s6 =	sshll.u32 s6, $0x7;
	s19 =	sadd.s32 $0x160, s3;
	[dreg:$0x17] =	wrdreg s17  }
0x1c: {  	s18 =	sshrl.u32 s16, $0x1;
	s20 =	sadd.s32 $0x140, s3;
	[dreg:$0x18] =	wrdreg s19  }
0x1d: {  	s8 =	ssub.s32 s16, s18;
	s21 =	sshll.u32 s1, $0xA;
	[dreg:$0x19] =	wrdreg s20  }
0x1e: {  	s22 =	sadd.s32 $0x120, s3;
	s10 =	sshll.u32 s1, $0x8;
	s23 =	sadd.s32 $0x100, s3  }
0x1f: {  	s24 =	sadd.s32 $0x20, s3;
	s25 =	sadd.s32 $0xE0, s3;
	[dreg:$0x1a] =	wrdreg s22  }
0x20: {  	s26 =	sadd.s32 $0xC0, s3;
	s28 =	sadd.s32 $0xA0, s3;
	[dreg:$0x1b] =	wrdreg s23  }
0x21: {  	s29 =	sadd.s32 $0x80, s3;
	s30 =	sadd.s32 $0x60, s3;
	[dreg:$0x1c] =	wrdreg s24  }
0x22: {  	s31 =	sadd.s32 $0x40, s3;
	s7 =	simm.s32 $0x80;
	[dreg:$0x1d] =	wrdreg s25  }
0x23: {  	s9 =	simm.s32 $0x5;
	s11 =	simm.s32 $0x2;
	[dreg:$0x1e] =	wrdreg s26  }
0x24: {  	s12 =	simm.s32 $0x3;
	s6 =	sor.u32 s6, s10;
	[dreg:$0x1f] =	wrdreg s28  }
0x25: {  	s13 =	simm.s32 $0x4;
	[smem:$0x7FB] =	sst s29;
	s6 =	sor.u32 s6, s21  }
0x26: {  	s14 =	simm.s32 $0x0;
	[smem:$0x7FC] =	sst s30;
	s6 =	sand.u32 $0x3380, s6  }
0x27: {  	[smem:$0x7FD] =	sst s31;
	s10 =	simm.s32 $0x1;
	s6 =	sshrl.u32 s6, $0x3  }
0x28: {  	s5 =	sadd.s32 s5, s6;
	s6 =	smax.u32 s8, $0x1;
	s8 =	simm.s32 $0x400  }
.LBB2_1:
0x29: {  	[tilespmem:s2], [sflag:$0x5] =	stream.strided.gather [hbm4b:s5+s7], $0x200, s8, s7, $0x38;
	[tilespmem:$0x200] =	vst v63  }
0x2a: {  	_ =	swait.ge [sflag:s9], $0x200  }
0x2b: {  	[sflag:s9] =	ssyncset.done $0x0  }
0x2c: {  	s15 =	simm.s32 $0x20;
	s16 =	simm.s32 $0x0;
	[sflag:s9] =	ssyncadd.s32 $0xFFFFFE00  }
.LBB2_2:
0x2d: {  	v0 =	vld [tilespmem:s15+$0xFFFFFFE0];
	_ =	sdelay $0x4  }
0x2e: {  	v0 =	vshll.u32 v0, $0x4  }
0x2f: {  	(v2sf) =	vpush v0, $0x0;
	_ =	sdelay $0xe  }
0x30: {  	s18 =	spop (v2sf)  }
0x31: {  	s17 =	rddreg [dreg:$0x3];
	s19 =	sand.u32 $0x1FFFFFF0, s18;
	s18 =	sshll.u32 s1, $0x6  }
0x32: {  	s17 =	sadd.s32 s16, s17;
	s20 =	sadd.s32 s4, s19;
	s23 =	sor.u32 $0x1C01, s18  }
0x33: {  	[hbm:s17], [sflag:s23] =	dma.local [hbm:s20], $0x10  }
0x34: {  	(v2sf) =	vpush v0, $0x1;
	_ =	sdelay $0xe  }
0x35: {  	s20 =	spop (v2sf)  }
0x36: {  	s17 =	sadd.s32 s16, s3;
	s20 =	sand.u32 $0x1FFFFFF0, s20  }
0x37: {  	s21 =	sadd.s32 $0x10, s17;
	s20 =	sadd.s32 s4, s20  }
0x38: {  	[hbm:s21], [sflag:s23] =	dma.local [hbm:s20], $0x10  }
0x39: {  	(v2sf) =	vpush v0, $0x2;
	_ =	sdelay $0xe  }
0x3a: {  	s21 =	spop (v2sf)  }
0x3b: {  	s20 =	rddreg [dreg:$0x1c];
	s21 =	sand.u32 $0x1FFFFFF0, s21  }
0x3c: {  	s20 =	sadd.s32 s16, s20;
	s21 =	sadd.s32 s4, s21  }
0x3d: {  	[hbm:s20], [sflag:s23] =	dma.local [hbm:s21], $0x10  }
0x3e: {  	(v2sf) =	vpush v0, $0x3;
	_ =	sdelay $0xe  }
0x3f: {  	s20 =	spop (v2sf)  }
0x40: {  	s20 =	sand.u32 $0x1FFFFFF0, s20  }
0x41: {  	s24 =	sadd.s32 $0x30, s17;
	s20 =	sadd.s32 s4, s20  }
0x42: {  	[hbm:s24], [sflag:s23] =	dma.local [hbm:s20], $0x10  }
0x43: {  	(v2sf) =	vpush v0, $0x4;
	_ =	sdelay $0xd  }
0x44: {  	s20 =	sld [smem:$0x7FD]  }
0x45: {  	s21 =	spop (v2sf)  }
0x46: {  	s21 =	sand.u32 $0x1FFFFFF0, s21  }
0x47: {  	s20 =	sadd.s32 s16, s20;
	s21 =	sadd.s32 s4, s21  }
0x48: {  	[hbm:s20], [sflag:s23] =	dma.local [hbm:s21], $0x10  }
0x49: {  	(v2sf) =	vpush v0, $0x5;
	_ =	sdelay $0xe  }
0x4a: {  	s20 =	spop (v2sf)  }
0x4b: {  	s20 =	sand.u32 $0x1FFFFFF0, s20  }
0x4c: {  	s25 =	sadd.s32 $0x50, s17;
	s20 =	sadd.s32 s4, s20  }
0x4d: {  	[hbm:s25], [sflag:s23] =	dma.local [hbm:s20], $0x10  }
0x4e: {  	(v2sf) =	vpush v0, $0x6;
	_ =	sdelay $0xd  }
0x4f: {  	s20 =	sld [smem:$0x7FC]  }
0x50: {  	s21 =	spop (v2sf)  }
0x51: {  	s21 =	sand.u32 $0x1FFFFFF0, s21  }
0x52: {  	s20 =	sadd.s32 s16, s20;
	s21 =	sadd.s32 s4, s21  }
0x53: {  	[hbm:s20], [sflag:s23] =	dma.local [hbm:s21], $0x10  }
0x54: {  	(v2sf) =	vpush v0, $0x7;
	_ =	sdelay $0xe  }
0x55: {  	s20 =	spop (v2sf)  }
0x56: {  	s20 =	sand.u32 $0x1FFFFFF0, s20  }
0x57: {  	s26 =	sadd.s32 $0x70, s17;
	s20 =	sadd.s32 s4, s20  }
0x58: {  	[hbm:s26], [sflag:s23] =	dma.local [hbm:s20], $0x10  }
0x59: {  	(v2sf) =	vpush v0, $0x8;
	_ =	sdelay $0xd  }
0x5a: {  	s20 =	sld [smem:$0x7FB]  }
0x5b: {  	s21 =	spop (v2sf)  }
0x5c: {  	s21 =	sand.u32 $0x1FFFFFF0, s21  }
0x5d: {  	s20 =	sadd.s32 s16, s20;
	s21 =	sadd.s32 s4, s21  }
0x5e: {  	[hbm:s20], [sflag:s23] =	dma.local [hbm:s21], $0x10  }
0x5f: {  	(v2sf) =	vpush v0, $0x9;
	_ =	sdelay $0xe  }
0x60: {  	s20 =	spop (v2sf)  }
0x61: {  	s20 =	sand.u32 $0x1FFFFFF0, s20  }
0x62: {  	s28 =	sadd.s32 $0x90, s17;
	s20 =	sadd.s32 s4, s20  }
0x63: {  	[hbm:s28], [sflag:s23] =	dma.local [hbm:s20], $0x10  }
0x64: {  	(v2sf) =	vpush v0, $0xA;
	_ =	sdelay $0xe  }
0x65: {  	s21 =	spop (v2sf)  }
0x66: {  	s20 =	rddreg [dreg:$0x1f];
	s21 =	sand.u32 $0x1FFFFFF0, s21  }
0x67: {  	s20 =	sadd.s32 s16, s20;
	s21 =	sadd.s32 s4, s21  }
0x68: {  	[hbm:s20], [sflag:s23] =	dma.local [hbm:s21], $0x10  }
0x69: {  	(v2sf) =	vpush v0, $0xB;
	_ =	sdelay $0xe  }
0x6a: {  	s20 =	spop (v2sf)  }
0x6b: {  	s20 =	sand.u32 $0x1FFFFFF0, s20  }
0x6c: {  	s29 =	sadd.s32 $0xB0, s17;
	s20 =	sadd.s32 s4, s20  }
0x6d: {  	[hbm:s29], [sflag:s23] =	dma.local [hbm:s20], $0x10  }
0x6e: {  	(v2sf) =	vpush v0, $0xC;
	_ =	sdelay $0xe  }
0x6f: {  	s21 =	spop (v2sf)  }
0x70: {  	s20 =	rddreg [dreg:$0x1e];
	s21 =	sand.u32 $0x1FFFFFF0, s21  }
0x71: {  	s20 =	sadd.s32 s16, s20;
	s21 =	sadd.s32 s4, s21  }
0x72: {  	[hbm:s20], [sflag:s23] =	dma.local [hbm:s21], $0x10  }
0x73: {  	(v2sf) =	vpush v0, $0xD;
	_ =	sdelay $0xe  }
0x74: {  	s20 =	spop (v2sf)  }
0x75: {  	s20 =	sand.u32 $0x1FFFFFF0, s20  }
0x76: {  	s30 =	sadd.s32 $0xD0, s17;
	s20 =	sadd.s32 s4, s20  }
0x77: {  	[hbm:s30], [sflag:s23] =	dma.local [hbm:s20], $0x10  }
0x78: {  	(v2sf) =	vpush v0, $0xE;
	_ =	sdelay $0xe  }
0x79: {  	s21 =	spop (v2sf)  }
0x7a: {  	s20 =	rddreg [dreg:$0x1d];
	s21 =	sand.u32 $0x1FFFFFF0, s21  }
0x7b: {  	s20 =	sadd.s32 s16, s20;
	s21 =	sadd.s32 s4, s21  }
0x7c: {  	[hbm:s20], [sflag:s23] =	dma.local [hbm:s21], $0x10  }
0x7d: {  	(v2sf) =	vpush v0, $0xF;
	_ =	sdelay $0xe  }
0x7e: {  	s20 =	spop (v2sf)  }
0x7f: {  	s20 =	sand.u32 $0x1FFFFFF0, s20  }
0x80: {  	s31 =	sadd.s32 $0xF0, s17;
	s20 =	sadd.s32 s4, s20  }
0x81: {  	[hbm:s31], [sflag:s23] =	dma.local [hbm:s20], $0x10  }
0x82: {  	v61 =	vld [tilespmem:s15+$0xFFFFFFF0];
	_ =	sdelay $0x4  }
0x83: {  	v0 =	vshll.u32 v61, $0x4  }
0x84: {  	(v2sf) =	vpush v0, $0x0;
	_ =	sdelay $0xe  }
0x85: {  	s20 =	spop (v2sf)  }
0x86: {  	s19 =	rddreg [dreg:$0x1b];
	s20 =	sand.u32 $0x1FFFFFF0, s20  }
0x87: {  	s23 =	sor.u32 $0x1C02, s18;
	s22 =	sadd.s32 s16, s19;
	s20 =	sadd.s32 s4, s20  }
0x88: {  	[hbm:s22], [sflag:s23] =	dma.local [hbm:s20], $0x10  }
0x89: {  	(v2sf) =	vpush v0, $0x1;
	_ =	sdelay $0xe  }
0x8a: {  	s20 =	spop (v2sf)  }
0x8b: {  	s20 =	sand.u32 $0x1FFFFFF0, s20  }
0x8c: {  	s24 =	sadd.s32 $0x110, s17;
	s20 =	sadd.s32 s4, s20  }
0x8d: {  	[hbm:s24], [sflag:s23] =	dma.local [hbm:s20], $0x10  }
0x8e: {  	(v2sf) =	vpush v0, $0x2;
	_ =	sdelay $0xe  }
0x8f: {  	s21 =	spop (v2sf)  }
0x90: {  	s20 =	rddreg [dreg:$0x1a];
	s21 =	sand.u32 $0x1FFFFFF0, s21  }
0x91: {  	s20 =	sadd.s32 s16, s20;
	s21 =	sadd.s32 s4, s21  }
0x92: {  	[hbm:s20], [sflag:s23] =	dma.local [hbm:s21], $0x10  }
0x93: {  	(v2sf) =	vpush v0, $0x3;
	_ =	sdelay $0xe  }
0x94: {  	s20 =	spop (v2sf)  }
0x95: {  	s20 =	sand.u32 $0x1FFFFFF0, s20  }
0x96: {  	s25 =	sadd.s32 $0x130, s17;
	s20 =	sadd.s32 s4, s20  }
0x97: {  	[hbm:s25], [sflag:s23] =	dma.local [hbm:s20], $0x10  }
0x98: {  	(v2sf) =	vpush v0, $0x4;
	_ =	sdelay $0xe  }
0x99: {  	s21 =	spop (v2sf)  }
0x9a: {  	s20 =	rddreg [dreg:$0x19];
	s21 =	sand.u32 $0x1FFFFFF0, s21  }
0x9b: {  	s20 =	sadd.s32 s16, s20;
	s21 =	sadd.s32 s4, s21  }
0x9c: {  	[hbm:s20], [sflag:s23] =	dma.local [hbm:s21], $0x10  }
0x9d: {  	(v2sf) =	vpush v0, $0x5;
	_ =	sdelay $0xe  }
0x9e: {  	s20 =	spop (v2sf)  }
0x9f: {  	s20 =	sand.u32 $0x1FFFFFF0, s20  }
0xa0: {  	s26 =	sadd.s32 $0x150, s17;
	s20 =	sadd.s32 s4, s20  }
0xa1: {  	[hbm:s26], [sflag:s23] =	dma.local [hbm:s20], $0x10  }
0xa2: {  	(v2sf) =	vpush v0, $0x6;
	_ =	sdelay $0xe  }
0xa3: {  	s21 =	spop (v2sf)  }
0xa4: {  	s20 =	rddreg [dreg:$0x18];
	s21 =	sand.u32 $0x1FFFFFF0, s21  }
0xa5: {  	s20 =	sadd.s32 s16, s20;
	s21 =	sadd.s32 s4, s21  }
0xa6: {  	[hbm:s20], [sflag:s23] =	dma.local [hbm:s21], $0x10  }
0xa7: {  	(v2sf) =	vpush v0, $0x7;
	_ =	sdelay $0xe  }
0xa8: {  	s20 =	spop (v2sf)  }
0xa9: {  	s20 =	sand.u32 $0x1FFFFFF0, s20  }
0xaa: {  	s28 =	sadd.s32 $0x170, s17;
	s20 =	sadd.s32 s4, s20  }
0xab: {  	[hbm:s28], [sflag:s23] =	dma.local [hbm:s20], $0x10  }
0xac: {  	(v2sf) =	vpush v0, $0x8;
	_ =	sdelay $0xe  }
0xad: {  	s21 =	spop (v2sf)  }
0xae: {  	s20 =	rddreg [dreg:$0x17];
	s21 =	sand.u32 $0x1FFFFFF0, s21  }
0xaf: {  	s20 =	sadd.s32 s16, s20;
	s21 =	sadd.s32 s4, s21  }
0xb0: {  	[hbm:s20], [sflag:s23] =	dma.local [hbm:s21], $0x10  }
0xb1: {  	(v2sf) =	vpush v0, $0x9;
	_ =	sdelay $0xe  }
0xb2: {  	s20 =	spop (v2sf)  }
0xb3: {  	s20 =	sand.u32 $0x1FFFFFF0, s20  }
0xb4: {  	s29 =	sadd.s32 $0x190, s17;
	s20 =	sadd.s32 s4, s20  }
0xb5: {  	[hbm:s29], [sflag:s23] =	dma.local [hbm:s20], $0x10  }
0xb6: {  	(v2sf) =	vpush v0, $0xA;
	_ =	sdelay $0xe  }
0xb7: {  	s21 =	spop (v2sf)  }
0xb8: {  	s20 =	rddreg [dreg:$0x16];
	s21 =	sand.u32 $0x1FFFFFF0, s21  }
0xb9: {  	s20 =	sadd.s32 s16, s20;
	s21 =	sadd.s32 s4, s21  }
0xba: {  	[hbm:s20], [sflag:s23] =	dma.local [hbm:s21], $0x10  }
0xbb: {  	(v2sf) =	vpush v0, $0xB;
	_ =	sdelay $0xe  }
0xbc: {  	s20 =	spop (v2sf)  }
0xbd: {  	s20 =	sand.u32 $0x1FFFFFF0, s20  }
0xbe: {  	s30 =	sadd.s32 $0x1B0, s17;
	s20 =	sadd.s32 s4, s20  }
0xbf: {  	[hbm:s30], [sflag:s23] =	dma.local [hbm:s20], $0x10  }
0xc0: {  	(v2sf) =	vpush v0, $0xC;
	_ =	sdelay $0xe  }
0xc1: {  	s21 =	spop (v2sf)  }
0xc2: {  	s20 =	rddreg [dreg:$0x15];
	s21 =	sand.u32 $0x1FFFFFF0, s21  }
0xc3: {  	s20 =	sadd.s32 s16, s20;
	s21 =	sadd.s32 s4, s21  }
0xc4: {  	[hbm:s20], [sflag:s23] =	dma.local [hbm:s21], $0x10  }
0xc5: {  	(v2sf) =	vpush v0, $0xD;
	_ =	sdelay $0xe  }
0xc6: {  	s20 =	spop (v2sf)  }
0xc7: {  	s20 =	sand.u32 $0x1FFFFFF0, s20  }
0xc8: {  	s31 =	sadd.s32 $0x1D0, s17;
	s20 =	sadd.s32 s4, s20  }
0xc9: {  	[hbm:s31], [sflag:s23] =	dma.local [hbm:s20], $0x10  }
0xca: {  	(v2sf) =	vpush v0, $0xE;
	_ =	sdelay $0xe  }
0xcb: {  	s21 =	spop (v2sf)  }
0xcc: {  	s20 =	rddreg [dreg:$0x14];
	s21 =	sand.u32 $0x1FFFFFF0, s21  }
0xcd: {  	s20 =	sadd.s32 s16, s20;
	s21 =	sadd.s32 s4, s21  }
0xce: {  	[hbm:s20], [sflag:s23] =	dma.local [hbm:s21], $0x10  }
0xcf: {  	(v2sf) =	vpush v0, $0xF;
	_ =	sdelay $0xe  }
0xd0: {  	s20 =	spop (v2sf)  }
0xd1: {  	s20 =	sand.u32 $0x1FFFFFF0, s20  }
0xd2: {  	s22 =	sadd.s32 $0x1F0, s17;
	s20 =	sadd.s32 s4, s20  }
0xd3: {  	[hbm:s22], [sflag:s23] =	dma.local [hbm:s20], $0x10  }
0xd4: {  	v62 =	vld [tilespmem:s15+$0x0];
	_ =	sdelay $0x4  }
0xd5: {  	v0 =	vshll.u32 v62, $0x4  }
0xd6: {  	(v2sf) =	vpush v0, $0x0;
	_ =	sdelay $0xe  }
0xd7: {  	s20 =	spop (v2sf)  }
0xd8: {  	s19 =	rddreg [dreg:$0x13];
	s20 =	sand.u32 $0x1FFFFFF0, s20  }
0xd9: {  	s24 =	sor.u32 $0x1C03, s18;
	s23 =	sadd.s32 s16, s19;
	s20 =	sadd.s32 s4, s20  }
0xda: {  	[hbm:s23], [sflag:s24] =	dma.local [hbm:s20], $0x10  }
0xdb: {  	(v2sf) =	vpush v0, $0x1;
	_ =	sdelay $0xe  }
0xdc: {  	s20 =	spop (v2sf)  }
0xdd: {  	s20 =	sand.u32 $0x1FFFFFF0, s20  }
0xde: {  	s25 =	sadd.s32 $0x210, s17;
	s20 =	sadd.s32 s4, s20  }
0xdf: {  	[hbm:s25], [sflag:s24] =	dma.local [hbm:s20], $0x10  }
0xe0: {  	(v2sf) =	vpush v0, $0x2;
	_ =	sdelay $0xe  }
0xe1: {  	s21 =	spop (v2sf)  }
0xe2: {  	s20 =	rddreg [dreg:$0x12];
	s21 =	sand.u32 $0x1FFFFFF0, s21  }
0xe3: {  	s20 =	sadd.s32 s16, s20;
	s21 =	sadd.s32 s4, s21  }
0xe4: {  	[hbm:s20], [sflag:s24] =	dma.local [hbm:s21], $0x10  }
0xe5: {  	(v2sf) =	vpush v0, $0x3;
	_ =	sdelay $0xe  }
0xe6: {  	s20 =	spop (v2sf)  }
0xe7: {  	s20 =	sand.u32 $0x1FFFFFF0, s20  }
0xe8: {  	s26 =	sadd.s32 $0x230, s17;
	s20 =	sadd.s32 s4, s20  }
0xe9: {  	[hbm:s26], [sflag:s24] =	dma.local [hbm:s20], $0x10  }
0xea: {  	(v2sf) =	vpush v0, $0x4;
	_ =	sdelay $0xe  }
0xeb: {  	s21 =	spop (v2sf)  }
0xec: {  	s20 =	rddreg [dreg:$0x11];
	s21 =	sand.u32 $0x1FFFFFF0, s21  }
0xed: {  	s20 =	sadd.s32 s16, s20;
	s21 =	sadd.s32 s4, s21  }
0xee: {  	[hbm:s20], [sflag:s24] =	dma.local [hbm:s21], $0x10  }
0xef: {  	(v2sf) =	vpush v0, $0x5;
	_ =	sdelay $0xe  }
0xf0: {  	s20 =	spop (v2sf)  }
0xf1: {  	s20 =	sand.u32 $0x1FFFFFF0, s20  }
0xf2: {  	s28 =	sadd.s32 $0x250, s17;
	s20 =	sadd.s32 s4, s20  }
0xf3: {  	[hbm:s28], [sflag:s24] =	dma.local [hbm:s20], $0x10  }
0xf4: {  	(v2sf) =	vpush v0, $0x6;
	_ =	sdelay $0xe  }
0xf5: {  	s21 =	spop (v2sf)  }
0xf6: {  	s20 =	rddreg [dreg:$0x10];
	s21 =	sand.u32 $0x1FFFFFF0, s21  }
0xf7: {  	s20 =	sadd.s32 s16, s20;
	s21 =	sadd.s32 s4, s21  }
0xf8: {  	[hbm:s20], [sflag:s24] =	dma.local [hbm:s21], $0x10  }
0xf9: {  	(v2sf) =	vpush v0, $0x7;
	_ =	sdelay $0xe  }
0xfa: {  	s20 =	spop (v2sf)  }
0xfb: {  	s20 =	sand.u32 $0x1FFFFFF0, s20  }
0xfc: {  	s29 =	sadd.s32 $0x270, s17;
	s20 =	sadd.s32 s4, s20  }
0xfd: {  	[hbm:s29], [sflag:s24] =	dma.local [hbm:s20], $0x10  }
0xfe: {  	(v2sf) =	vpush v0, $0x8;
	_ =	sdelay $0xe  }
0xff: {  	s21 =	spop (v2sf)  }
0x100: {  	s20 =	rddreg [dreg:$0xf];
	s21 =	sand.u32 $0x1FFFFFF0, s21  }
0x101: {  	s20 =	sadd.s32 s16, s20;
	s21 =	sadd.s32 s4, s21  }
0x102: {  	[hbm:s20], [sflag:s24] =	dma.local [hbm:s21], $0x10  }
0x103: {  	(v2sf) =	vpush v0, $0x9;
	_ =	sdelay $0xe  }
0x104: {  	s20 =	spop (v2sf)  }
0x105: {  	s20 =	sand.u32 $0x1FFFFFF0, s20  }
0x106: {  	s30 =	sadd.s32 $0x290, s17;
	s20 =	sadd.s32 s4, s20  }
0x107: {  	[hbm:s30], [sflag:s24] =	dma.local [hbm:s20], $0x10  }
0x108: {  	(v2sf) =	vpush v0, $0xA;
	_ =	sdelay $0xe  }
0x109: {  	s21 =	spop (v2sf)  }
0x10a: {  	s20 =	rddreg [dreg:$0xe];
	s21 =	sand.u32 $0x1FFFFFF0, s21  }
0x10b: {  	s20 =	sadd.s32 s16, s20;
	s21 =	sadd.s32 s4, s21  }
0x10c: {  	[hbm:s20], [sflag:s24] =	dma.local [hbm:s21], $0x10  }
0x10d: {  	(v2sf) =	vpush v0, $0xB;
	_ =	sdelay $0xe  }
0x10e: {  	s20 =	spop (v2sf)  }
0x10f: {  	s20 =	sand.u32 $0x1FFFFFF0, s20  }
0x110: {  	s31 =	sadd.s32 $0x2B0, s17;
	s20 =	sadd.s32 s4, s20  }
0x111: {  	[hbm:s31], [sflag:s24] =	dma.local [hbm:s20], $0x10  }
0x112: {  	(v2sf) =	vpush v0, $0xC;
	_ =	sdelay $0xe  }
0x113: {  	s21 =	spop (v2sf)  }
0x114: {  	s20 =	rddreg [dreg:$0xd];
	s21 =	sand.u32 $0x1FFFFFF0, s21  }
0x115: {  	s20 =	sadd.s32 s16, s20;
	s21 =	sadd.s32 s4, s21  }
0x116: {  	[hbm:s20], [sflag:s24] =	dma.local [hbm:s21], $0x10  }
0x117: {  	(v2sf) =	vpush v0, $0xD;
	_ =	sdelay $0xe  }
0x118: {  	s20 =	spop (v2sf)  }
0x119: {  	s20 =	sand.u32 $0x1FFFFFF0, s20  }
0x11a: {  	s22 =	sadd.s32 $0x2D0, s17;
	s20 =	sadd.s32 s4, s20  }
0x11b: {  	[hbm:s22], [sflag:s24] =	dma.local [hbm:s20], $0x10  }
0x11c: {  	(v2sf) =	vpush v0, $0xE;
	_ =	sdelay $0xe  }
0x11d: {  	s21 =	spop (v2sf)  }
0x11e: {  	s20 =	rddreg [dreg:$0xc];
	s21 =	sand.u32 $0x1FFFFFF0, s21  }
0x11f: {  	s20 =	sadd.s32 s16, s20;
	s21 =	sadd.s32 s4, s21  }
0x120: {  	[hbm:s20], [sflag:s24] =	dma.local [hbm:s21], $0x10  }
0x121: {  	(v2sf) =	vpush v0, $0xF;
	_ =	sdelay $0xe  }
0x122: {  	s20 =	spop (v2sf)  }
0x123: {  	s20 =	sand.u32 $0x1FFFFFF0, s20  }
0x124: {  	s23 =	sadd.s32 $0x2F0, s17;
	s20 =	sadd.s32 s4, s20  }
0x125: {  	[hbm:s23], [sflag:s24] =	dma.local [hbm:s20], $0x10  }
0x126: {  	v63 =	vld [tilespmem:s15+$0x10];
	_ =	sdelay $0x4  }
0x127: {  	v0 =	vshll.u32 v63, $0x4  }
0x128: {  	(v2sf) =	vpush v0, $0x0;
	_ =	sdelay $0xe  }
0x129: {  	s20 =	spop (v2sf)  }
0x12a: {  	s19 =	rddreg [dreg:$0xb];
	s20 =	sand.u32 $0x1FFFFFF0, s20  }
0x12b: {  	s18 =	sor.u32 $0x1C04, s18;
	s19 =	sadd.s32 s16, s19;
	s20 =	sadd.s32 s4, s20  }
0x12c: {  	[hbm:s19], [sflag:s18] =	dma.local [hbm:s20], $0x10  }
0x12d: {  	(v2sf) =	vpush v0, $0x1;
	_ =	sdelay $0xe  }
0x12e: {  	s19 =	spop (v2sf)  }
0x12f: {  	s19 =	sand.u32 $0x1FFFFFF0, s19  }
0x130: {  	s24 =	sadd.s32 $0x310, s17;
	s19 =	sadd.s32 s4, s19  }
0x131: {  	[hbm:s24], [sflag:s18] =	dma.local [hbm:s19], $0x10  }
0x132: {  	(v2sf) =	vpush v0, $0x2;
	_ =	sdelay $0xe  }
0x133: {  	s20 =	spop (v2sf)  }
0x134: {  	s19 =	rddreg [dreg:$0xa];
	s20 =	sand.u32 $0x1FFFFFF0, s20  }
0x135: {  	s19 =	sadd.s32 s16, s19;
	s20 =	sadd.s32 s4, s20  }
0x136: {  	[hbm:s19], [sflag:s18] =	dma.local [hbm:s20], $0x10  }
0x137: {  	(v2sf) =	vpush v0, $0x3;
	_ =	sdelay $0xe  }
0x138: {  	s19 =	spop (v2sf)  }
0x139: {  	s19 =	sand.u32 $0x1FFFFFF0, s19  }
0x13a: {  	s25 =	sadd.s32 $0x330, s17;
	s19 =	sadd.s32 s4, s19  }
0x13b: {  	[hbm:s25], [sflag:s18] =	dma.local [hbm:s19], $0x10  }
0x13c: {  	(v2sf) =	vpush v0, $0x4;
	_ =	sdelay $0xe  }
0x13d: {  	s20 =	spop (v2sf)  }
0x13e: {  	s19 =	rddreg [dreg:$0x9];
	s20 =	sand.u32 $0x1FFFFFF0, s20  }
0x13f: {  	s19 =	sadd.s32 s16, s19;
	s20 =	sadd.s32 s4, s20  }
0x140: {  	[hbm:s19], [sflag:s18] =	dma.local [hbm:s20], $0x10  }
0x141: {  	(v2sf) =	vpush v0, $0x5;
	_ =	sdelay $0xe  }
0x142: {  	s19 =	spop (v2sf)  }
0x143: {  	s19 =	sand.u32 $0x1FFFFFF0, s19  }
0x144: {  	s26 =	sadd.s32 $0x350, s17;
	s19 =	sadd.s32 s4, s19  }
0x145: {  	[hbm:s26], [sflag:s18] =	dma.local [hbm:s19], $0x10  }
0x146: {  	(v2sf) =	vpush v0, $0x6;
	_ =	sdelay $0xe  }
0x147: {  	s20 =	spop (v2sf)  }
0x148: {  	s19 =	rddreg [dreg:$0x8];
	s20 =	sand.u32 $0x1FFFFFF0, s20  }
0x149: {  	s19 =	sadd.s32 s16, s19;
	s20 =	sadd.s32 s4, s20  }
0x14a: {  	[hbm:s19], [sflag:s18] =	dma.local [hbm:s20], $0x10  }
0x14b: {  	(v2sf) =	vpush v0, $0x7;
	_ =	sdelay $0xe  }
0x14c: {  	s19 =	spop (v2sf)  }
0x14d: {  	s19 =	sand.u32 $0x1FFFFFF0, s19  }
0x14e: {  	s28 =	sadd.s32 $0x370, s17;
	s19 =	sadd.s32 s4, s19  }
0x14f: {  	[hbm:s28], [sflag:s18] =	dma.local [hbm:s19], $0x10  }
0x150: {  	(v2sf) =	vpush v0, $0x8;
	_ =	sdelay $0xe  }
0x151: {  	s20 =	spop (v2sf)  }
0x152: {  	s19 =	rddreg [dreg:$0x7];
	s20 =	sand.u32 $0x1FFFFFF0, s20  }
0x153: {  	s19 =	sadd.s32 s16, s19;
	s20 =	sadd.s32 s4, s20  }
0x154: {  	[hbm:s19], [sflag:s18] =	dma.local [hbm:s20], $0x10  }
0x155: {  	(v2sf) =	vpush v0, $0x9;
	_ =	sdelay $0xe  }
0x156: {  	s19 =	spop (v2sf)  }
0x157: {  	s19 =	sand.u32 $0x1FFFFFF0, s19  }
0x158: {  	s29 =	sadd.s32 $0x390, s17;
	s19 =	sadd.s32 s4, s19  }
0x159: {  	[hbm:s29], [sflag:s18] =	dma.local [hbm:s19], $0x10  }
0x15a: {  	(v2sf) =	vpush v0, $0xA;
	_ =	sdelay $0xe  }
0x15b: {  	s20 =	spop (v2sf)  }
0x15c: {  	s19 =	rddreg [dreg:$0x6];
	s20 =	sand.u32 $0x1FFFFFF0, s20  }
0x15d: {  	s19 =	sadd.s32 s16, s19;
	s20 =	sadd.s32 s4, s20  }
0x15e: {  	[hbm:s19], [sflag:s18] =	dma.local [hbm:s20], $0x10  }
0x15f: {  	(v2sf) =	vpush v0, $0xB;
	_ =	sdelay $0xe  }
0x160: {  	s19 =	spop (v2sf)  }
0x161: {  	s19 =	sand.u32 $0x1FFFFFF0, s19  }
0x162: {  	s30 =	sadd.s32 $0x3B0, s17;
	s19 =	sadd.s32 s4, s19  }
0x163: {  	[hbm:s30], [sflag:s18] =	dma.local [hbm:s19], $0x10  }
0x164: {  	(v2sf) =	vpush v0, $0xC;
	_ =	sdelay $0xe  }
0x165: {  	s20 =	spop (v2sf)  }
0x166: {  	s19 =	rddreg [dreg:$0x5];
	s20 =	sand.u32 $0x1FFFFFF0, s20  }
0x167: {  	s19 =	sadd.s32 s16, s19;
	s20 =	sadd.s32 s4, s20  }
0x168: {  	[hbm:s19], [sflag:s18] =	dma.local [hbm:s20], $0x10  }
0x169: {  	(v2sf) =	vpush v0, $0xD;
	_ =	sdelay $0xe  }
0x16a: {  	s19 =	spop (v2sf)  }
0x16b: {  	s19 =	sand.u32 $0x1FFFFFF0, s19  }
0x16c: {  	s31 =	sadd.s32 $0x3D0, s17;
	s19 =	sadd.s32 s4, s19  }
0x16d: {  	[hbm:s31], [sflag:s18] =	dma.local [hbm:s19], $0x10  }
0x16e: {  	(v2sf) =	vpush v0, $0xE;
	_ =	sdelay $0xe  }
0x16f: {  	s20 =	spop (v2sf)  }
0x170: {  	s19 =	rddreg [dreg:$0x4];
	s20 =	sand.u32 $0x1FFFFFF0, s20  }
0x171: {  	s19 =	sadd.s32 s16, s19;
	s20 =	sadd.s32 s4, s20  }
0x172: {  	[hbm:s19], [sflag:s18] =	dma.local [hbm:s20], $0x10  }
0x173: {  	(v2sf) =	vpush v0, $0xF;
	_ =	sdelay $0xe  }
0x174: {  	s19 =	spop (v2sf)  }
0x175: {  	s19 =	sand.u32 $0x1FFFFFF0, s19  }
0x176: {  	s17 =	sadd.s32 $0x3F0, s17;
	s19 =	sadd.s32 s4, s19  }
0x177: {  	[hbm:s17], [sflag:s18] =	dma.local [hbm:s19], $0x10  }
0x178: {  	_ =	swait.ge [sflag:s10], $0x10  }
0x179: {  	[sflag:s10] =	ssyncset.done $0x0  }
0x17a: {  	[sflag:s10] =	ssyncadd.s32 $0xFFFFFFF0  }
0x17b: {  	_ =	swait.ge [sflag:s10], $0x10  }
0x17c: {  	[sflag:s10] =	ssyncset.done $0x0  }
0x17d: {  	[sflag:s10] =	ssyncadd.s32 $0xFFFFFFF0  }
0x17e: {  	_ =	swait.ge [sflag:s10], $0x10  }
0x17f: {  	[sflag:s10] =	ssyncset.done $0x0  }
0x180: {  	[sflag:s10] =	ssyncadd.s32 $0xFFFFFFF0  }
0x181: {  	_ =	swait.ge [sflag:s10], $0x10  }
0x182: {  	[sflag:s10] =	ssyncset.done $0x0  }
0x183: {  	[sflag:s10] =	ssyncadd.s32 $0xFFFFFFF0  }
0x184: {  	_ =	swait.ge [sflag:s10], $0x10  }
0x185: {  	[sflag:s10] =	ssyncset.done $0x0  }
0x186: {  	[sflag:s10] =	ssyncadd.s32 $0xFFFFFFF0  }
0x187: {  	_ =	swait.ge [sflag:s10], $0x10  }
0x188: {  	[sflag:s10] =	ssyncset.done $0x0  }
0x189: {  	[sflag:s10] =	ssyncadd.s32 $0xFFFFFFF0  }
0x18a: {  	_ =	swait.ge [sflag:s10], $0x10  }
0x18b: {  	[sflag:s10] =	ssyncset.done $0x0  }
0x18c: {  	[sflag:s10] =	ssyncadd.s32 $0xFFFFFFF0  }
0x18d: {  	_ =	swait.ge [sflag:s10], $0x10  }
0x18e: {  	[sflag:s10] =	ssyncset.done $0x0  }
0x18f: {  	[sflag:s10] =	ssyncadd.s32 $0xFFFFFFF0  }
0x190: {  	_ =	swait.ge [sflag:s10], $0x10  }
0x191: {  	[sflag:s10] =	ssyncset.done $0x0  }
0x192: {  	[sflag:s10] =	ssyncadd.s32 $0xFFFFFFF0  }
0x193: {  	_ =	swait.ge [sflag:s10], $0x10  }
0x194: {  	[sflag:s10] =	ssyncset.done $0x0  }
0x195: {  	[sflag:s10] =	ssyncadd.s32 $0xFFFFFFF0  }
0x196: {  	_ =	swait.ge [sflag:s10], $0x10  }
0x197: {  	[sflag:s10] =	ssyncset.done $0x0  }
0x198: {  	[sflag:s10] =	ssyncadd.s32 $0xFFFFFFF0  }
0x199: {  	_ =	swait.ge [sflag:s10], $0x10  }
0x19a: {  	[sflag:s10] =	ssyncset.done $0x0  }
0x19b: {  	[sflag:s10] =	ssyncadd.s32 $0xFFFFFFF0  }
0x19c: {  	_ =	swait.ge [sflag:s10], $0x10  }
0x19d: {  	[sflag:s10] =	ssyncset.done $0x0  }
0x19e: {  	[sflag:s10] =	ssyncadd.s32 $0xFFFFFFF0  }
0x19f: {  	_ =	swait.ge [sflag:s10], $0x10  }
0x1a0: {  	[sflag:s10] =	ssyncset.done $0x0  }
0x1a1: {  	[sflag:s10] =	ssyncadd.s32 $0xFFFFFFF0  }
0x1a2: {  	_ =	swait.ge [sflag:s10], $0x10  }
0x1a3: {  	[sflag:s10] =	ssyncset.done $0x0  }
0x1a4: {  	[sflag:s10] =	ssyncadd.s32 $0xFFFFFFF0  }
0x1a5: {  	_ =	swait.ge [sflag:s10], $0x10  }
0x1a6: {  	[sflag:s10] =	ssyncset.done $0x0  }
0x1a7: {  	[sflag:s10] =	ssyncadd.s32 $0xFFFFFFF0  }
0x1a8: {  	_ =	swait.ge [sflag:s11], $0x10  }
0x1a9: {  	[sflag:s11] =	ssyncset.done $0x0  }
0x1aa: {  	[sflag:s11] =	ssyncadd.s32 $0xFFFFFFF0  }
0x1ab: {  	_ =	swait.ge [sflag:s11], $0x10  }
0x1ac: {  	[sflag:s11] =	ssyncset.done $0x0  }
0x1ad: {  	[sflag:s11] =	ssyncadd.s32 $0xFFFFFFF0  }
0x1ae: {  	_ =	swait.ge [sflag:s11], $0x10  }
0x1af: {  	[sflag:s11] =	ssyncset.done $0x0  }
0x1b0: {  	[sflag:s11] =	ssyncadd.s32 $0xFFFFFFF0  }
0x1b1: {  	_ =	swait.ge [sflag:s11], $0x10  }
0x1b2: {  	[sflag:s11] =	ssyncset.done $0x0  }
0x1b3: {  	[sflag:s11] =	ssyncadd.s32 $0xFFFFFFF0  }
0x1b4: {  	_ =	swait.ge [sflag:s11], $0x10  }
0x1b5: {  	[sflag:s11] =	ssyncset.done $0x0  }
0x1b6: {  	[sflag:s11] =	ssyncadd.s32 $0xFFFFFFF0  }
0x1b7: {  	_ =	swait.ge [sflag:s11], $0x10  }
0x1b8: {  	[sflag:s11] =	ssyncset.done $0x0  }
0x1b9: {  	[sflag:s11] =	ssyncadd.s32 $0xFFFFFFF0  }
0x1ba: {  	_ =	swait.ge [sflag:s11], $0x10  }
0x1bb: {  	[sflag:s11] =	ssyncset.done $0x0  }
0x1bc: {  	[sflag:s11] =	ssyncadd.s32 $0xFFFFFFF0  }
0x1bd: {  	_ =	swait.ge [sflag:s11], $0x10  }
0x1be: {  	[sflag:s11] =	ssyncset.done $0x0  }
0x1bf: {  	[sflag:s11] =	ssyncadd.s32 $0xFFFFFFF0  }
0x1c0: {  	_ =	swait.ge [sflag:s11], $0x10  }
0x1c1: {  	[sflag:s11] =	ssyncset.done $0x0  }
0x1c2: {  	[sflag:s11] =	ssyncadd.s32 $0xFFFFFFF0  }
0x1c3: {  	_ =	swait.ge [sflag:s11], $0x10  }
0x1c4: {  	[sflag:s11] =	ssyncset.done $0x0  }
0x1c5: {  	[sflag:s11] =	ssyncadd.s32 $0xFFFFFFF0  }
0x1c6: {  	_ =	swait.ge [sflag:s11], $0x10  }
0x1c7: {  	[sflag:s11] =	ssyncset.done $0x0  }
0x1c8: {  	[sflag:s11] =	ssyncadd.s32 $0xFFFFFFF0  }
0x1c9: {  	_ =	swait.ge [sflag:s11], $0x10  }
0x1ca: {  	[sflag:s11] =	ssyncset.done $0x0  }
0x1cb: {  	[sflag:s11] =	ssyncadd.s32 $0xFFFFFFF0  }
0x1cc: {  	_ =	swait.ge [sflag:s11], $0x10  }
0x1cd: {  	[sflag:s11] =	ssyncset.done $0x0  }
0x1ce: {  	[sflag:s11] =	ssyncadd.s32 $0xFFFFFFF0  }
0x1cf: {  	_ =	swait.ge [sflag:s11], $0x10  }
0x1d0: {  	[sflag:s11] =	ssyncset.done $0x0  }
0x1d1: {  	[sflag:s11] =	ssyncadd.s32 $0xFFFFFFF0  }
0x1d2: {  	_ =	swait.ge [sflag:s11], $0x10  }
0x1d3: {  	[sflag:s11] =	ssyncset.done $0x0  }
0x1d4: {  	[sflag:s11] =	ssyncadd.s32 $0xFFFFFFF0  }
0x1d5: {  	_ =	swait.ge [sflag:s11], $0x10  }
0x1d6: {  	[sflag:s11] =	ssyncset.done $0x0  }
0x1d7: {  	[sflag:s11] =	ssyncadd.s32 $0xFFFFFFF0  }
0x1d8: {  	_ =	swait.ge [sflag:s12], $0x10  }
0x1d9: {  	[sflag:s12] =	ssyncset.done $0x0  }
0x1da: {  	[sflag:s12] =	ssyncadd.s32 $0xFFFFFFF0  }
0x1db: {  	_ =	swait.ge [sflag:s12], $0x10  }
0x1dc: {  	[sflag:s12] =	ssyncset.done $0x0  }
0x1dd: {  	[sflag:s12] =	ssyncadd.s32 $0xFFFFFFF0  }
0x1de: {  	_ =	swait.ge [sflag:s12], $0x10  }
0x1df: {  	[sflag:s12] =	ssyncset.done $0x0  }
0x1e0: {  	[sflag:s12] =	ssyncadd.s32 $0xFFFFFFF0  }
0x1e1: {  	_ =	swait.ge [sflag:s12], $0x10  }
0x1e2: {  	[sflag:s12] =	ssyncset.done $0x0  }
0x1e3: {  	[sflag:s12] =	ssyncadd.s32 $0xFFFFFFF0  }
0x1e4: {  	_ =	swait.ge [sflag:s12], $0x10  }
0x1e5: {  	[sflag:s12] =	ssyncset.done $0x0  }
0x1e6: {  	[sflag:s12] =	ssyncadd.s32 $0xFFFFFFF0  }
0x1e7: {  	_ =	swait.ge [sflag:s12], $0x10  }
0x1e8: {  	[sflag:s12] =	ssyncset.done $0x0  }
0x1e9: {  	[sflag:s12] =	ssyncadd.s32 $0xFFFFFFF0  }
0x1ea: {  	_ =	swait.ge [sflag:s12], $0x10  }
0x1eb: {  	[sflag:s12] =	ssyncset.done $0x0  }
0x1ec: {  	[sflag:s12] =	ssyncadd.s32 $0xFFFFFFF0  }
0x1ed: {  	_ =	swait.ge [sflag:s12], $0x10  }
0x1ee: {  	[sflag:s12] =	ssyncset.done $0x0  }
0x1ef: {  	[sflag:s12] =	ssyncadd.s32 $0xFFFFFFF0  }
0x1f0: {  	_ =	swait.ge [sflag:s12], $0x10  }
0x1f1: {  	[sflag:s12] =	ssyncset.done $0x0  }
0x1f2: {  	[sflag:s12] =	ssyncadd.s32 $0xFFFFFFF0  }
0x1f3: {  	_ =	swait.ge [sflag:s12], $0x10  }
0x1f4: {  	[sflag:s12] =	ssyncset.done $0x0  }
0x1f5: {  	[sflag:s12] =	ssyncadd.s32 $0xFFFFFFF0  }
0x1f6: {  	_ =	swait.ge [sflag:s12], $0x10  }
0x1f7: {  	[sflag:s12] =	ssyncset.done $0x0  }
0x1f8: {  	[sflag:s12] =	ssyncadd.s32 $0xFFFFFFF0  }
0x1f9: {  	_ =	swait.ge [sflag:s12], $0x10  }
0x1fa: {  	[sflag:s12] =	ssyncset.done $0x0  }
0x1fb: {  	[sflag:s12] =	ssyncadd.s32 $0xFFFFFFF0  }
0x1fc: {  	_ =	swait.ge [sflag:s12], $0x10  }
0x1fd: {  	[sflag:s12] =	ssyncset.done $0x0  }
0x1fe: {  	[sflag:s12] =	ssyncadd.s32 $0xFFFFFFF0  }
0x1ff: {  	_ =	swait.ge [sflag:s12], $0x10  }
0x200: {  	[sflag:s12] =	ssyncset.done $0x0  }
0x201: {  	[sflag:s12] =	ssyncadd.s32 $0xFFFFFFF0  }
0x202: {  	_ =	swait.ge [sflag:s12], $0x10  }
0x203: {  	[sflag:s12] =	ssyncset.done $0x0  }
0x204: {  	[sflag:s12] =	ssyncadd.s32 $0xFFFFFFF0  }
0x205: {  	_ =	swait.ge [sflag:s12], $0x10  }
0x206: {  	[sflag:s12] =	ssyncset.done $0x0  }
0x207: {  	[sflag:s12] =	ssyncadd.s32 $0xFFFFFFF0  }
0x208: {  	_ =	swait.ge [sflag:s13], $0x10  }
0x209: {  	[sflag:s13] =	ssyncset.done $0x0  }
0x20a: {  	[sflag:s13] =	ssyncadd.s32 $0xFFFFFFF0  }
0x20b: {  	_ =	swait.ge [sflag:s13], $0x10  }
0x20c: {  	[sflag:s13] =	ssyncset.done $0x0  }
0x20d: {  	[sflag:s13] =	ssyncadd.s32 $0xFFFFFFF0  }
0x20e: {  	_ =	swait.ge [sflag:s13], $0x10  }
0x20f: {  	[sflag:s13] =	ssyncset.done $0x0  }
0x210: {  	[sflag:s13] =	ssyncadd.s32 $0xFFFFFFF0  }
0x211: {  	_ =	swait.ge [sflag:s13], $0x10  }
0x212: {  	[sflag:s13] =	ssyncset.done $0x0  }
0x213: {  	[sflag:s13] =	ssyncadd.s32 $0xFFFFFFF0  }
0x214: {  	_ =	swait.ge [sflag:s13], $0x10  }
0x215: {  	[sflag:s13] =	ssyncset.done $0x0  }
0x216: {  	[sflag:s13] =	ssyncadd.s32 $0xFFFFFFF0  }
0x217: {  	_ =	swait.ge [sflag:s13], $0x10  }
0x218: {  	[sflag:s13] =	ssyncset.done $0x0  }
0x219: {  	[sflag:s13] =	ssyncadd.s32 $0xFFFFFFF0  }
0x21a: {  	_ =	swait.ge [sflag:s13], $0x10  }
0x21b: {  	[sflag:s13] =	ssyncset.done $0x0  }
0x21c: {  	[sflag:s13] =	ssyncadd.s32 $0xFFFFFFF0  }
0x21d: {  	_ =	swait.ge [sflag:s13], $0x10  }
0x21e: {  	[sflag:s13] =	ssyncset.done $0x0  }
0x21f: {  	[sflag:s13] =	ssyncadd.s32 $0xFFFFFFF0  }
0x220: {  	_ =	swait.ge [sflag:s13], $0x10  }
0x221: {  	[sflag:s13] =	ssyncset.done $0x0  }
0x222: {  	[sflag:s13] =	ssyncadd.s32 $0xFFFFFFF0  }
0x223: {  	_ =	swait.ge [sflag:s13], $0x10  }
0x224: {  	[sflag:s13] =	ssyncset.done $0x0  }
0x225: {  	[sflag:s13] =	ssyncadd.s32 $0xFFFFFFF0  }
0x226: {  	_ =	swait.ge [sflag:s13], $0x10  }
0x227: {  	[sflag:s13] =	ssyncset.done $0x0  }
0x228: {  	[sflag:s13] =	ssyncadd.s32 $0xFFFFFFF0  }
0x229: {  	_ =	swait.ge [sflag:s13], $0x10  }
0x22a: {  	[sflag:s13] =	ssyncset.done $0x0  }
0x22b: {  	[sflag:s13] =	ssyncadd.s32 $0xFFFFFFF0  }
0x22c: {  	_ =	swait.ge [sflag:s13], $0x10  }
0x22d: {  	[sflag:s13] =	ssyncset.done $0x0  }
0x22e: {  	[sflag:s13] =	ssyncadd.s32 $0xFFFFFFF0  }
0x22f: {  	_ =	swait.ge [sflag:s13], $0x10  }
0x230: {  	[sflag:s13] =	ssyncset.done $0x0  }
0x231: {  	[sflag:s13] =	ssyncadd.s32 $0xFFFFFFF0  }
0x232: {  	p0 =	sne.s32 s16, $0x1C00;
	_ =	swait.ge [sflag:s13], $0x10  }
.Ltmp0:
0x233: {  	[sflag:s13] =	ssyncset.done $0x0;
	(pc) =	sbr.rel @p0 .LBB2_2-.Ltmp0, $4  }
0x234: {  	[sflag:s13] =	ssyncadd.s32 $0xFFFFFFF0  }
0x235: {  	_ =	swait.ge [sflag:s13], $0x10  }
0x236: {  	[sflag:s13] =	ssyncset.done $0x0  }
0x237: {  	s15 =	sadd.s32 $0x40, s15;
	s16 =	sadd.s32 $0x400, s16;
	[sflag:s13] =	ssyncadd.s32 $0xFFFFFFF0  }
0x238: {  	s14 =	sadd.s32 $0x1, s14  }
0x239: {  	p0 =	sne.s32 s14, s6  }
.Ltmp1:
0x23a: {  	_ = 	snop;
	(pc) =	sbr.rel @p0 .LBB2_1-.Ltmp1, $1  }
0x23b: {  	_ =	sdelay $0x3  }
0x23c: {  	_ =	sfence.sel $0x180000  }
0x23d: {  	[bflag:$0x0] =	sbarrier.arrive $0xFFFF  }
0x23e: {  	p0 =	sne.s32 s1, $0x0;
	_ =	strace $0x90000047  }
0x23f: {  	s0 =	sadd.s32 @!p0 $0x100000, s0;
	[bflag:$0x2] =	sbarrier.arrive $0xFFFF  }
0x240: {  	[sflag:s0] =	ssyncadd.tile.s32 @!p0 $0x1;
	_ =	shalt  }
.Lfunc_end2:
_tile_overlayer_lowered:
.L_overlay_start_2:
0x241: {  	(tag) =	ssettag $0x2  }
0x242: {  	s0 =	rddreg [dreg:$0x0];
	s2 =	stileid.u32  }
0x243: {  	s1 =	rddreg [dreg:$0x1];
	p0 =	sne.s32 s2, $0x0  }
0x244: {  	s3 =	rddreg [dreg:$0x2];
	[bflag:$0x3] =	sbarrier.arrive $0xFFFF;
	s2 =	simm.s32 @!p0 $0x1C05  }
0x245: {  	[timem:s3], [sflag:s2] =	dma.local @!p0 [hbm:s0], s1  }
0x246: {  	s0 =	simm.s32 @!p0 $0x5  }
0x247: {  	_ =	swait.ge @!p0 [sflag:s0], s1  }
0x248: {  	s1 =	ssub.s32 @!p0 $0x0, s1;
	[sflag:s0] =	ssyncset.done @!p0 $0x0  }
0x249: {  	[sflag:s0] =	ssyncadd.s32 @!p0 s1  }
0x24a: {  	[bflag:$0x3] =	sbarrier.arrive $0xFFFF  }
0x24b: {  	_ =	shalt  }

</sc_bundles>
